<compile_context>
chip_gen: v7x
topology: tpu7x:2x2x1
jax: 0.10.2.dev20260603
libtpu: 0.0.44.dev20260713+nightly
codegen_flags: <defaults>
</compile_context>

<pallas_src>
import functools

import jax
import jax.numpy as jnp
from jax import lax
from jax.experimental import pallas as pl
from jax.experimental.pallas import tpu as pltpu
from jax.experimental.pallas import tpu_sc as plsc

N = 10000
E = 320000
D = 128
NG = 64
NC = 2
NS = 16
NW = NC * NS
CHUNK = 64
EPW = 10240
EPW_REAL = E // NW
CB = 20
NSB = 8
E_PAD = NW * EPW
KBUF = 5
DUMMY = 240
ROWS_PAD = N + DUMMY
RPS = ROWS_PAD // NS


def _sc_segment_sum(h, src_r, dst_r, zeros_hbm):
    mesh = plsc.VectorSubcoreMesh(core_axis_name="c", subcore_axis_name="s")

    @functools.partial(
        pl.kernel,
        mesh=mesh,
        out_type=jax.ShapeDtypeStruct((NC, ROWS_PAD, D), jnp.float32),
        scratch_types=[
            pltpu.VMEM((CB, CHUNK), jnp.int32),
            pltpu.VMEM((CB, CHUNK), jnp.int32),
        ] + [pltpu.VMEM((CHUNK, D), jnp.float32) for _ in range(KBUF)]
        + [
            pltpu.VMEM_SHARED((ROWS_PAD, D), jnp.float32),
        ] + [pltpu.SemaphoreType.DMA] * (2 * KBUF),
    )
    def seg_sum(h_hbm, src_hbm, dst_hbm, z_hbm, out_hbm, src_v, dst_v, *rest):
        rows_v = rest[:KBUF]
        acc = rest[KBUF]
        sems = rest[KBUF + 1:]
        gsems, ssems = sems[:KBUF], sems[KBUF:]
        cid = lax.axis_index("c")
        sid = lax.axis_index("s")
        wid = cid * NS + sid
        pltpu.sync_copy(z_hbm, acc.at[pl.ds(sid * RPS, RPS)])
        plsc.subcore_barrier()

        @pl.loop(0, NSB)
        def _(s):
            pltpu.sync_copy(src_hbm.at[wid, s], src_v)
            pltpu.sync_copy(dst_hbm.at[wid, s], dst_v)

            @pl.loop(0, CB, step=KBUF)
            def _(j):
                gets = [pltpu.async_copy(h_hbm.at[src_v.at[j + b]],
                                         rows_v[b], gsems[b])
                        for b in range(KBUF)]
                puts = []
                for b in range(KBUF):
                    gets[b].wait()
                    puts.append(pltpu.async_copy(rows_v[b],
                                                 acc.at[dst_v.at[j + b]],
                                                 ssems[b], add=True))
                for p in puts:
                    p.wait()

        plsc.subcore_barrier()
        pltpu.sync_copy(acc.at[pl.ds(sid * RPS, RPS)],
                        out_hbm.at[cid, pl.ds(sid * RPS, RPS)])

    return seg_sum(h, src_r, dst_r, zeros_hbm)


_BR = 2000


def _layer_body(h_ref, p_ref, w_ref, b_ref, o_ref):
    z = h_ref[...] + p_ref[0] + p_ref[1]
    y = lax.dot_general(z, w_ref[...], (((1,), (1,)), ((), ())),
                        preferred_element_type=jnp.float32)
    o_ref[...] = jnp.maximum(y + b_ref[...], 0.0)


def _tc_layer(h, parts, W, b2):
    return pl.pallas_call(
        _layer_body,
        grid=(N // _BR,),
        in_specs=[
            pl.BlockSpec((_BR, D), lambda i: (i, 0)),
            pl.BlockSpec((NC, _BR, D), lambda i: (0, i, 0)),
            pl.BlockSpec((D, D), lambda i: (0, 0)),
            pl.BlockSpec((1, D), lambda i: (0, 0)),
        ],
        out_specs=pl.BlockSpec((_BR, D), lambda i: (i, 0)),
        out_shape=jax.ShapeDtypeStruct((N, D), jnp.float32),
    )(h, parts, W, b2)


def _pool_body(h_ref, batch_ref, w_ref, b_ref, o_ref):
    ids = lax.broadcasted_iota(jnp.int32, (NG, N), 0)
    mask = (ids == batch_ref[...]).astype(jnp.float32)
    sums = lax.dot_general(mask, h_ref[...], (((1,), (0,)), ((), ())),
                           preferred_element_type=jnp.float32)
    counts = jnp.sum(mask, axis=1, keepdims=True)
    pooled = sums / jnp.maximum(counts, 1.0)
    y = lax.dot_general(pooled, w_ref[...], (((1,), (1,)), ((), ())),
                        preferred_element_type=jnp.float32)
    o_ref[...] = y + b_ref[...]


def _tc_pool_fc(h, batch2, Wfc, bfc2):
    return pl.pallas_call(
        _pool_body,
        out_shape=jax.ShapeDtypeStruct((NG, D), jnp.float32),
    )(h, batch2, Wfc, bfc2)


def kernel(x, edge_index, batch, W1, b1, W2, b2, W3, b3, Wfc, bfc):
    src = edge_index[0].astype(jnp.int32).reshape(NW, 40, 250)
    dst = edge_index[1].astype(jnp.int32).reshape(NW, 40, 250)
    pad_src = jnp.zeros((NW, 40, 6), jnp.int32)
    s_ids = (jnp.arange(NW, dtype=jnp.int32) % NS)[:, None]
    pad_rows = N + 15 * s_ids + (jnp.arange(240, dtype=jnp.int32) % 15)[None]
    pad_dst = jnp.broadcast_to(pad_rows.reshape(NW, 40, 6), (NW, 40, 6))
    src_r = jnp.concatenate([src, pad_src], axis=2).reshape(NW, NSB, CB, CHUNK)
    dst_r = jnp.concatenate([dst, pad_dst], axis=2).reshape(NW, NSB, CB, CHUNK)
    zeros_hbm = jnp.zeros((RPS, D), jnp.float32)
    batch2 = batch.astype(jnp.int32).reshape(1, N)

    h = x
    for W, b in ((W1, b1), (W2, b2), (W3, b3)):
        parts = _sc_segment_sum(h, src_r, dst_r, zeros_hbm)
        h = _tc_layer(h, parts, W, b.reshape(1, D))
    return _tc_pool_fc(h, batch2, Wfc, bfc.reshape(1, D))

# --- scband reference (transcript-rebuilt; emitter-appended) ---
"""Pipeline reference for scband-gin-88656714925434 (READ-ONLY COPY).

The authoritative reference and input builder live on the scoring server;
editing this copy changes nothing except your own understanding.
"""

import jax, jax.numpy as jnp
import numpy as np

N_NODES = 10000
N_EDGES = 320000
D_IN = 128
D_HID = 128
D_OUT = 128
N_GRAPHS = 64


def setup_inputs(seed: int = 0) -> dict:
    key = jax.random.key(seed)
    ks = jax.random.split(key, 12)
    x = jax.random.normal(ks[0], (N_NODES, D_IN), dtype=jnp.float32)
    edge_index = jax.random.randint(ks[1], (2, N_EDGES), 0, N_NODES, dtype=jnp.int64)
    batch = jnp.sort(jax.random.randint(ks[2], (N_NODES,), 0, N_GRAPHS, dtype=jnp.int64))
    s = 1.0 / np.sqrt(D_IN)
    W1 = jax.random.uniform(ks[3], (D_HID, D_IN), jnp.float32, -s, s)
    b1 = jax.random.uniform(ks[4], (D_HID,), jnp.float32, -s, s)
    sh = 1.0 / np.sqrt(D_HID)
    W2 = jax.random.uniform(ks[5], (D_HID, D_HID), jnp.float32, -sh, sh)
    b2 = jax.random.uniform(ks[6], (D_HID,), jnp.float32, -sh, sh)
    W3 = jax.random.uniform(ks[7], (D_HID, D_HID), jnp.float32, -sh, sh)
    b3 = jax.random.uniform(ks[8], (D_HID,), jnp.float32, -sh, sh)
    Wfc = jax.random.uniform(ks[9], (D_OUT, D_HID), jnp.float32, -sh, sh)
    bfc = jax.random.uniform(ks[10], (D_OUT,), jnp.float32, -sh, sh)
    return {"x": x, "edge_index": edge_index, "batch": batch,
            "W1": W1, "b1": b1, "W2": W2, "b2": b2, "W3": W3, "b3": b3,
            "Wfc": Wfc, "bfc": bfc}


def reference(x, edge_index, batch, W1, b1, W2, b2, W3, b3, Wfc, bfc):
    src = edge_index[0]
    dst = edge_index[1]
    n = x.shape[0]

    def gin_conv(h, W, b):
        # GINConv with eps=0: MLP((1+eps)*h + sum_{j in N(i)} h_j)
        msgs = jnp.take(h, src, axis=0)
        agg = jax.ops.segment_sum(msgs, dst, num_segments=n)
        z = (1.0 + 0.0) * h + agg
        return z @ W.T + b

    h = jax.nn.relu(gin_conv(x, W1, b1))
    h = jax.nn.relu(gin_conv(h, W2, b2))
    h = jax.nn.relu(gin_conv(h, W3, b3))

    # global_mean_pool over graph segment ids
    sums = jax.ops.segment_sum(h, batch, num_segments=N_GRAPHS)
    counts = jax.ops.segment_sum(jnp.ones((n, 1), dtype=h.dtype), batch, num_segments=N_GRAPHS)
    pooled = sums / jnp.maximum(counts, 1.0)

    # dropout is identity in eval mode
    return pooled @ Wfc.T + bfc

if __name__ == "__main__":
    import jax
    _d = setup_inputs()
    print(jax.jit(kernel)(*tuple(_d.values())))

</pallas_src>

<mosaic_0001>
#map = affine_map<(d0, d1) -> (0, 0)>
#map1 = affine_map<(d0, d1) -> (0, 0, 0, 0)>
#map2 = affine_map<(d0, d1) -> (0, 0, 0)>
module attributes {stable_mosaic.version = 14 : i64} {
  func.func @seg_sum(%arg0: i32, %arg1: i32, %arg2: memref<10000x128xf32, #tpu.memory_space<hbm>>, %arg3: memref<32x8x20x64xi32, #tpu.memory_space<hbm>>, %arg4: memref<32x8x20x64xi32, #tpu.memory_space<hbm>>, %arg5: memref<640x128xf32, #tpu.memory_space<hbm>>, %arg6: memref<2x10240x128xf32, #tpu.memory_space<hbm>>, %arg7: memref<20x64xi32, #tpu.memory_space<vmem>>, %arg8: memref<20x64xi32, #tpu.memory_space<vmem>>, %arg9: memref<64x128xf32, #tpu.memory_space<vmem>>, %arg10: memref<64x128xf32, #tpu.memory_space<vmem>>, %arg11: memref<64x128xf32, #tpu.memory_space<vmem>>, %arg12: memref<64x128xf32, #tpu.memory_space<vmem>>, %arg13: memref<64x128xf32, #tpu.memory_space<vmem>>, %arg14: memref<10240x128xf32, #tpu.memory_space<vmem_shared>>, %arg15: memref<!tpu.dma_semaphore, #tpu.memory_space<semaphore_mem>>, %arg16: memref<!tpu.dma_semaphore, #tpu.memory_space<semaphore_mem>>, %arg17: memref<!tpu.dma_semaphore, #tpu.memory_space<semaphore_mem>>, %arg18: memref<!tpu.dma_semaphore, #tpu.memory_space<semaphore_mem>>, %arg19: memref<!tpu.dma_semaphore, #tpu.memory_space<semaphore_mem>>, %arg20: memref<!tpu.dma_semaphore, #tpu.memory_space<semaphore_mem>>, %arg21: memref<!tpu.dma_semaphore, #tpu.memory_space<semaphore_mem>>, %arg22: memref<!tpu.dma_semaphore, #tpu.memory_space<semaphore_mem>>, %arg23: memref<!tpu.dma_semaphore, #tpu.memory_space<semaphore_mem>>, %arg24: memref<!tpu.dma_semaphore, #tpu.memory_space<semaphore_mem>>) attributes {dimension_semantics = [#tpu.dimension_semantics<core_parallel>, #tpu.dimension_semantics<subcore_parallel>], iteration_bounds = array<i64: 2, 16>, scalar_prefetch = 0 : i64, scratch_operands = 18 : i64, tpu.core_type = #tpu.core_type<sc_vector_subcore>, window_params = [{transform_indices = #map}, {transform_indices = #map1}, {transform_indices = #map1}, {transform_indices = #map}, {transform_indices = #map2}]} {
    %mul3A = arith.constant 16 : i32
    %mul3A_0 = arith.muli %arg0, %mul3A : i32
    %add3A = arith.addi %mul3A_0, %arg1 : i32
    %mul3A_1 = arith.constant 640 : i32
    %mul3A_2 = arith.muli %arg1, %mul3A_1 : i32
    "tpu.region"() ({
      %run_scoped3A = tpu.sem_alloc : memref<!tpu.dma_semaphore, #tpu.memory_space<semaphore_mem>>
      %dma_start3A = arith.constant 0 : i32
      %dma_start3A_12 = tpu.memref_slice %arg14[%mul3A_2, %dma_start3A] : memref<10240x128xf32, #tpu.memory_space<vmem_shared>> -> memref<640x128xf32, #tpu.memory_space<vmem_shared>>
      tpu.enqueue_dma source(%arg5 : memref<640x128xf32, #tpu.memory_space<hbm>>) target(%dma_start3A_12 : memref<640x128xf32, #tpu.memory_space<vmem_shared>>) target_semaphore(%run_scoped3A : memref<!tpu.dma_semaphore, #tpu.memory_space<semaphore_mem>>)
      %dma_wait3A = arith.constant 0 : i32
      %dma_wait3A_13 = tpu.memref_slice %arg14[%mul3A_2, %dma_wait3A] : memref<10240x128xf32, #tpu.memory_space<vmem_shared>> -> memref<640x128xf32, #tpu.memory_space<vmem_shared>>
      tpu.wait_dma2 semaphore(%run_scoped3A : memref<!tpu.dma_semaphore, #tpu.memory_space<semaphore_mem>>) src(%arg5 : memref<640x128xf32, #tpu.memory_space<hbm>>) dst(%dma_wait3A_13 : memref<640x128xf32, #tpu.memory_space<vmem_shared>>)
      tpu.yield
    }) : () -> ()
    %barrier3A = arith.constant 0 : index
    tpu.barrier barrier_id(%barrier3A)
    %scan3A = arith.constant 0 : i32
    %scan3A_3 = arith.constant 8 : i32
    %scan3A_4 = arith.addi %scan3A, %scan3A_3 : i32
    %scan3A_5 = arith.constant 1 : i32
    scf.for %scan3A_12 = %scan3A to %scan3A_4 step %scan3A_5  : i32 {
      %mul3A_13 = arith.constant 1 : i32
      %mul3A_14 = arith.muli %scan3A_12, %mul3A_13 : i32
      %add3A_15 = arith.constant 0 : i32
      %add3A_16 = arith.addi %add3A_15, %mul3A_14 : i32
      "tpu.region"() ({
        %run_scoped3A = tpu.sem_alloc : memref<!tpu.dma_semaphore, #tpu.memory_space<semaphore_mem>>
        %dma_start3A = arith.constant 0 : i32
        %dma_start3A_22 = arith.constant 0 : i32
        %dma_start3A_23 = tpu.memref_slice %arg3[%add3A, %add3A_16, %dma_start3A, %dma_start3A_22] : memref<32x8x20x64xi32, #tpu.memory_space<hbm>> -> memref<1x1x20x64xi32, #tpu.memory_space<hbm>>
        %dma_start3A_24 = tpu.memref_squeeze %dma_start3A_23 : memref<1x1x20x64xi32, #tpu.memory_space<hbm>> -> memref<20x64xi32, #tpu.memory_space<hbm>>
        %dma_start3A_25 = arith.constant 0 : i32
        %dma_start3A_26 = arith.constant 0 : i32
        %dma_start3A_27 = tpu.memref_slice %arg3[%add3A, %add3A_16, %dma_start3A_25, %dma_start3A_26] : memref<32x8x20x64xi32, #tpu.memory_space<hbm>> -> memref<1x1x20x64xi32, #tpu.memory_space<hbm>>
        %dma_start3A_28 = tpu.memref_squeeze %dma_start3A_27 : memref<1x1x20x64xi32, #tpu.memory_space<hbm>> -> memref<20x64xi32, #tpu.memory_space<hbm>>
        tpu.enqueue_dma source(%dma_start3A_28 : memref<20x64xi32, #tpu.memory_space<hbm>>) target(%arg7 : memref<20x64xi32, #tpu.memory_space<vmem>>) target_semaphore(%run_scoped3A : memref<!tpu.dma_semaphore, #tpu.memory_space<semaphore_mem>>)
        %dma_wait3A = arith.constant 0 : i32
        %dma_wait3A_29 = arith.constant 0 : i32
        %dma_wait3A_30 = tpu.memref_slice %arg3[%add3A, %add3A_16, %dma_wait3A, %dma_wait3A_29] : memref<32x8x20x64xi32, #tpu.memory_space<hbm>> -> memref<1x1x20x64xi32, #tpu.memory_space<hbm>>
        %dma_wait3A_31 = tpu.memref_squeeze %dma_wait3A_30 : memref<1x1x20x64xi32, #tpu.memory_space<hbm>> -> memref<20x64xi32, #tpu.memory_space<hbm>>
        %dma_wait3A_32 = arith.constant 0 : i32
        %dma_wait3A_33 = arith.constant 0 : i32
        %dma_wait3A_34 = tpu.memref_slice %arg3[%add3A, %add3A_16, %dma_wait3A_32, %dma_wait3A_33] : memref<32x8x20x64xi32, #tpu.memory_space<hbm>> -> memref<1x1x20x64xi32, #tpu.memory_space<hbm>>
        %dma_wait3A_35 = tpu.memref_squeeze %dma_wait3A_34 : memref<1x1x20x64xi32, #tpu.memory_space<hbm>> -> memref<20x64xi32, #tpu.memory_space<hbm>>
        tpu.wait_dma2 semaphore(%run_scoped3A : memref<!tpu.dma_semaphore, #tpu.memory_space<semaphore_mem>>) src(%dma_wait3A_35 : memref<20x64xi32, #tpu.memory_space<hbm>>) dst(%arg7 : memref<20x64xi32, #tpu.memory_space<vmem>>)
        tpu.yield
      }) : () -> ()
      "tpu.region"() ({
        %run_scoped3A = tpu.sem_alloc : memref<!tpu.dma_semaphore, #tpu.memory_space<semaphore_mem>>
        %dma_start3A = arith.constant 0 : i32
        %dma_start3A_22 = arith.constant 0 : i32
        %dma_start3A_23 = tpu.memref_slice %arg4[%add3A, %add3A_16, %dma_start3A, %dma_start3A_22] : memref<32x8x20x64xi32, #tpu.memory_space<hbm>> -> memref<1x1x20x64xi32, #tpu.memory_space<hbm>>
        %dma_start3A_24 = tpu.memref_squeeze %dma_start3A_23 : memref<1x1x20x64xi32, #tpu.memory_space<hbm>> -> memref<20x64xi32, #tpu.memory_space<hbm>>
        %dma_start3A_25 = arith.constant 0 : i32
        %dma_start3A_26 = arith.constant 0 : i32
        %dma_start3A_27 = tpu.memref_slice %arg4[%add3A, %add3A_16, %dma_start3A_25, %dma_start3A_26] : memref<32x8x20x64xi32, #tpu.memory_space<hbm>> -> memref<1x1x20x64xi32, #tpu.memory_space<hbm>>
        %dma_start3A_28 = tpu.memref_squeeze %dma_start3A_27 : memref<1x1x20x64xi32, #tpu.memory_space<hbm>> -> memref<20x64xi32, #tpu.memory_space<hbm>>
        tpu.enqueue_dma source(%dma_start3A_28 : memref<20x64xi32, #tpu.memory_space<hbm>>) target(%arg8 : memref<20x64xi32, #tpu.memory_space<vmem>>) target_semaphore(%run_scoped3A : memref<!tpu.dma_semaphore, #tpu.memory_space<semaphore_mem>>)
        %dma_wait3A = arith.constant 0 : i32
        %dma_wait3A_29 = arith.constant 0 : i32
        %dma_wait3A_30 = tpu.memref_slice %arg4[%add3A, %add3A_16, %dma_wait3A, %dma_wait3A_29] : memref<32x8x20x64xi32, #tpu.memory_space<hbm>> -> memref<1x1x20x64xi32, #tpu.memory_space<hbm>>
        %dma_wait3A_31 = tpu.memref_squeeze %dma_wait3A_30 : memref<1x1x20x64xi32, #tpu.memory_space<hbm>> -> memref<20x64xi32, #tpu.memory_space<hbm>>
        %dma_wait3A_32 = arith.constant 0 : i32
        %dma_wait3A_33 = arith.constant 0 : i32
        %dma_wait3A_34 = tpu.memref_slice %arg4[%add3A, %add3A_16, %dma_wait3A_32, %dma_wait3A_33] : memref<32x8x20x64xi32, #tpu.memory_space<hbm>> -> memref<1x1x20x64xi32, #tpu.memory_space<hbm>>
        %dma_wait3A_35 = tpu.memref_squeeze %dma_wait3A_34 : memref<1x1x20x64xi32, #tpu.memory_space<hbm>> -> memref<20x64xi32, #tpu.memory_space<hbm>>
        tpu.wait_dma2 semaphore(%run_scoped3A : memref<!tpu.dma_semaphore, #tpu.memory_space<semaphore_mem>>) src(%dma_wait3A_35 : memref<20x64xi32, #tpu.memory_space<hbm>>) dst(%arg8 : memref<20x64xi32, #tpu.memory_space<vmem>>)
        tpu.yield
      }) : () -> ()
      %scan3A_17 = arith.constant 0 : i32
      %scan3A_18 = arith.constant 4 : i32
      %scan3A_19 = arith.addi %scan3A_17, %scan3A_18 : i32
      %scan3A_20 = arith.constant 1 : i32
      scf.for %scan3A_22 = %scan3A_17 to %scan3A_19 step %scan3A_20  : i32 {
        %mul3A_23 = arith.constant 5 : i32
        %mul3A_24 = arith.muli %scan3A_22, %mul3A_23 : i32
        %add3A_25 = arith.constant 0 : i32
        %add3A_26 = arith.addi %add3A_25, %mul3A_24 : i32
        %add3A_27 = arith.constant 0 : i32
        %add3A_28 = arith.addi %add3A_26, %add3A_27 : i32
        %dma_start3A = arith.constant 0 : i32
        %dma_start3A_29 = tpu.memref_slice %arg7[%add3A_28, %dma_start3A] : memref<20x64xi32, #tpu.memory_space<vmem>> -> memref<1x64xi32, #tpu.memory_space<vmem>>
        %dma_start3A_30 = tpu.memref_squeeze %dma_start3A_29 : memref<1x64xi32, #tpu.memory_space<vmem>> -> memref<64xi32, #tpu.memory_space<vmem>>
        %dma_start3A_31 = arith.constant 0 : i32
        %dma_start3A_32 = arith.constant 0 : i32
        %dma_start3A_33 = tpu.memref_slice %arg2[%dma_start3A_31, %dma_start3A_32] : memref<10000x128xf32, #tpu.memory_space<hbm>> -> memref<10000x128xf32, #tpu.memory_space<hbm>>
        tpu.enqueue_indirect_dma source(%dma_start3A_33 : memref<10000x128xf32, #tpu.memory_space<hbm>>) target(%arg9 : memref<64x128xf32, #tpu.memory_space<vmem>>) offsets(%dma_start3A_30 : memref<64xi32, #tpu.memory_space<vmem>>) semaphore(%arg15 : memref<!tpu.dma_semaphore, #tpu.memory_space<semaphore_mem>>)
        %add3A_34 = arith.constant 1 : i32
        %add3A_35 = arith.addi %add3A_26, %add3A_34 : i32
        %dma_start3A_36 = arith.constant 0 : i32
        %dma_start3A_37 = tpu.memref_slice %arg7[%add3A_35, %dma_start3A_36] : memref<20x64xi32, #tpu.memory_space<vmem>> -> memref<1x64xi32, #tpu.memory_space<vmem>>
        %dma_start3A_38 = tpu.memref_squeeze %dma_start3A_37 : memref<1x64xi32, #tpu.memory_space<vmem>> -> memref<64xi32, #tpu.memory_space<vmem>>
        %dma_start3A_39 = arith.constant 0 : i32
        %dma_start3A_40 = arith.constant 0 : i32
        %dma_start3A_41 = tpu.memref_slice %arg2[%dma_start3A_39, %dma_start3A_40] : memref<10000x128xf32, #tpu.memory_space<hbm>> -> memref<10000x128xf32, #tpu.memory_space<hbm>>
        tpu.enqueue_indirect_dma source(%dma_start3A_41 : memref<10000x128xf32, #tpu.memory_space<hbm>>) target(%arg10 : memref<64x128xf32, #tpu.memory_space<vmem>>) offsets(%dma_start3A_38 : memref<64xi32, #tpu.memory_space<vmem>>) semaphore(%arg16 : memref<!tpu.dma_semaphore, #tpu.memory_space<semaphore_mem>>)
        %add3A_42 = arith.constant 2 : i32
        %add3A_43 = arith.addi %add3A_26, %add3A_42 : i32
        %dma_start3A_44 = arith.constant 0 : i32
        %dma_start3A_45 = tpu.memref_slice %arg7[%add3A_43, %dma_start3A_44] : memref<20x64xi32, #tpu.memory_space<vmem>> -> memref<1x64xi32, #tpu.memory_space<vmem>>
        %dma_start3A_46 = tpu.memref_squeeze %dma_start3A_45 : memref<1x64xi32, #tpu.memory_space<vmem>> -> memref<64xi32, #tpu.memory_space<vmem>>
        %dma_start3A_47 = arith.constant 0 : i32
        %dma_start3A_48 = arith.constant 0 : i32
        %dma_start3A_49 = tpu.memref_slice %arg2[%dma_start3A_47, %dma_start3A_48] : memref<10000x128xf32, #tpu.memory_space<hbm>> -> memref<10000x128xf32, #tpu.memory_space<hbm>>
        tpu.enqueue_indirect_dma source(%dma_start3A_49 : memref<10000x128xf32, #tpu.memory_space<hbm>>) target(%arg11 : memref<64x128xf32, #tpu.memory_space<vmem>>) offsets(%dma_start3A_46 : memref<64xi32, #tpu.memory_space<vmem>>) semaphore(%arg17 : memref<!tpu.dma_semaphore, #tpu.memory_space<semaphore_mem>>)
        %add3A_50 = arith.constant 3 : i32
        %add3A_51 = arith.addi %add3A_26, %add3A_50 : i32
        %dma_start3A_52 = arith.constant 0 : i32
        %dma_start3A_53 = tpu.memref_slice %arg7[%add3A_51, %dma_start3A_52] : memref<20x64xi32, #tpu.memory_space<vmem>> -> memref<1x64xi32, #tpu.memory_space<vmem>>
        %dma_start3A_54 = tpu.memref_squeeze %dma_start3A_53 : memref<1x64xi32, #tpu.memory_space<vmem>> -> memref<64xi32, #tpu.memory_space<vmem>>
        %dma_start3A_55 = arith.constant 0 : i32
        %dma_start3A_56 = arith.constant 0 : i32
        %dma_start3A_57 = tpu.memref_slice %arg2[%dma_start3A_55, %dma_start3A_56] : memref<10000x128xf32, #tpu.memory_space<hbm>> -> memref<10000x128xf32, #tpu.memory_space<hbm>>
        tpu.enqueue_indirect_dma source(%dma_start3A_57 : memref<10000x128xf32, #tpu.memory_space<hbm>>) target(%arg12 : memref<64x128xf32, #tpu.memory_space<vmem>>) offsets(%dma_start3A_54 : memref<64xi32, #tpu.memory_space<vmem>>) semaphore(%arg18 : memref<!tpu.dma_semaphore, #tpu.memory_space<semaphore_mem>>)
        %add3A_58 = arith.constant 4 : i32
        %add3A_59 = arith.addi %add3A_26, %add3A_58 : i32
        %dma_start3A_60 = arith.constant 0 : i32
        %dma_start3A_61 = tpu.memref_slice %arg7[%add3A_59, %dma_start3A_60] : memref<20x64xi32, #tpu.memory_space<vmem>> -> memref<1x64xi32, #tpu.memory_space<vmem>>
        %dma_start3A_62 = tpu.memref_squeeze %dma_start3A_61 : memref<1x64xi32, #tpu.memory_space<vmem>> -> memref<64xi32, #tpu.memory_space<vmem>>
        %dma_start3A_63 = arith.constant 0 : i32
        %dma_start3A_64 = arith.constant 0 : i32
        %dma_start3A_65 = tpu.memref_slice %arg2[%dma_start3A_63, %dma_start3A_64] : memref<10000x128xf32, #tpu.memory_space<hbm>> -> memref<10000x128xf32, #tpu.memory_space<hbm>>
        tpu.enqueue_indirect_dma source(%dma_start3A_65 : memref<10000x128xf32, #tpu.memory_space<hbm>>) target(%arg13 : memref<64x128xf32, #tpu.memory_space<vmem>>) offsets(%dma_start3A_62 : memref<64xi32, #tpu.memory_space<vmem>>) semaphore(%arg19 : memref<!tpu.dma_semaphore, #tpu.memory_space<semaphore_mem>>)
        %dma_wait3A = arith.constant 0 : i32
        %dma_wait3A_66 = tpu.memref_slice %arg7[%add3A_28, %dma_wait3A] : memref<20x64xi32, #tpu.memory_space<vmem>> -> memref<1x64xi32, #tpu.memory_space<vmem>>
        %dma_wait3A_67 = tpu.memref_squeeze %dma_wait3A_66 : memref<1x64xi32, #tpu.memory_space<vmem>> -> memref<64xi32, #tpu.memory_space<vmem>>
        %dma_wait3A_68 = arith.constant 0 : i32
        %dma_wait3A_69 = arith.constant 0 : i32
        %dma_wait3A_70 = tpu.memref_slice %arg2[%dma_wait3A_68, %dma_wait3A_69] : memref<10000x128xf32, #tpu.memory_space<hbm>> -> memref<10000x128xf32, #tpu.memory_space<hbm>>
        tpu.wait_indirect_dma semaphore(%arg15 : memref<!tpu.dma_semaphore, #tpu.memory_space<semaphore_mem>>) src(%dma_wait3A_70 : memref<10000x128xf32, #tpu.memory_space<hbm>>) dst(%arg9 : memref<64x128xf32, #tpu.memory_space<vmem>>)
        %add3A_71 = arith.constant 0 : i32
        %add3A_72 = arith.addi %add3A_26, %add3A_71 : i32
        %dma_start3A_73 = arith.constant 0 : i32
        %dma_start3A_74 = tpu.memref_slice %arg8[%add3A_72, %dma_start3A_73] : memref<20x64xi32, #tpu.memory_space<vmem>> -> memref<1x64xi32, #tpu.memory_space<vmem>>
        %dma_start3A_75 = tpu.memref_squeeze %dma_start3A_74 : memref<1x64xi32, #tpu.memory_space<vmem>> -> memref<64xi32, #tpu.memory_space<vmem>>
        %dma_start3A_76 = arith.constant 0 : i32
        %dma_start3A_77 = arith.constant 0 : i32
        %dma_start3A_78 = tpu.memref_slice %arg14[%dma_start3A_76, %dma_start3A_77] : memref<10240x128xf32, #tpu.memory_space<vmem_shared>> -> memref<10240x128xf32, #tpu.memory_space<vmem_shared>>
        tpu.enqueue_indirect_dma source(%arg9 : memref<64x128xf32, #tpu.memory_space<vmem>>) target(%dma_start3A_78 : memref<10240x128xf32, #tpu.memory_space<vmem_shared>>) offsets(%dma_start3A_75 : memref<64xi32, #tpu.memory_space<vmem>>) semaphore(%arg20 : memref<!tpu.dma_semaphore, #tpu.memory_space<semaphore_mem>>) {add = true}
        %dma_wait3A_79 = arith.constant 0 : i32
        %dma_wait3A_80 = tpu.memref_slice %arg7[%add3A_35, %dma_wait3A_79] : memref<20x64xi32, #tpu.memory_space<vmem>> -> memref<1x64xi32, #tpu.memory_space<vmem>>
        %dma_wait3A_81 = tpu.memref_squeeze %dma_wait3A_80 : memref<1x64xi32, #tpu.memory_space<vmem>> -> memref<64xi32, #tpu.memory_space<vmem>>
        %dma_wait3A_82 = arith.constant 0 : i32
        %dma_wait3A_83 = arith.constant 0 : i32
        %dma_wait3A_84 = tpu.memref_slice %arg2[%dma_wait3A_82, %dma_wait3A_83] : memref<10000x128xf32, #tpu.memory_space<hbm>> -> memref<10000x128xf32, #tpu.memory_space<hbm>>
        tpu.wait_indirect_dma semaphore(%arg16 : memref<!tpu.dma_semaphore, #tpu.memory_space<semaphore_mem>>) src(%dma_wait3A_84 : memref<10000x128xf32, #tpu.memory_space<hbm>>) dst(%arg10 : memref<64x128xf32, #tpu.memory_space<vmem>>)
        %add3A_85 = arith.constant 1 : i32
        %add3A_86 = arith.addi %add3A_26, %add3A_85 : i32
        %dma_start3A_87 = arith.constant 0 : i32
        %dma_start3A_88 = tpu.memref_slice %arg8[%add3A_86, %dma_start3A_87] : memref<20x64xi32, #tpu.memory_space<vmem>> -> memref<1x64xi32, #tpu.memory_space<vmem>>
        %dma_start3A_89 = tpu.memref_squeeze %dma_start3A_88 : memref<1x64xi32, #tpu.memory_space<vmem>> -> memref<64xi32, #tpu.memory_space<vmem>>
        %dma_start3A_90 = arith.constant 0 : i32
        %dma_start3A_91 = arith.constant 0 : i32
        %dma_start3A_92 = tpu.memref_slice %arg14[%dma_start3A_90, %dma_start3A_91] : memref<10240x128xf32, #tpu.memory_space<vmem_shared>> -> memref<10240x128xf32, #tpu.memory_space<vmem_shared>>
        tpu.enqueue_indirect_dma source(%arg10 : memref<64x128xf32, #tpu.memory_space<vmem>>) target(%dma_start3A_92 : memref<10240x128xf32, #tpu.memory_space<vmem_shared>>) offsets(%dma_start3A_89 : memref<64xi32, #tpu.memory_space<vmem>>) semaphore(%arg21 : memref<!tpu.dma_semaphore, #tpu.memory_space<semaphore_mem>>) {add = true}
        %dma_wait3A_93 = arith.constant 0 : i32
        %dma_wait3A_94 = tpu.memref_slice %arg7[%add3A_43, %dma_wait3A_93] : memref<20x64xi32, #tpu.memory_space<vmem>> -> memref<1x64xi32, #tpu.memory_space<vmem>>
        %dma_wait3A_95 = tpu.memref_squeeze %dma_wait3A_94 : memref<1x64xi32, #tpu.memory_space<vmem>> -> memref<64xi32, #tpu.memory_space<vmem>>
        %dma_wait3A_96 = arith.constant 0 : i32
        %dma_wait3A_97 = arith.constant 0 : i32
        %dma_wait3A_98 = tpu.memref_slice %arg2[%dma_wait3A_96, %dma_wait3A_97] : memref<10000x128xf32, #tpu.memory_space<hbm>> -> memref<10000x128xf32, #tpu.memory_space<hbm>>
        tpu.wait_indirect_dma semaphore(%arg17 : memref<!tpu.dma_semaphore, #tpu.memory_space<semaphore_mem>>) src(%dma_wait3A_98 : memref<10000x128xf32, #tpu.memory_space<hbm>>) dst(%arg11 : memref<64x128xf32, #tpu.memory_space<vmem>>)
        %add3A_99 = arith.constant 2 : i32
        %add3A_100 = arith.addi %add3A_26, %add3A_99 : i32
        %dma_start3A_101 = arith.constant 0 : i32
        %dma_start3A_102 = tpu.memref_slice %arg8[%add3A_100, %dma_start3A_101] : memref<20x64xi32, #tpu.memory_space<vmem>> -> memref<1x64xi32, #tpu.memory_space<vmem>>
        %dma_start3A_103 = tpu.memref_squeeze %dma_start3A_102 : memref<1x64xi32, #tpu.memory_space<vmem>> -> memref<64xi32, #tpu.memory_space<vmem>>
        %dma_start3A_104 = arith.constant 0 : i32
        %dma_start3A_105 = arith.constant 0 : i32
        %dma_start3A_106 = tpu.memref_slice %arg14[%dma_start3A_104, %dma_start3A_105] : memref<10240x128xf32, #tpu.memory_space<vmem_shared>> -> memref<10240x128xf32, #tpu.memory_space<vmem_shared>>
        tpu.enqueue_indirect_dma source(%arg11 : memref<64x128xf32, #tpu.memory_space<vmem>>) target(%dma_start3A_106 : memref<10240x128xf32, #tpu.memory_space<vmem_shared>>) offsets(%dma_start3A_103 : memref<64xi32, #tpu.memory_space<vmem>>) semaphore(%arg22 : memref<!tpu.dma_semaphore, #tpu.memory_space<semaphore_mem>>) {add = true}
        %dma_wait3A_107 = arith.constant 0 : i32
        %dma_wait3A_108 = tpu.memref_slice %arg7[%add3A_51, %dma_wait3A_107] : memref<20x64xi32, #tpu.memory_space<vmem>> -> memref<1x64xi32, #tpu.memory_space<vmem>>
        %dma_wait3A_109 = tpu.memref_squeeze %dma_wait3A_108 : memref<1x64xi32, #tpu.memory_space<vmem>> -> memref<64xi32, #tpu.memory_space<vmem>>
        %dma_wait3A_110 = arith.constant 0 : i32
        %dma_wait3A_111 = arith.constant 0 : i32
        %dma_wait3A_112 = tpu.memref_slice %arg2[%dma_wait3A_110, %dma_wait3A_111] : memref<10000x128xf32, #tpu.memory_space<hbm>> -> memref<10000x128xf32, #tpu.memory_space<hbm>>
        tpu.wait_indirect_dma semaphore(%arg18 : memref<!tpu.dma_semaphore, #tpu.memory_space<semaphore_mem>>) src(%dma_wait3A_112 : memref<10000x128xf32, #tpu.memory_space<hbm>>) dst(%arg12 : memref<64x128xf32, #tpu.memory_space<vmem>>)
        %add3A_113 = arith.constant 3 : i32
        %add3A_114 = arith.addi %add3A_26, %add3A_113 : i32
        %dma_start3A_115 = arith.constant 0 : i32
        %dma_start3A_116 = tpu.memref_slice %arg8[%add3A_114, %dma_start3A_115] : memref<20x64xi32, #tpu.memory_space<vmem>> -> memref<1x64xi32, #tpu.memory_space<vmem>>
        %dma_start3A_117 = tpu.memref_squeeze %dma_start3A_116 : memref<1x64xi32, #tpu.memory_space<vmem>> -> memref<64xi32, #tpu.memory_space<vmem>>
        %dma_start3A_118 = arith.constant 0 : i32
        %dma_start3A_119 = arith.constant 0 : i32
        %dma_start3A_120 = tpu.memref_slice %arg14[%dma_start3A_118, %dma_start3A_119] : memref<10240x128xf32, #tpu.memory_space<vmem_shared>> -> memref<10240x128xf32, #tpu.memory_space<vmem_shared>>
        tpu.enqueue_indirect_dma source(%arg12 : memref<64x128xf32, #tpu.memory_space<vmem>>) target(%dma_start3A_120 : memref<10240x128xf32, #tpu.memory_space<vmem_shared>>) offsets(%dma_start3A_117 : memref<64xi32, #tpu.memory_space<vmem>>) semaphore(%arg23 : memref<!tpu.dma_semaphore, #tpu.memory_space<semaphore_mem>>) {add = true}
        %dma_wait3A_121 = arith.constant 0 : i32
        %dma_wait3A_122 = tpu.memref_slice %arg7[%add3A_59, %dma_wait3A_121] : memref<20x64xi32, #tpu.memory_space<vmem>> -> memref<1x64xi32, #tpu.memory_space<vmem>>
        %dma_wait3A_123 = tpu.memref_squeeze %dma_wait3A_122 : memref<1x64xi32, #tpu.memory_space<vmem>> -> memref<64xi32, #tpu.memory_space<vmem>>
        %dma_wait3A_124 = arith.constant 0 : i32
        %dma_wait3A_125 = arith.constant 0 : i32
        %dma_wait3A_126 = tpu.memref_slice %arg2[%dma_wait3A_124, %dma_wait3A_125] : memref<10000x128xf32, #tpu.memory_space<hbm>> -> memref<10000x128xf32, #tpu.memory_space<hbm>>
        tpu.wait_indirect_dma semaphore(%arg19 : memref<!tpu.dma_semaphore, #tpu.memory_space<semaphore_mem>>) src(%dma_wait3A_126 : memref<10000x128xf32, #tpu.memory_space<hbm>>) dst(%arg13 : memref<64x128xf32, #tpu.memory_space<vmem>>)
        %add3A_127 = arith.constant 4 : i32
        %add3A_128 = arith.addi %add3A_26, %add3A_127 : i32
        %dma_start3A_129 = arith.constant 0 : i32
        %dma_start3A_130 = tpu.memref_slice %arg8[%add3A_128, %dma_start3A_129] : memref<20x64xi32, #tpu.memory_space<vmem>> -> memref<1x64xi32, #tpu.memory_space<vmem>>
        %dma_start3A_131 = tpu.memref_squeeze %dma_start3A_130 : memref<1x64xi32, #tpu.memory_space<vmem>> -> memref<64xi32, #tpu.memory_space<vmem>>
        %dma_start3A_132 = arith.constant 0 : i32
        %dma_start3A_133 = arith.constant 0 : i32
        %dma_start3A_134 = tpu.memref_slice %arg14[%dma_start3A_132, %dma_start3A_133] : memref<10240x128xf32, #tpu.memory_space<vmem_shared>> -> memref<10240x128xf32, #tpu.memory_space<vmem_shared>>
        tpu.enqueue_indirect_dma source(%arg13 : memref<64x128xf32, #tpu.memory_space<vmem>>) target(%dma_start3A_134 : memref<10240x128xf32, #tpu.memory_space<vmem_shared>>) offsets(%dma_start3A_131 : memref<64xi32, #tpu.memory_space<vmem>>) semaphore(%arg24 : memref<!tpu.dma_semaphore, #tpu.memory_space<semaphore_mem>>) {add = true}
        %dma_wait3A_135 = arith.constant 0 : i32
        %dma_wait3A_136 = tpu.memref_slice %arg8[%add3A_72, %dma_wait3A_135] : memref<20x64xi32, #tpu.memory_space<vmem>> -> memref<1x64xi32, #tpu.memory_space<vmem>>
        %dma_wait3A_137 = tpu.memref_squeeze %dma_wait3A_136 : memref<1x64xi32, #tpu.memory_space<vmem>> -> memref<64xi32, #tpu.memory_space<vmem>>
        %dma_wait3A_138 = arith.constant 0 : i32
        %dma_wait3A_139 = arith.constant 0 : i32
        %dma_wait3A_140 = tpu.memref_slice %arg14[%dma_wait3A_138, %dma_wait3A_139] : memref<10240x128xf32, #tpu.memory_space<vmem_shared>> -> memref<10240x128xf32, #tpu.memory_space<vmem_shared>>
        tpu.wait_indirect_dma semaphore(%arg20 : memref<!tpu.dma_semaphore, #tpu.memory_space<semaphore_mem>>) src(%arg9 : memref<64x128xf32, #tpu.memory_space<vmem>>) dst(%dma_wait3A_140 : memref<10240x128xf32, #tpu.memory_space<vmem_shared>>)
        %dma_wait3A_141 = arith.constant 0 : i32
        %dma_wait3A_142 = tpu.memref_slice %arg8[%add3A_86, %dma_wait3A_141] : memref<20x64xi32, #tpu.memory_space<vmem>> -> memref<1x64xi32, #tpu.memory_space<vmem>>
        %dma_wait3A_143 = tpu.memref_squeeze %dma_wait3A_142 : memref<1x64xi32, #tpu.memory_space<vmem>> -> memref<64xi32, #tpu.memory_space<vmem>>
        %dma_wait3A_144 = arith.constant 0 : i32
        %dma_wait3A_145 = arith.constant 0 : i32
        %dma_wait3A_146 = tpu.memref_slice %arg14[%dma_wait3A_144, %dma_wait3A_145] : memref<10240x128xf32, #tpu.memory_space<vmem_shared>> -> memref<10240x128xf32, #tpu.memory_space<vmem_shared>>
        tpu.wait_indirect_dma semaphore(%arg21 : memref<!tpu.dma_semaphore, #tpu.memory_space<semaphore_mem>>) src(%arg10 : memref<64x128xf32, #tpu.memory_space<vmem>>) dst(%dma_wait3A_146 : memref<10240x128xf32, #tpu.memory_space<vmem_shared>>)
        %dma_wait3A_147 = arith.constant 0 : i32
        %dma_wait3A_148 = tpu.memref_slice %arg8[%add3A_100, %dma_wait3A_147] : memref<20x64xi32, #tpu.memory_space<vmem>> -> memref<1x64xi32, #tpu.memory_space<vmem>>
        %dma_wait3A_149 = tpu.memref_squeeze %dma_wait3A_148 : memref<1x64xi32, #tpu.memory_space<vmem>> -> memref<64xi32, #tpu.memory_space<vmem>>
        %dma_wait3A_150 = arith.constant 0 : i32
        %dma_wait3A_151 = arith.constant 0 : i32
        %dma_wait3A_152 = tpu.memref_slice %arg14[%dma_wait3A_150, %dma_wait3A_151] : memref<10240x128xf32, #tpu.memory_space<vmem_shared>> -> memref<10240x128xf32, #tpu.memory_space<vmem_shared>>
        tpu.wait_indirect_dma semaphore(%arg22 : memref<!tpu.dma_semaphore, #tpu.memory_space<semaphore_mem>>) src(%arg11 : memref<64x128xf32, #tpu.memory_space<vmem>>) dst(%dma_wait3A_152 : memref<10240x128xf32, #tpu.memory_space<vmem_shared>>)
        %dma_wait3A_153 = arith.constant 0 : i32
        %dma_wait3A_154 = tpu.memref_slice %arg8[%add3A_114, %dma_wait3A_153] : memref<20x64xi32, #tpu.memory_space<vmem>> -> memref<1x64xi32, #tpu.memory_space<vmem>>
        %dma_wait3A_155 = tpu.memref_squeeze %dma_wait3A_154 : memref<1x64xi32, #tpu.memory_space<vmem>> -> memref<64xi32, #tpu.memory_space<vmem>>
        %dma_wait3A_156 = arith.constant 0 : i32
        %dma_wait3A_157 = arith.constant 0 : i32
        %dma_wait3A_158 = tpu.memref_slice %arg14[%dma_wait3A_156, %dma_wait3A_157] : memref<10240x128xf32, #tpu.memory_space<vmem_shared>> -> memref<10240x128xf32, #tpu.memory_space<vmem_shared>>
        tpu.wait_indirect_dma semaphore(%arg23 : memref<!tpu.dma_semaphore, #tpu.memory_space<semaphore_mem>>) src(%arg12 : memref<64x128xf32, #tpu.memory_space<vmem>>) dst(%dma_wait3A_158 : memref<10240x128xf32, #tpu.memory_space<vmem_shared>>)
        %dma_wait3A_159 = arith.constant 0 : i32
        %dma_wait3A_160 = tpu.memref_slice %arg8[%add3A_128, %dma_wait3A_159] : memref<20x64xi32, #tpu.memory_space<vmem>> -> memref<1x64xi32, #tpu.memory_space<vmem>>
        %dma_wait3A_161 = tpu.memref_squeeze %dma_wait3A_160 : memref<1x64xi32, #tpu.memory_space<vmem>> -> memref<64xi32, #tpu.memory_space<vmem>>
        %dma_wait3A_162 = arith.constant 0 : i32
        %dma_wait3A_163 = arith.constant 0 : i32
        %dma_wait3A_164 = tpu.memref_slice %arg14[%dma_wait3A_162, %dma_wait3A_163] : memref<10240x128xf32, #tpu.memory_space<vmem_shared>> -> memref<10240x128xf32, #tpu.memory_space<vmem_shared>>
        tpu.wait_indirect_dma semaphore(%arg24 : memref<!tpu.dma_semaphore, #tpu.memory_space<semaphore_mem>>) src(%arg13 : memref<64x128xf32, #tpu.memory_space<vmem>>) dst(%dma_wait3A_164 : memref<10240x128xf32, #tpu.memory_space<vmem_shared>>)
      }
      %scan3A_21 = arith.constant 4 : i32
    }
    %scan3A_6 = arith.constant 8 : i32
    %barrier3A_7 = arith.constant 0 : index
    tpu.barrier barrier_id(%barrier3A_7)
    %mul3A_8 = arith.constant 640 : i32
    %mul3A_9 = arith.muli %arg1, %mul3A_8 : i32
    %mul3A_10 = arith.constant 640 : i32
    %mul3A_11 = arith.muli %arg1, %mul3A_10 : i32
    "tpu.region"() ({
      %run_scoped3A = tpu.sem_alloc : memref<!tpu.dma_semaphore, #tpu.memory_space<semaphore_mem>>
      %dma_start3A = arith.constant 0 : i32
      %dma_start3A_12 = tpu.memref_slice %arg6[%arg0, %mul3A_11, %dma_start3A] : memref<2x10240x128xf32, #tpu.memory_space<hbm>> -> memref<1x640x128xf32, #tpu.memory_space<hbm>>
      %dma_start3A_13 = tpu.memref_squeeze %dma_start3A_12 : memref<1x640x128xf32, #tpu.memory_space<hbm>> -> memref<640x128xf32, #tpu.memory_space<hbm>>
      %dma_start3A_14 = arith.constant 0 : i32
      %dma_start3A_15 = tpu.memref_slice %arg14[%mul3A_9, %dma_start3A_14] : memref<10240x128xf32, #tpu.memory_space<vmem_shared>> -> memref<640x128xf32, #tpu.memory_space<vmem_shared>>
      tpu.enqueue_dma source(%dma_start3A_15 : memref<640x128xf32, #tpu.memory_space<vmem_shared>>) target(%dma_start3A_13 : memref<640x128xf32, #tpu.memory_space<hbm>>) target_semaphore(%run_scoped3A : memref<!tpu.dma_semaphore, #tpu.memory_space<semaphore_mem>>)
      %dma_wait3A = arith.constant 0 : i32
      %dma_wait3A_16 = tpu.memref_slice %arg6[%arg0, %mul3A_11, %dma_wait3A] : memref<2x10240x128xf32, #tpu.memory_space<hbm>> -> memref<1x640x128xf32, #tpu.memory_space<hbm>>
      %dma_wait3A_17 = tpu.memref_squeeze %dma_wait3A_16 : memref<1x640x128xf32, #tpu.memory_space<hbm>> -> memref<640x128xf32, #tpu.memory_space<hbm>>
      %dma_wait3A_18 = arith.constant 0 : i32
      %dma_wait3A_19 = tpu.memref_slice %arg14[%mul3A_9, %dma_wait3A_18] : memref<10240x128xf32, #tpu.memory_space<vmem_shared>> -> memref<640x128xf32, #tpu.memory_space<vmem_shared>>
      tpu.wait_dma2 semaphore(%run_scoped3A : memref<!tpu.dma_semaphore, #tpu.memory_space<semaphore_mem>>) src(%dma_wait3A_19 : memref<640x128xf32, #tpu.memory_space<vmem_shared>>) dst(%dma_wait3A_17 : memref<640x128xf32, #tpu.memory_space<hbm>>)
      tpu.yield
    }) : () -> ()
    return
  }
}

#map = affine_map<(d0, d1) -> (0, 0)>
#map1 = affine_map<(d0, d1) -> (0, 0, 0, 0)>
#map2 = affine_map<(d0, d1) -> (0, 0, 0)>
module attributes {stable_mosaic.version = 14 : i64} {
  func.func @seg_sum(%arg0: i32, %arg1: i32, %arg2: memref<10000x128xf32, #tpu.memory_space<hbm>>, %arg3: memref<32x8x20x64xi32, #tpu.memory_space<hbm>>, %arg4: memref<32x8x20x64xi32, #tpu.memory_space<hbm>>, %arg5: memref<640x128xf32, #tpu.memory_space<hbm>>, %arg6: memref<2x10240x128xf32, #tpu.memory_space<hbm>>, %arg7: memref<20x64xi32, #tpu.memory_space<vmem>>, %arg8: memref<20x64xi32, #tpu.memory_space<vmem>>, %arg9: memref<64x128xf32, #tpu.memory_space<vmem>>, %arg10: memref<64x128xf32, #tpu.memory_space<vmem>>, %arg11: memref<64x128xf32, #tpu.memory_space<vmem>>, %arg12: memref<64x128xf32, #tpu.memory_space<vmem>>, %arg13: memref<64x128xf32, #tpu.memory_space<vmem>>, %arg14: memref<10240x128xf32, #tpu.memory_space<vmem_shared>>, %arg15: memref<!tpu.dma_semaphore, #tpu.memory_space<semaphore_mem>>, %arg16: memref<!tpu.dma_semaphore, #tpu.memory_space<semaphore_mem>>, %arg17: memref<!tpu.dma_semaphore, #tpu.memory_space<semaphore_mem>>, %arg18: memref<!tpu.dma_semaphore, #tpu.memory_space<semaphore_mem>>, %arg19: memref<!tpu.dma_semaphore, #tpu.memory_space<semaphore_mem>>, %arg20: memref<!tpu.dma_semaphore, #tpu.memory_space<semaphore_mem>>, %arg21: memref<!tpu.dma_semaphore, #tpu.memory_space<semaphore_mem>>, %arg22: memref<!tpu.dma_semaphore, #tpu.memory_space<semaphore_mem>>, %arg23: memref<!tpu.dma_semaphore, #tpu.memory_space<semaphore_mem>>, %arg24: memref<!tpu.dma_semaphore, #tpu.memory_space<semaphore_mem>>) attributes {dimension_semantics = [#tpu.dimension_semantics<core_parallel>, #tpu.dimension_semantics<subcore_parallel>], iteration_bounds = array<i64: 2, 16>, scalar_prefetch = 0 : i64, scratch_operands = 18 : i64, tpu.core_type = #tpu.core_type<sc_vector_subcore>, window_params = [{transform_indices = #map}, {transform_indices = #map1}, {transform_indices = #map1}, {transform_indices = #map}, {transform_indices = #map2}]} {
    %mul3A = arith.constant 16 : i32
    %mul3A_0 = arith.muli %arg0, %mul3A : i32
    %add3A = arith.addi %mul3A_0, %arg1 : i32
    %mul3A_1 = arith.constant 640 : i32
    %mul3A_2 = arith.muli %arg1, %mul3A_1 : i32
    "tpu.region"() ({
      %run_scoped3A = tpu.sem_alloc : memref<!tpu.dma_semaphore, #tpu.memory_space<semaphore_mem>>
      %dma_start3A = arith.constant 0 : i32
      %dma_start3A_12 = tpu.memref_slice %arg14[%mul3A_2, %dma_start3A] : memref<10240x128xf32, #tpu.memory_space<vmem_shared>> -> memref<640x128xf32, #tpu.memory_space<vmem_shared>>
      tpu.enqueue_dma source(%arg5 : memref<640x128xf32, #tpu.memory_space<hbm>>) target(%dma_start3A_12 : memref<640x128xf32, #tpu.memory_space<vmem_shared>>) target_semaphore(%run_scoped3A : memref<!tpu.dma_semaphore, #tpu.memory_space<semaphore_mem>>)
      %dma_wait3A = arith.constant 0 : i32
      %dma_wait3A_13 = tpu.memref_slice %arg14[%mul3A_2, %dma_wait3A] : memref<10240x128xf32, #tpu.memory_space<vmem_shared>> -> memref<640x128xf32, #tpu.memory_space<vmem_shared>>
      tpu.wait_dma2 semaphore(%run_scoped3A : memref<!tpu.dma_semaphore, #tpu.memory_space<semaphore_mem>>) src(%arg5 : memref<640x128xf32, #tpu.memory_space<hbm>>) dst(%dma_wait3A_13 : memref<640x128xf32, #tpu.memory_space<vmem_shared>>)
      tpu.yield
    }) : () -> ()
    %barrier3A = arith.constant 0 : index
    tpu.barrier barrier_id(%barrier3A)
    %scan3A = arith.constant 0 : i32
    %scan3A_3 = arith.constant 8 : i32
    %scan3A_4 = arith.addi %scan3A, %scan3A_3 : i32
    %scan3A_5 = arith.constant 1 : i32
    scf.for %scan3A_12 = %scan3A to %scan3A_4 step %scan3A_5  : i32 {
      %mul3A_13 = arith.constant 1 : i32
      %mul3A_14 = arith.muli %scan3A_12, %mul3A_13 : i32
      %add3A_15 = arith.constant 0 : i32
      %add3A_16 = arith.addi %add3A_15, %mul3A_14 : i32
      "tpu.region"() ({
        %run_scoped3A = tpu.sem_alloc : memref<!tpu.dma_semaphore, #tpu.memory_space<semaphore_mem>>
        %dma_start3A = arith.constant 0 : i32
        %dma_start3A_22 = arith.constant 0 : i32
        %dma_start3A_23 = tpu.memref_slice %arg3[%add3A, %add3A_16, %dma_start3A, %dma_start3A_22] : memref<32x8x20x64xi32, #tpu.memory_space<hbm>> -> memref<1x1x20x64xi32, #tpu.memory_space<hbm>>
        %dma_start3A_24 = tpu.memref_squeeze %dma_start3A_23 : memref<1x1x20x64xi32, #tpu.memory_space<hbm>> -> memref<20x64xi32, #tpu.memory_space<hbm>>
        %dma_start3A_25 = arith.constant 0 : i32
        %dma_start3A_26 = arith.constant 0 : i32
        %dma_start3A_27 = tpu.memref_slice %arg3[%add3A, %add3A_16, %dma_start3A_25, %dma_start3A_26] : memref<32x8x20x64xi32, #tpu.memory_space<hbm>> -> memref<1x1x20x64xi32, #tpu.memory_space<hbm>>
        %dma_start3A_28 = tpu.memref_squeeze %dma_start3A_27 : memref<1x1x20x64xi32, #tpu.memory_space<hbm>> -> memref<20x64xi32, #tpu.memory_space<hbm>>
        tpu.enqueue_dma source(%dma_start3A_28 : memref<20x64xi32, #tpu.memory_space<hbm>>) target(%arg7 : memref<20x64xi32, #tpu.memory_space<vmem>>) target_semaphore(%run_scoped3A : memref<!tpu.dma_semaphore, #tpu.memory_space<semaphore_mem>>)
        %dma_wait3A = arith.constant 0 : i32
        %dma_wait3A_29 = arith.constant 0 : i32
        %dma_wait3A_30 = tpu.memref_slice %arg3[%add3A, %add3A_16, %dma_wait3A, %dma_wait3A_29] : memref<32x8x20x64xi32, #tpu.memory_space<hbm>> -> memref<1x1x20x64xi32, #tpu.memory_space<hbm>>
        %dma_wait3A_31 = tpu.memref_squeeze %dma_wait3A_30 : memref<1x1x20x64xi32, #tpu.memory_space<hbm>> -> memref<20x64xi32, #tpu.memory_space<hbm>>
        %dma_wait3A_32 = arith.constant 0 : i32
        %dma_wait3A_33 = arith.constant 0 : i32
        %dma_wait3A_34 = tpu.memref_slice %arg3[%add3A, %add3A_16, %dma_wait3A_32, %dma_wait3A_33] : memref<32x8x20x64xi32, #tpu.memory_space<hbm>> -> memref<1x1x20x64xi32, #tpu.memory_space<hbm>>
        %dma_wait3A_35 = tpu.memref_squeeze %dma_wait3A_34 : memref<1x1x20x64xi32, #tpu.memory_space<hbm>> -> memref<20x64xi32, #tpu.memory_space<hbm>>
        tpu.wait_dma2 semaphore(%run_scoped3A : memref<!tpu.dma_semaphore, #tpu.memory_space<semaphore_mem>>) src(%dma_wait3A_35 : memref<20x64xi32, #tpu.memory_space<hbm>>) dst(%arg7 : memref<20x64xi32, #tpu.memory_space<vmem>>)
        tpu.yield
      }) : () -> ()
      "tpu.region"() ({
        %run_scoped3A = tpu.sem_alloc : memref<!tpu.dma_semaphore, #tpu.memory_space<semaphore_mem>>
        %dma_start3A = arith.constant 0 : i32
        %dma_start3A_22 = arith.constant 0 : i32
        %dma_start3A_23 = tpu.memref_slice %arg4[%add3A, %add3A_16, %dma_start3A, %dma_start3A_22] : memref<32x8x20x64xi32, #tpu.memory_space<hbm>> -> memref<1x1x20x64xi32, #tpu.memory_space<hbm>>
        %dma_start3A_24 = tpu.memref_squeeze %dma_start3A_23 : memref<1x1x20x64xi32, #tpu.memory_space<hbm>> -> memref<20x64xi32, #tpu.memory_space<hbm>>
        %dma_start3A_25 = arith.constant 0 : i32
        %dma_start3A_26 = arith.constant 0 : i32
        %dma_start3A_27 = tpu.memref_slice %arg4[%add3A, %add3A_16, %dma_start3A_25, %dma_start3A_26] : memref<32x8x20x64xi32, #tpu.memory_space<hbm>> -> memref<1x1x20x64xi32, #tpu.memory_space<hbm>>
        %dma_start3A_28 = tpu.memref_squeeze %dma_start3A_27 : memref<1x1x20x64xi32, #tpu.memory_space<hbm>> -> memref<20x64xi32, #tpu.memory_space<hbm>>
        tpu.enqueue_dma source(%dma_start3A_28 : memref<20x64xi32, #tpu.memory_space<hbm>>) target(%arg8 : memref<20x64xi32, #tpu.memory_space<vmem>>) target_semaphore(%run_scoped3A : memref<!tpu.dma_semaphore, #tpu.memory_space<semaphore_mem>>)
        %dma_wait3A = arith.constant 0 : i32
        %dma_wait3A_29 = arith.constant 0 : i32
        %dma_wait3A_30 = tpu.memref_slice %arg4[%add3A, %add3A_16, %dma_wait3A, %dma_wait3A_29] : memref<32x8x20x64xi32, #tpu.memory_space<hbm>> -> memref<1x1x20x64xi32, #tpu.memory_space<hbm>>
        %dma_wait3A_31 = tpu.memref_squeeze %dma_wait3A_30 : memref<1x1x20x64xi32, #tpu.memory_space<hbm>> -> memref<20x64xi32, #tpu.memory_space<hbm>>
        %dma_wait3A_32 = arith.constant 0 : i32
        %dma_wait3A_33 = arith.constant 0 : i32
        %dma_wait3A_34 = tpu.memref_slice %arg4[%add3A, %add3A_16, %dma_wait3A_32, %dma_wait3A_33] : memref<32x8x20x64xi32, #tpu.memory_space<hbm>> -> memref<1x1x20x64xi32, #tpu.memory_space<hbm>>
        %dma_wait3A_35 = tpu.memref_squeeze %dma_wait3A_34 : memref<1x1x20x64xi32, #tpu.memory_space<hbm>> -> memref<20x64xi32, #tpu.memory_space<hbm>>
        tpu.wait_dma2 semaphore(%run_scoped3A : memref<!tpu.dma_semaphore, #tpu.memory_space<semaphore_mem>>) src(%dma_wait3A_35 : memref<20x64xi32, #tpu.memory_space<hbm>>) dst(%arg8 : memref<20x64xi32, #tpu.memory_space<vmem>>)
        tpu.yield
      }) : () -> ()
      %scan3A_17 = arith.constant 0 : i32
      %scan3A_18 = arith.constant 4 : i32
      %scan3A_19 = arith.addi %scan3A_17, %scan3A_18 : i32
      %scan3A_20 = arith.constant 1 : i32
      scf.for %scan3A_22 = %scan3A_17 to %scan3A_19 step %scan3A_20  : i32 {
        %mul3A_23 = arith.constant 5 : i32
        %mul3A_24 = arith.muli %scan3A_22, %mul3A_23 : i32
        %add3A_25 = arith.constant 0 : i32
        %add3A_26 = arith.addi %add3A_25, %mul3A_24 : i32
        %add3A_27 = arith.constant 0 : i32
        %add3A_28 = arith.addi %add3A_26, %add3A_27 : i32
        %dma_start3A = arith.constant 0 : i32
        %dma_start3A_29 = tpu.memref_slice %arg7[%add3A_28, %dma_start3A] : memref<20x64xi32, #tpu.memory_space<vmem>> -> memref<1x64xi32, #tpu.memory_space<vmem>>
        %dma_start3A_30 = tpu.memref_squeeze %dma_start3A_29 : memref<1x64xi32, #tpu.memory_space<vmem>> -> memref<64xi32, #tpu.memory_space<vmem>>
        %dma_start3A_31 = arith.constant 0 : i32
        %dma_start3A_32 = arith.constant 0 : i32
        %dma_start3A_33 = tpu.memref_slice %arg2[%dma_start3A_31, %dma_start3A_32] : memref<10000x128xf32, #tpu.memory_space<hbm>> -> memref<10000x128xf32, #tpu.memory_space<hbm>>
        tpu.enqueue_indirect_dma source(%dma_start3A_33 : memref<10000x128xf32, #tpu.memory_space<hbm>>) target(%arg9 : memref<64x128xf32, #tpu.memory_space<vmem>>) offsets(%dma_start3A_30 : memref<64xi32, #tpu.memory_space<vmem>>) semaphore(%arg15 : memref<!tpu.dma_semaphore, #tpu.memory_space<semaphore_mem>>)
        %add3A_34 = arith.constant 1 : i32
        %add3A_35 = arith.addi %add3A_26, %add3A_34 : i32
        %dma_start3A_36 = arith.constant 0 : i32
        %dma_start3A_37 = tpu.memref_slice %arg7[%add3A_35, %dma_start3A_36] : memref<20x64xi32, #tpu.memory_space<vmem>> -> memref<1x64xi32, #tpu.memory_space<vmem>>
        %dma_start3A_38 = tpu.memref_squeeze %dma_start3A_37 : memref<1x64xi32, #tpu.memory_space<vmem>> -> memref<64xi32, #tpu.memory_space<vmem>>
        %dma_start3A_39 = arith.constant 0 : i32
        %dma_start3A_40 = arith.constant 0 : i32
        %dma_start3A_41 = tpu.memref_slice %arg2[%dma_start3A_39, %dma_start3A_40] : memref<10000x128xf32, #tpu.memory_space<hbm>> -> memref<10000x128xf32, #tpu.memory_space<hbm>>
        tpu.enqueue_indirect_dma source(%dma_start3A_41 : memref<10000x128xf32, #tpu.memory_space<hbm>>) target(%arg10 : memref<64x128xf32, #tpu.memory_space<vmem>>) offsets(%dma_start3A_38 : memref<64xi32, #tpu.memory_space<vmem>>) semaphore(%arg16 : memref<!tpu.dma_semaphore, #tpu.memory_space<semaphore_mem>>)
        %add3A_42 = arith.constant 2 : i32
        %add3A_43 = arith.addi %add3A_26, %add3A_42 : i32
        %dma_start3A_44 = arith.constant 0 : i32
        %dma_start3A_45 = tpu.memref_slice %arg7[%add3A_43, %dma_start3A_44] : memref<20x64xi32, #tpu.memory_space<vmem>> -> memref<1x64xi32, #tpu.memory_space<vmem>>
        %dma_start3A_46 = tpu.memref_squeeze %dma_start3A_45 : memref<1x64xi32, #tpu.memory_space<vmem>> -> memref<64xi32, #tpu.memory_space<vmem>>
        %dma_start3A_47 = arith.constant 0 : i32
        %dma_start3A_48 = arith.constant 0 : i32
        %dma_start3A_49 = tpu.memref_slice %arg2[%dma_start3A_47, %dma_start3A_48] : memref<10000x128xf32, #tpu.memory_space<hbm>> -> memref<10000x128xf32, #tpu.memory_space<hbm>>
        tpu.enqueue_indirect_dma source(%dma_start3A_49 : memref<10000x128xf32, #tpu.memory_space<hbm>>) target(%arg11 : memref<64x128xf32, #tpu.memory_space<vmem>>) offsets(%dma_start3A_46 : memref<64xi32, #tpu.memory_space<vmem>>) semaphore(%arg17 : memref<!tpu.dma_semaphore, #tpu.memory_space<semaphore_mem>>)
        %add3A_50 = arith.constant 3 : i32
        %add3A_51 = arith.addi %add3A_26, %add3A_50 : i32
        %dma_start3A_52 = arith.constant 0 : i32
        %dma_start3A_53 = tpu.memref_slice %arg7[%add3A_51, %dma_start3A_52] : memref<20x64xi32, #tpu.memory_space<vmem>> -> memref<1x64xi32, #tpu.memory_space<vmem>>
        %dma_start3A_54 = tpu.memref_squeeze %dma_start3A_53 : memref<1x64xi32, #tpu.memory_space<vmem>> -> memref<64xi32, #tpu.memory_space<vmem>>
        %dma_start3A_55 = arith.constant 0 : i32
        %dma_start3A_56 = arith.constant 0 : i32
        %dma_start3A_57 = tpu.memref_slice %arg2[%dma_start3A_55, %dma_start3A_56] : memref<10000x128xf32, #tpu.memory_space<hbm>> -> memref<10000x128xf32, #tpu.memory_space<hbm>>
        tpu.enqueue_indirect_dma source(%dma_start3A_57 : memref<10000x128xf32, #tpu.memory_space<hbm>>) target(%arg12 : memref<64x128xf32, #tpu.memory_space<vmem>>) offsets(%dma_start3A_54 : memref<64xi32, #tpu.memory_space<vmem>>) semaphore(%arg18 : memref<!tpu.dma_semaphore, #tpu.memory_space<semaphore_mem>>)
        %add3A_58 = arith.constant 4 : i32
        %add3A_59 = arith.addi %add3A_26, %add3A_58 : i32
        %dma_start3A_60 = arith.constant 0 : i32
        %dma_start3A_61 = tpu.memref_slice %arg7[%add3A_59, %dma_start3A_60] : memref<20x64xi32, #tpu.memory_space<vmem>> -> memref<1x64xi32, #tpu.memory_space<vmem>>
        %dma_start3A_62 = tpu.memref_squeeze %dma_start3A_61 : memref<1x64xi32, #tpu.memory_space<vmem>> -> memref<64xi32, #tpu.memory_space<vmem>>
        %dma_start3A_63 = arith.constant 0 : i32
        %dma_start3A_64 = arith.constant 0 : i32
        %dma_start3A_65 = tpu.memref_slice %arg2[%dma_start3A_63, %dma_start3A_64] : memref<10000x128xf32, #tpu.memory_space<hbm>> -> memref<10000x128xf32, #tpu.memory_space<hbm>>
        tpu.enqueue_indirect_dma source(%dma_start3A_65 : memref<10000x128xf32, #tpu.memory_space<hbm>>) target(%arg13 : memref<64x128xf32, #tpu.memory_space<vmem>>) offsets(%dma_start3A_62 : memref<64xi32, #tpu.memory_space<vmem>>) semaphore(%arg19 : memref<!tpu.dma_semaphore, #tpu.memory_space<semaphore_mem>>)
        %dma_wait3A = arith.constant 0 : i32
        %dma_wait3A_66 = tpu.memref_slice %arg7[%add3A_28, %dma_wait3A] : memref<20x64xi32, #tpu.memory_space<vmem>> -> memref<1x64xi32, #tpu.memory_space<vmem>>
        %dma_wait3A_67 = tpu.memref_squeeze %dma_wait3A_66 : memref<1x64xi32, #tpu.memory_space<vmem>> -> memref<64xi32, #tpu.memory_space<vmem>>
        %dma_wait3A_68 = arith.constant 0 : i32
        %dma_wait3A_69 = arith.constant 0 : i32
        %dma_wait3A_70 = tpu.memref_slice %arg2[%dma_wait3A_68, %dma_wait3A_69] : memref<10000x128xf32, #tpu.memory_space<hbm>> -> memref<10000x128xf32, #tpu.memory_space<hbm>>
        tpu.wait_indirect_dma semaphore(%arg15 : memref<!tpu.dma_semaphore, #tpu.memory_space<semaphore_mem>>) src(%dma_wait3A_70 : memref<10000x128xf32, #tpu.memory_space<hbm>>) dst(%arg9 : memref<64x128xf32, #tpu.memory_space<vmem>>)
        %add3A_71 = arith.constant 0 : i32
        %add3A_72 = arith.addi %add3A_26, %add3A_71 : i32
        %dma_start3A_73 = arith.constant 0 : i32
        %dma_start3A_74 = tpu.memref_slice %arg8[%add3A_72, %dma_start3A_73] : memref<20x64xi32, #tpu.memory_space<vmem>> -> memref<1x64xi32, #tpu.memory_space<vmem>>
        %dma_start3A_75 = tpu.memref_squeeze %dma_start3A_74 : memref<1x64xi32, #tpu.memory_space<vmem>> -> memref<64xi32, #tpu.memory_space<vmem>>
        %dma_start3A_76 = arith.constant 0 : i32
        %dma_start3A_77 = arith.constant 0 : i32
        %dma_start3A_78 = tpu.memref_slice %arg14[%dma_start3A_76, %dma_start3A_77] : memref<10240x128xf32, #tpu.memory_space<vmem_shared>> -> memref<10240x128xf32, #tpu.memory_space<vmem_shared>>
        tpu.enqueue_indirect_dma source(%arg9 : memref<64x128xf32, #tpu.memory_space<vmem>>) target(%dma_start3A_78 : memref<10240x128xf32, #tpu.memory_space<vmem_shared>>) offsets(%dma_start3A_75 : memref<64xi32, #tpu.memory_space<vmem>>) semaphore(%arg20 : memref<!tpu.dma_semaphore, #tpu.memory_space<semaphore_mem>>) {add = true}
        %dma_wait3A_79 = arith.constant 0 : i32
        %dma_wait3A_80 = tpu.memref_slice %arg7[%add3A_35, %dma_wait3A_79] : memref<20x64xi32, #tpu.memory_space<vmem>> -> memref<1x64xi32, #tpu.memory_space<vmem>>
        %dma_wait3A_81 = tpu.memref_squeeze %dma_wait3A_80 : memref<1x64xi32, #tpu.memory_space<vmem>> -> memref<64xi32, #tpu.memory_space<vmem>>
        %dma_wait3A_82 = arith.constant 0 : i32
        %dma_wait3A_83 = arith.constant 0 : i32
        %dma_wait3A_84 = tpu.memref_slice %arg2[%dma_wait3A_82, %dma_wait3A_83] : memref<10000x128xf32, #tpu.memory_space<hbm>> -> memref<10000x128xf32, #tpu.memory_space<hbm>>
        tpu.wait_indirect_dma semaphore(%arg16 : memref<!tpu.dma_semaphore, #tpu.memory_space<semaphore_mem>>) src(%dma_wait3A_84 : memref<10000x128xf32, #tpu.memory_space<hbm>>) dst(%arg10 : memref<64x128xf32, #tpu.memory_space<vmem>>)
        %add3A_85 = arith.constant 1 : i32
        %add3A_86 = arith.addi %add3A_26, %add3A_85 : i32
        %dma_start3A_87 = arith.constant 0 : i32
        %dma_start3A_88 = tpu.memref_slice %arg8[%add3A_86, %dma_start3A_87] : memref<20x64xi32, #tpu.memory_space<vmem>> -> memref<1x64xi32, #tpu.memory_space<vmem>>
        %dma_start3A_89 = tpu.memref_squeeze %dma_start3A_88 : memref<1x64xi32, #tpu.memory_space<vmem>> -> memref<64xi32, #tpu.memory_space<vmem>>
        %dma_start3A_90 = arith.constant 0 : i32
        %dma_start3A_91 = arith.constant 0 : i32
        %dma_start3A_92 = tpu.memref_slice %arg14[%dma_start3A_90, %dma_start3A_91] : memref<10240x128xf32, #tpu.memory_space<vmem_shared>> -> memref<10240x128xf32, #tpu.memory_space<vmem_shared>>
        tpu.enqueue_indirect_dma source(%arg10 : memref<64x128xf32, #tpu.memory_space<vmem>>) target(%dma_start3A_92 : memref<10240x128xf32, #tpu.memory_space<vmem_shared>>) offsets(%dma_start3A_89 : memref<64xi32, #tpu.memory_space<vmem>>) semaphore(%arg21 : memref<!tpu.dma_semaphore, #tpu.memory_space<semaphore_mem>>) {add = true}
        %dma_wait3A_93 = arith.constant 0 : i32
        %dma_wait3A_94 = tpu.memref_slice %arg7[%add3A_43, %dma_wait3A_93] : memref<20x64xi32, #tpu.memory_space<vmem>> -> memref<1x64xi32, #tpu.memory_space<vmem>>
        %dma_wait3A_95 = tpu.memref_squeeze %dma_wait3A_94 : memref<1x64xi32, #tpu.memory_space<vmem>> -> memref<64xi32, #tpu.memory_space<vmem>>
        %dma_wait3A_96 = arith.constant 0 : i32
        %dma_wait3A_97 = arith.constant 0 : i32
        %dma_wait3A_98 = tpu.memref_slice %arg2[%dma_wait3A_96, %dma_wait3A_97] : memref<10000x128xf32, #tpu.memory_space<hbm>> -> memref<10000x128xf32, #tpu.memory_space<hbm>>
        tpu.wait_indirect_dma semaphore(%arg17 : memref<!tpu.dma_semaphore, #tpu.memory_space<semaphore_mem>>) src(%dma_wait3A_98 : memref<10000x128xf32, #tpu.memory_space<hbm>>) dst(%arg11 : memref<64x128xf32, #tpu.memory_space<vmem>>)
        %add3A_99 = arith.constant 2 : i32
        %add3A_100 = arith.addi %add3A_26, %add3A_99 : i32
        %dma_start3A_101 = arith.constant 0 : i32
        %dma_start3A_102 = tpu.memref_slice %arg8[%add3A_100, %dma_start3A_101] : memref<20x64xi32, #tpu.memory_space<vmem>> -> memref<1x64xi32, #tpu.memory_space<vmem>>
        %dma_start3A_103 = tpu.memref_squeeze %dma_start3A_102 : memref<1x64xi32, #tpu.memory_space<vmem>> -> memref<64xi32, #tpu.memory_space<vmem>>
        %dma_start3A_104 = arith.constant 0 : i32
        %dma_start3A_105 = arith.constant 0 : i32
        %dma_start3A_106 = tpu.memref_slice %arg14[%dma_start3A_104, %dma_start3A_105] : memref<10240x128xf32, #tpu.memory_space<vmem_shared>> -> memref<10240x128xf32, #tpu.memory_space<vmem_shared>>
        tpu.enqueue_indirect_dma source(%arg11 : memref<64x128xf32, #tpu.memory_space<vmem>>) target(%dma_start3A_106 : memref<10240x128xf32, #tpu.memory_space<vmem_shared>>) offsets(%dma_start3A_103 : memref<64xi32, #tpu.memory_space<vmem>>) semaphore(%arg22 : memref<!tpu.dma_semaphore, #tpu.memory_space<semaphore_mem>>) {add = true}
        %dma_wait3A_107 = arith.constant 0 : i32
        %dma_wait3A_108 = tpu.memref_slice %arg7[%add3A_51, %dma_wait3A_107] : memref<20x64xi32, #tpu.memory_space<vmem>> -> memref<1x64xi32, #tpu.memory_space<vmem>>
        %dma_wait3A_109 = tpu.memref_squeeze %dma_wait3A_108 : memref<1x64xi32, #tpu.memory_space<vmem>> -> memref<64xi32, #tpu.memory_space<vmem>>
        %dma_wait3A_110 = arith.constant 0 : i32
        %dma_wait3A_111 = arith.constant 0 : i32
        %dma_wait3A_112 = tpu.memref_slice %arg2[%dma_wait3A_110, %dma_wait3A_111] : memref<10000x128xf32, #tpu.memory_space<hbm>> -> memref<10000x128xf32, #tpu.memory_space<hbm>>
        tpu.wait_indirect_dma semaphore(%arg18 : memref<!tpu.dma_semaphore, #tpu.memory_space<semaphore_mem>>) src(%dma_wait3A_112 : memref<10000x128xf32, #tpu.memory_space<hbm>>) dst(%arg12 : memref<64x128xf32, #tpu.memory_space<vmem>>)
        %add3A_113 = arith.constant 3 : i32
        %add3A_114 = arith.addi %add3A_26, %add3A_113 : i32
        %dma_start3A_115 = arith.constant 0 : i32
        %dma_start3A_116 = tpu.memref_slice %arg8[%add3A_114, %dma_start3A_115] : memref<20x64xi32, #tpu.memory_space<vmem>> -> memref<1x64xi32, #tpu.memory_space<vmem>>
        %dma_start3A_117 = tpu.memref_squeeze %dma_start3A_116 : memref<1x64xi32, #tpu.memory_space<vmem>> -> memref<64xi32, #tpu.memory_space<vmem>>
        %dma_start3A_118 = arith.constant 0 : i32
        %dma_start3A_119 = arith.constant 0 : i32
        %dma_start3A_120 = tpu.memref_slice %arg14[%dma_start3A_118, %dma_start3A_119] : memref<10240x128xf32, #tpu.memory_space<vmem_shared>> -> memref<10240x128xf32, #tpu.memory_space<vmem_shared>>
        tpu.enqueue_indirect_dma source(%arg12 : memref<64x128xf32, #tpu.memory_space<vmem>>) target(%dma_start3A_120 : memref<10240x128xf32, #tpu.memory_space<vmem_shared>>) offsets(%dma_start3A_117 : memref<64xi32, #tpu.memory_space<vmem>>) semaphore(%arg23 : memref<!tpu.dma_semaphore, #tpu.memory_space<semaphore_mem>>) {add = true}
        %dma_wait3A_121 = arith.constant 0 : i32
        %dma_wait3A_122 = tpu.memref_slice %arg7[%add3A_59, %dma_wait3A_121] : memref<20x64xi32, #tpu.memory_space<vmem>> -> memref<1x64xi32, #tpu.memory_space<vmem>>
        %dma_wait3A_123 = tpu.memref_squeeze %dma_wait3A_122 : memref<1x64xi32, #tpu.memory_space<vmem>> -> memref<64xi32, #tpu.memory_space<vmem>>
        %dma_wait3A_124 = arith.constant 0 : i32
        %dma_wait3A_125 = arith.constant 0 : i32
        %dma_wait3A_126 = tpu.memref_slice %arg2[%dma_wait3A_124, %dma_wait3A_125] : memref<10000x128xf32, #tpu.memory_space<hbm>> -> memref<10000x128xf32, #tpu.memory_space<hbm>>
        tpu.wait_indirect_dma semaphore(%arg19 : memref<!tpu.dma_semaphore, #tpu.memory_space<semaphore_mem>>) src(%dma_wait3A_126 : memref<10000x128xf32, #tpu.memory_space<hbm>>) dst(%arg13 : memref<64x128xf32, #tpu.memory_space<vmem>>)
        %add3A_127 = arith.constant 4 : i32
        %add3A_128 = arith.addi %add3A_26, %add3A_127 : i32
        %dma_start3A_129 = arith.constant 0 : i32
        %dma_start3A_130 = tpu.memref_slice %arg8[%add3A_128, %dma_start3A_129] : memref<20x64xi32, #tpu.memory_space<vmem>> -> memref<1x64xi32, #tpu.memory_space<vmem>>
        %dma_start3A_131 = tpu.memref_squeeze %dma_start3A_130 : memref<1x64xi32, #tpu.memory_space<vmem>> -> memref<64xi32, #tpu.memory_space<vmem>>
        %dma_start3A_132 = arith.constant 0 : i32
        %dma_start3A_133 = arith.constant 0 : i32
        %dma_start3A_134 = tpu.memref_slice %arg14[%dma_start3A_132, %dma_start3A_133] : memref<10240x128xf32, #tpu.memory_space<vmem_shared>> -> memref<10240x128xf32, #tpu.memory_space<vmem_shared>>
        tpu.enqueue_indirect_dma source(%arg13 : memref<64x128xf32, #tpu.memory_space<vmem>>) target(%dma_start3A_134 : memref<10240x128xf32, #tpu.memory_space<vmem_shared>>) offsets(%dma_start3A_131 : memref<64xi32, #tpu.memory_space<vmem>>) semaphore(%arg24 : memref<!tpu.dma_semaphore, #tpu.memory_space<semaphore_mem>>) {add = true}
        %dma_wait3A_135 = arith.constant 0 : i32
        %dma_wait3A_136 = tpu.memref_slice %arg8[%add3A_72, %dma_wait3A_135] : memref<20x64xi32, #tpu.memory_space<vmem>> -> memref<1x64xi32, #tpu.memory_space<vmem>>
        %dma_wait3A_137 = tpu.memref_squeeze %dma_wait3A_136 : memref<1x64xi32, #tpu.memory_space<vmem>> -> memref<64xi32, #tpu.memory_space<vmem>>
        %dma_wait3A_138 = arith.constant 0 : i32
        %dma_wait3A_139 = arith.constant 0 : i32
        %dma_wait3A_140 = tpu.memref_slice %arg14[%dma_wait3A_138, %dma_wait3A_139] : memref<10240x128xf32, #tpu.memory_space<vmem_shared>> -> memref<10240x128xf32, #tpu.memory_space<vmem_shared>>
        tpu.wait_indirect_dma semaphore(%arg20 : memref<!tpu.dma_semaphore, #tpu.memory_space<semaphore_mem>>) src(%arg9 : memref<64x128xf32, #tpu.memory_space<vmem>>) dst(%dma_wait3A_140 : memref<10240x128xf32, #tpu.memory_space<vmem_shared>>)
        %dma_wait3A_141 = arith.constant 0 : i32
        %dma_wait3A_142 = tpu.memref_slice %arg8[%add3A_86, %dma_wait3A_141] : memref<20x64xi32, #tpu.memory_space<vmem>> -> memref<1x64xi32, #tpu.memory_space<vmem>>
        %dma_wait3A_143 = tpu.memref_squeeze %dma_wait3A_142 : memref<1x64xi32, #tpu.memory_space<vmem>> -> memref<64xi32, #tpu.memory_space<vmem>>
        %dma_wait3A_144 = arith.constant 0 : i32
        %dma_wait3A_145 = arith.constant 0 : i32
        %dma_wait3A_146 = tpu.memref_slice %arg14[%dma_wait3A_144, %dma_wait3A_145] : memref<10240x128xf32, #tpu.memory_space<vmem_shared>> -> memref<10240x128xf32, #tpu.memory_space<vmem_shared>>
        tpu.wait_indirect_dma semaphore(%arg21 : memref<!tpu.dma_semaphore, #tpu.memory_space<semaphore_mem>>) src(%arg10 : memref<64x128xf32, #tpu.memory_space<vmem>>) dst(%dma_wait3A_146 : memref<10240x128xf32, #tpu.memory_space<vmem_shared>>)
        %dma_wait3A_147 = arith.constant 0 : i32
        %dma_wait3A_148 = tpu.memref_slice %arg8[%add3A_100, %dma_wait3A_147] : memref<20x64xi32, #tpu.memory_space<vmem>> -> memref<1x64xi32, #tpu.memory_space<vmem>>
        %dma_wait3A_149 = tpu.memref_squeeze %dma_wait3A_148 : memref<1x64xi32, #tpu.memory_space<vmem>> -> memref<64xi32, #tpu.memory_space<vmem>>
        %dma_wait3A_150 = arith.constant 0 : i32
        %dma_wait3A_151 = arith.constant 0 : i32
        %dma_wait3A_152 = tpu.memref_slice %arg14[%dma_wait3A_150, %dma_wait3A_151] : memref<10240x128xf32, #tpu.memory_space<vmem_shared>> -> memref<10240x128xf32, #tpu.memory_space<vmem_shared>>
        tpu.wait_indirect_dma semaphore(%arg22 : memref<!tpu.dma_semaphore, #tpu.memory_space<semaphore_mem>>) src(%arg11 : memref<64x128xf32, #tpu.memory_space<vmem>>) dst(%dma_wait3A_152 : memref<10240x128xf32, #tpu.memory_space<vmem_shared>>)
        %dma_wait3A_153 = arith.constant 0 : i32
        %dma_wait3A_154 = tpu.memref_slice %arg8[%add3A_114, %dma_wait3A_153] : memref<20x64xi32, #tpu.memory_space<vmem>> -> memref<1x64xi32, #tpu.memory_space<vmem>>
        %dma_wait3A_155 = tpu.memref_squeeze %dma_wait3A_154 : memref<1x64xi32, #tpu.memory_space<vmem>> -> memref<64xi32, #tpu.memory_space<vmem>>
        %dma_wait3A_156 = arith.constant 0 : i32
        %dma_wait3A_157 = arith.constant 0 : i32
        %dma_wait3A_158 = tpu.memref_slice %arg14[%dma_wait3A_156, %dma_wait3A_157] : memref<10240x128xf32, #tpu.memory_space<vmem_shared>> -> memref<10240x128xf32, #tpu.memory_space<vmem_shared>>
        tpu.wait_indirect_dma semaphore(%arg23 : memref<!tpu.dma_semaphore, #tpu.memory_space<semaphore_mem>>) src(%arg12 : memref<64x128xf32, #tpu.memory_space<vmem>>) dst(%dma_wait3A_158 : memref<10240x128xf32, #tpu.memory_space<vmem_shared>>)
        %dma_wait3A_159 = arith.constant 0 : i32
        %dma_wait3A_160 = tpu.memref_slice %arg8[%add3A_128, %dma_wait3A_159] : memref<20x64xi32, #tpu.memory_space<vmem>> -> memref<1x64xi32, #tpu.memory_space<vmem>>
        %dma_wait3A_161 = tpu.memref_squeeze %dma_wait3A_160 : memref<1x64xi32, #tpu.memory_space<vmem>> -> memref<64xi32, #tpu.memory_space<vmem>>
        %dma_wait3A_162 = arith.constant 0 : i32
        %dma_wait3A_163 = arith.constant 0 : i32
        %dma_wait3A_164 = tpu.memref_slice %arg14[%dma_wait3A_162, %dma_wait3A_163] : memref<10240x128xf32, #tpu.memory_space<vmem_shared>> -> memref<10240x128xf32, #tpu.memory_space<vmem_shared>>
        tpu.wait_indirect_dma semaphore(%arg24 : memref<!tpu.dma_semaphore, #tpu.memory_space<semaphore_mem>>) src(%arg13 : memref<64x128xf32, #tpu.memory_space<vmem>>) dst(%dma_wait3A_164 : memref<10240x128xf32, #tpu.memory_space<vmem_shared>>)
      }
      %scan3A_21 = arith.constant 4 : i32
    }
    %scan3A_6 = arith.constant 8 : i32
    %barrier3A_7 = arith.constant 0 : index
    tpu.barrier barrier_id(%barrier3A_7)
    %mul3A_8 = arith.constant 640 : i32
    %mul3A_9 = arith.muli %arg1, %mul3A_8 : i32
    %mul3A_10 = arith.constant 640 : i32
    %mul3A_11 = arith.muli %arg1, %mul3A_10 : i32
    "tpu.region"() ({
      %run_scoped3A = tpu.sem_alloc : memref<!tpu.dma_semaphore, #tpu.memory_space<semaphore_mem>>
      %dma_start3A = arith.constant 0 : i32
      %dma_start3A_12 = tpu.memref_slice %arg6[%arg0, %mul3A_11, %dma_start3A] : memref<2x10240x128xf32, #tpu.memory_space<hbm>> -> memref<1x640x128xf32, #tpu.memory_space<hbm>>
      %dma_start3A_13 = tpu.memref_squeeze %dma_start3A_12 : memref<1x640x128xf32, #tpu.memory_space<hbm>> -> memref<640x128xf32, #tpu.memory_space<hbm>>
      %dma_start3A_14 = arith.constant 0 : i32
      %dma_start3A_15 = tpu.memref_slice %arg14[%mul3A_9, %dma_start3A_14] : memref<10240x128xf32, #tpu.memory_space<vmem_shared>> -> memref<640x128xf32, #tpu.memory_space<vmem_shared>>
      tpu.enqueue_dma source(%dma_start3A_15 : memref<640x128xf32, #tpu.memory_space<vmem_shared>>) target(%dma_start3A_13 : memref<640x128xf32, #tpu.memory_space<hbm>>) target_semaphore(%run_scoped3A : memref<!tpu.dma_semaphore, #tpu.memory_space<semaphore_mem>>)
      %dma_wait3A = arith.constant 0 : i32
      %dma_wait3A_16 = tpu.memref_slice %arg6[%arg0, %mul3A_11, %dma_wait3A] : memref<2x10240x128xf32, #tpu.memory_space<hbm>> -> memref<1x640x128xf32, #tpu.memory_space<hbm>>
      %dma_wait3A_17 = tpu.memref_squeeze %dma_wait3A_16 : memref<1x640x128xf32, #tpu.memory_space<hbm>> -> memref<640x128xf32, #tpu.memory_space<hbm>>
      %dma_wait3A_18 = arith.constant 0 : i32
      %dma_wait3A_19 = tpu.memref_slice %arg14[%mul3A_9, %dma_wait3A_18] : memref<10240x128xf32, #tpu.memory_space<vmem_shared>> -> memref<640x128xf32, #tpu.memory_space<vmem_shared>>
      tpu.wait_dma2 semaphore(%run_scoped3A : memref<!tpu.dma_semaphore, #tpu.memory_space<semaphore_mem>>) src(%dma_wait3A_19 : memref<640x128xf32, #tpu.memory_space<vmem_shared>>) dst(%dma_wait3A_17 : memref<640x128xf32, #tpu.memory_space<hbm>>)
      tpu.yield
    }) : () -> ()
    return
  }
}

#map = affine_map<(d0, d1) -> (0, 0)>
#map1 = affine_map<(d0, d1) -> (0, 0, 0, 0)>
#map2 = affine_map<(d0, d1) -> (0, 0, 0)>
module attributes {stable_mosaic.version = 14 : i64} {
  func.func @seg_sum(%arg0: i32, %arg1: i32, %arg2: memref<10000x128xf32, #tpu.memory_space<hbm>>, %arg3: memref<32x8x20x64xi32, #tpu.memory_space<hbm>>, %arg4: memref<32x8x20x64xi32, #tpu.memory_space<hbm>>, %arg5: memref<640x128xf32, #tpu.memory_space<hbm>>, %arg6: memref<2x10240x128xf32, #tpu.memory_space<hbm>>, %arg7: memref<20x64xi32, #tpu.memory_space<vmem>>, %arg8: memref<20x64xi32, #tpu.memory_space<vmem>>, %arg9: memref<64x128xf32, #tpu.memory_space<vmem>>, %arg10: memref<64x128xf32, #tpu.memory_space<vmem>>, %arg11: memref<64x128xf32, #tpu.memory_space<vmem>>, %arg12: memref<64x128xf32, #tpu.memory_space<vmem>>, %arg13: memref<64x128xf32, #tpu.memory_space<vmem>>, %arg14: memref<10240x128xf32, #tpu.memory_space<vmem_shared>>, %arg15: memref<!tpu.dma_semaphore, #tpu.memory_space<semaphore_mem>>, %arg16: memref<!tpu.dma_semaphore, #tpu.memory_space<semaphore_mem>>, %arg17: memref<!tpu.dma_semaphore, #tpu.memory_space<semaphore_mem>>, %arg18: memref<!tpu.dma_semaphore, #tpu.memory_space<semaphore_mem>>, %arg19: memref<!tpu.dma_semaphore, #tpu.memory_space<semaphore_mem>>, %arg20: memref<!tpu.dma_semaphore, #tpu.memory_space<semaphore_mem>>, %arg21: memref<!tpu.dma_semaphore, #tpu.memory_space<semaphore_mem>>, %arg22: memref<!tpu.dma_semaphore, #tpu.memory_space<semaphore_mem>>, %arg23: memref<!tpu.dma_semaphore, #tpu.memory_space<semaphore_mem>>, %arg24: memref<!tpu.dma_semaphore, #tpu.memory_space<semaphore_mem>>) attributes {dimension_semantics = [#tpu.dimension_semantics<core_parallel>, #tpu.dimension_semantics<subcore_parallel>], iteration_bounds = array<i64: 2, 16>, scalar_prefetch = 0 : i64, scratch_operands = 18 : i64, tpu.core_type = #tpu.core_type<sc_vector_subcore>, window_params = [{transform_indices = #map}, {transform_indices = #map1}, {transform_indices = #map1}, {transform_indices = #map}, {transform_indices = #map2}]} {
    %mul3A = arith.constant 16 : i32
    %mul3A_0 = arith.muli %arg0, %mul3A : i32
    %add3A = arith.addi %mul3A_0, %arg1 : i32
    %mul3A_1 = arith.constant 640 : i32
    %mul3A_2 = arith.muli %arg1, %mul3A_1 : i32
    "tpu.region"() ({
      %run_scoped3A = tpu.sem_alloc : memref<!tpu.dma_semaphore, #tpu.memory_space<semaphore_mem>>
      %dma_start3A = arith.constant 0 : i32
      %dma_start3A_12 = tpu.memref_slice %arg14[%mul3A_2, %dma_start3A] : memref<10240x128xf32, #tpu.memory_space<vmem_shared>> -> memref<640x128xf32, #tpu.memory_space<vmem_shared>>
      tpu.enqueue_dma source(%arg5 : memref<640x128xf32, #tpu.memory_space<hbm>>) target(%dma_start3A_12 : memref<640x128xf32, #tpu.memory_space<vmem_shared>>) target_semaphore(%run_scoped3A : memref<!tpu.dma_semaphore, #tpu.memory_space<semaphore_mem>>)
      %dma_wait3A = arith.constant 0 : i32
      %dma_wait3A_13 = tpu.memref_slice %arg14[%mul3A_2, %dma_wait3A] : memref<10240x128xf32, #tpu.memory_space<vmem_shared>> -> memref<640x128xf32, #tpu.memory_space<vmem_shared>>
      tpu.wait_dma2 semaphore(%run_scoped3A : memref<!tpu.dma_semaphore, #tpu.memory_space<semaphore_mem>>) src(%arg5 : memref<640x128xf32, #tpu.memory_space<hbm>>) dst(%dma_wait3A_13 : memref<640x128xf32, #tpu.memory_space<vmem_shared>>)
      tpu.yield
    }) : () -> ()
    %barrier3A = arith.constant 0 : index
    tpu.barrier barrier_id(%barrier3A)
    %scan3A = arith.constant 0 : i32
    %scan3A_3 = arith.constant 8 : i32
    %scan3A_4 = arith.addi %scan3A, %scan3A_3 : i32
    %scan3A_5 = arith.constant 1 : i32
    scf.for %scan3A_12 = %scan3A to %scan3A_4 step %scan3A_5  : i32 {
      %mul3A_13 = arith.constant 1 : i32
      %mul3A_14 = arith.muli %scan3A_12, %mul3A_13 : i32
      %add3A_15 = arith.constant 0 : i32
      %add3A_16 = arith.addi %add3A_15, %mul3A_14 : i32
      "tpu.region"() ({
        %run_scoped3A = tpu.sem_alloc : memref<!tpu.dma_semaphore, #tpu.memory_space<semaphore_mem>>
        %dma_start3A = arith.constant 0 : i32
        %dma_start3A_22 = arith.constant 0 : i32
        %dma_start3A_23 = tpu.memref_slice %arg3[%add3A, %add3A_16, %dma_start3A, %dma_start3A_22] : memref<32x8x20x64xi32, #tpu.memory_space<hbm>> -> memref<1x1x20x64xi32, #tpu.memory_space<hbm>>
        %dma_start3A_24 = tpu.memref_squeeze %dma_start3A_23 : memref<1x1x20x64xi32, #tpu.memory_space<hbm>> -> memref<20x64xi32, #tpu.memory_space<hbm>>
        %dma_start3A_25 = arith.constant 0 : i32
        %dma_start3A_26 = arith.constant 0 : i32
        %dma_start3A_27 = tpu.memref_slice %arg3[%add3A, %add3A_16, %dma_start3A_25, %dma_start3A_26] : memref<32x8x20x64xi32, #tpu.memory_space<hbm>> -> memref<1x1x20x64xi32, #tpu.memory_space<hbm>>
        %dma_start3A_28 = tpu.memref_squeeze %dma_start3A_27 : memref<1x1x20x64xi32, #tpu.memory_space<hbm>> -> memref<20x64xi32, #tpu.memory_space<hbm>>
        tpu.enqueue_dma source(%dma_start3A_28 : memref<20x64xi32, #tpu.memory_space<hbm>>) target(%arg7 : memref<20x64xi32, #tpu.memory_space<vmem>>) target_semaphore(%run_scoped3A : memref<!tpu.dma_semaphore, #tpu.memory_space<semaphore_mem>>)
        %dma_wait3A = arith.constant 0 : i32
        %dma_wait3A_29 = arith.constant 0 : i32
        %dma_wait3A_30 = tpu.memref_slice %arg3[%add3A, %add3A_16, %dma_wait3A, %dma_wait3A_29] : memref<32x8x20x64xi32, #tpu.memory_space<hbm>> -> memref<1x1x20x64xi32, #tpu.memory_space<hbm>>
        %dma_wait3A_31 = tpu.memref_squeeze %dma_wait3A_30 : memref<1x1x20x64xi32, #tpu.memory_space<hbm>> -> memref<20x64xi32, #tpu.memory_space<hbm>>
        %dma_wait3A_32 = arith.constant 0 : i32
        %dma_wait3A_33 = arith.constant 0 : i32
        %dma_wait3A_34 = tpu.memref_slice %arg3[%add3A, %add3A_16, %dma_wait3A_32, %dma_wait3A_33] : memref<32x8x20x64xi32, #tpu.memory_space<hbm>> -> memref<1x1x20x64xi32, #tpu.memory_space<hbm>>
        %dma_wait3A_35 = tpu.memref_squeeze %dma_wait3A_34 : memref<1x1x20x64xi32, #tpu.memory_space<hbm>> -> memref<20x64xi32, #tpu.memory_space<hbm>>
        tpu.wait_dma2 semaphore(%run_scoped3A : memref<!tpu.dma_semaphore, #tpu.memory_space<semaphore_mem>>) src(%dma_wait3A_35 : memref<20x64xi32, #tpu.memory_space<hbm>>) dst(%arg7 : memref<20x64xi32, #tpu.memory_space<vmem>>)
        tpu.yield
      }) : () -> ()
      "tpu.region"() ({
        %run_scoped3A = tpu.sem_alloc : memref<!tpu.dma_semaphore, #tpu.memory_space<semaphore_mem>>
        %dma_start3A = arith.constant 0 : i32
        %dma_start3A_22 = arith.constant 0 : i32
        %dma_start3A_23 = tpu.memref_slice %arg4[%add3A, %add3A_16, %dma_start3A, %dma_start3A_22] : memref<32x8x20x64xi32, #tpu.memory_space<hbm>> -> memref<1x1x20x64xi32, #tpu.memory_space<hbm>>
        %dma_start3A_24 = tpu.memref_squeeze %dma_start3A_23 : memref<1x1x20x64xi32, #tpu.memory_space<hbm>> -> memref<20x64xi32, #tpu.memory_space<hbm>>
        %dma_start3A_25 = arith.constant 0 : i32
        %dma_start3A_26 = arith.constant 0 : i32
        %dma_start3A_27 = tpu.memref_slice %arg4[%add3A, %add3A_16, %dma_start3A_25, %dma_start3A_26] : memref<32x8x20x64xi32, #tpu.memory_space<hbm>> -> memref<1x1x20x64xi32, #tpu.memory_space<hbm>>
        %dma_start3A_28 = tpu.memref_squeeze %dma_start3A_27 : memref<1x1x20x64xi32, #tpu.memory_space<hbm>> -> memref<20x64xi32, #tpu.memory_space<hbm>>
        tpu.enqueue_dma source(%dma_start3A_28 : memref<20x64xi32, #tpu.memory_space<hbm>>) target(%arg8 : memref<20x64xi32, #tpu.memory_space<vmem>>) target_semaphore(%run_scoped3A : memref<!tpu.dma_semaphore, #tpu.memory_space<semaphore_mem>>)
        %dma_wait3A = arith.constant 0 : i32
        %dma_wait3A_29 = arith.constant 0 : i32
        %dma_wait3A_30 = tpu.memref_slice %arg4[%add3A, %add3A_16, %dma_wait3A, %dma_wait3A_29] : memref<32x8x20x64xi32, #tpu.memory_space<hbm>> -> memref<1x1x20x64xi32, #tpu.memory_space<hbm>>
        %dma_wait3A_31 = tpu.memref_squeeze %dma_wait3A_30 : memref<1x1x20x64xi32, #tpu.memory_space<hbm>> -> memref<20x64xi32, #tpu.memory_space<hbm>>
        %dma_wait3A_32 = arith.constant 0 : i32
        %dma_wait3A_33 = arith.constant 0 : i32
        %dma_wait3A_34 = tpu.memref_slice %arg4[%add3A, %add3A_16, %dma_wait3A_32, %dma_wait3A_33] : memref<32x8x20x64xi32, #tpu.memory_space<hbm>> -> memref<1x1x20x64xi32, #tpu.memory_space<hbm>>
        %dma_wait3A_35 = tpu.memref_squeeze %dma_wait3A_34 : memref<1x1x20x64xi32, #tpu.memory_space<hbm>> -> memref<20x64xi32, #tpu.memory_space<hbm>>
        tpu.wait_dma2 semaphore(%run_scoped3A : memref<!tpu.dma_semaphore, #tpu.memory_space<semaphore_mem>>) src(%dma_wait3A_35 : memref<20x64xi32, #tpu.memory_space<hbm>>) dst(%arg8 : memref<20x64xi32, #tpu.memory_space<vmem>>)
        tpu.yield
      }) : () -> ()
      %scan3A_17 = arith.constant 0 : i32
      %scan3A_18 = arith.constant 4 : i32
      %scan3A_19 = arith.addi %scan3A_17, %scan3A_18 : i32
      %scan3A_20 = arith.constant 1 : i32
      scf.for %scan3A_22 = %scan3A_17 to %scan3A_19 step %scan3A_20  : i32 {
        %mul3A_23 = arith.constant 5 : i32
        %mul3A_24 = arith.muli %scan3A_22, %mul3A_23 : i32
        %add3A_25 = arith.constant 0 : i32
        %add3A_26 = arith.addi %add3A_25, %mul3A_24 : i32
        %add3A_27 = arith.constant 0 : i32
        %add3A_28 = arith.addi %add3A_26, %add3A_27 : i32
        %dma_start3A = arith.constant 0 : i32
        %dma_start3A_29 = tpu.memref_slice %arg7[%add3A_28, %dma_start3A] : memref<20x64xi32, #tpu.memory_space<vmem>> -> memref<1x64xi32, #tpu.memory_space<vmem>>
        %dma_start3A_30 = tpu.memref_squeeze %dma_start3A_29 : memref<1x64xi32, #tpu.memory_space<vmem>> -> memref<64xi32, #tpu.memory_space<vmem>>
        %dma_start3A_31 = arith.constant 0 : i32
        %dma_start3A_32 = arith.constant 0 : i32
        %dma_start3A_33 = tpu.memref_slice %arg2[%dma_start3A_31, %dma_start3A_32] : memref<10000x128xf32, #tpu.memory_space<hbm>> -> memref<10000x128xf32, #tpu.memory_space<hbm>>
        tpu.enqueue_indirect_dma source(%dma_start3A_33 : memref<10000x128xf32, #tpu.memory_space<hbm>>) target(%arg9 : memref<64x128xf32, #tpu.memory_space<vmem>>) offsets(%dma_start3A_30 : memref<64xi32, #tpu.memory_space<vmem>>) semaphore(%arg15 : memref<!tpu.dma_semaphore, #tpu.memory_space<semaphore_mem>>)
        %add3A_34 = arith.constant 1 : i32
        %add3A_35 = arith.addi %add3A_26, %add3A_34 : i32
        %dma_start3A_36 = arith.constant 0 : i32
        %dma_start3A_37 = tpu.memref_slice %arg7[%add3A_35, %dma_start3A_36] : memref<20x64xi32, #tpu.memory_space<vmem>> -> memref<1x64xi32, #tpu.memory_space<vmem>>
        %dma_start3A_38 = tpu.memref_squeeze %dma_start3A_37 : memref<1x64xi32, #tpu.memory_space<vmem>> -> memref<64xi32, #tpu.memory_space<vmem>>
        %dma_start3A_39 = arith.constant 0 : i32
        %dma_start3A_40 = arith.constant 0 : i32
        %dma_start3A_41 = tpu.memref_slice %arg2[%dma_start3A_39, %dma_start3A_40] : memref<10000x128xf32, #tpu.memory_space<hbm>> -> memref<10000x128xf32, #tpu.memory_space<hbm>>
        tpu.enqueue_indirect_dma source(%dma_start3A_41 : memref<10000x128xf32, #tpu.memory_space<hbm>>) target(%arg10 : memref<64x128xf32, #tpu.memory_space<vmem>>) offsets(%dma_start3A_38 : memref<64xi32, #tpu.memory_space<vmem>>) semaphore(%arg16 : memref<!tpu.dma_semaphore, #tpu.memory_space<semaphore_mem>>)
        %add3A_42 = arith.constant 2 : i32
        %add3A_43 = arith.addi %add3A_26, %add3A_42 : i32
        %dma_start3A_44 = arith.constant 0 : i32
        %dma_start3A_45 = tpu.memref_slice %arg7[%add3A_43, %dma_start3A_44] : memref<20x64xi32, #tpu.memory_space<vmem>> -> memref<1x64xi32, #tpu.memory_space<vmem>>
        %dma_start3A_46 = tpu.memref_squeeze %dma_start3A_45 : memref<1x64xi32, #tpu.memory_space<vmem>> -> memref<64xi32, #tpu.memory_space<vmem>>
        %dma_start3A_47 = arith.constant 0 : i32
        %dma_start3A_48 = arith.constant 0 : i32
        %dma_start3A_49 = tpu.memref_slice %arg2[%dma_start3A_47, %dma_start3A_48] : memref<10000x128xf32, #tpu.memory_space<hbm>> -> memref<10000x128xf32, #tpu.memory_space<hbm>>
        tpu.enqueue_indirect_dma source(%dma_start3A_49 : memref<10000x128xf32, #tpu.memory_space<hbm>>) target(%arg11 : memref<64x128xf32, #tpu.memory_space<vmem>>) offsets(%dma_start3A_46 : memref<64xi32, #tpu.memory_space<vmem>>) semaphore(%arg17 : memref<!tpu.dma_semaphore, #tpu.memory_space<semaphore_mem>>)
        %add3A_50 = arith.constant 3 : i32
        %add3A_51 = arith.addi %add3A_26, %add3A_50 : i32
        %dma_start3A_52 = arith.constant 0 : i32
        %dma_start3A_53 = tpu.memref_slice %arg7[%add3A_51, %dma_start3A_52] : memref<20x64xi32, #tpu.memory_space<vmem>> -> memref<1x64xi32, #tpu.memory_space<vmem>>
        %dma_start3A_54 = tpu.memref_squeeze %dma_start3A_53 : memref<1x64xi32, #tpu.memory_space<vmem>> -> memref<64xi32, #tpu.memory_space<vmem>>
        %dma_start3A_55 = arith.constant 0 : i32
        %dma_start3A_56 = arith.constant 0 : i32
        %dma_start3A_57 = tpu.memref_slice %arg2[%dma_start3A_55, %dma_start3A_56] : memref<10000x128xf32, #tpu.memory_space<hbm>> -> memref<10000x128xf32, #tpu.memory_space<hbm>>
        tpu.enqueue_indirect_dma source(%dma_start3A_57 : memref<10000x128xf32, #tpu.memory_space<hbm>>) target(%arg12 : memref<64x128xf32, #tpu.memory_space<vmem>>) offsets(%dma_start3A_54 : memref<64xi32, #tpu.memory_space<vmem>>) semaphore(%arg18 : memref<!tpu.dma_semaphore, #tpu.memory_space<semaphore_mem>>)
        %add3A_58 = arith.constant 4 : i32
        %add3A_59 = arith.addi %add3A_26, %add3A_58 : i32
        %dma_start3A_60 = arith.constant 0 : i32
        %dma_start3A_61 = tpu.memref_slice %arg7[%add3A_59, %dma_start3A_60] : memref<20x64xi32, #tpu.memory_space<vmem>> -> memref<1x64xi32, #tpu.memory_space<vmem>>
        %dma_start3A_62 = tpu.memref_squeeze %dma_start3A_61 : memref<1x64xi32, #tpu.memory_space<vmem>> -> memref<64xi32, #tpu.memory_space<vmem>>
        %dma_start3A_63 = arith.constant 0 : i32
        %dma_start3A_64 = arith.constant 0 : i32
        %dma_start3A_65 = tpu.memref_slice %arg2[%dma_start3A_63, %dma_start3A_64] : memref<10000x128xf32, #tpu.memory_space<hbm>> -> memref<10000x128xf32, #tpu.memory_space<hbm>>
        tpu.enqueue_indirect_dma source(%dma_start3A_65 : memref<10000x128xf32, #tpu.memory_space<hbm>>) target(%arg13 : memref<64x128xf32, #tpu.memory_space<vmem>>) offsets(%dma_start3A_62 : memref<64xi32, #tpu.memory_space<vmem>>) semaphore(%arg19 : memref<!tpu.dma_semaphore, #tpu.memory_space<semaphore_mem>>)
        %dma_wait3A = arith.constant 0 : i32
        %dma_wait3A_66 = tpu.memref_slice %arg7[%add3A_28, %dma_wait3A] : memref<20x64xi32, #tpu.memory_space<vmem>> -> memref<1x64xi32, #tpu.memory_space<vmem>>
        %dma_wait3A_67 = tpu.memref_squeeze %dma_wait3A_66 : memref<1x64xi32, #tpu.memory_space<vmem>> -> memref<64xi32, #tpu.memory_space<vmem>>
        %dma_wait3A_68 = arith.constant 0 : i32
        %dma_wait3A_69 = arith.constant 0 : i32
        %dma_wait3A_70 = tpu.memref_slice %arg2[%dma_wait3A_68, %dma_wait3A_69] : memref<10000x128xf32, #tpu.memory_space<hbm>> -> memref<10000x128xf32, #tpu.memory_space<hbm>>
        tpu.wait_indirect_dma semaphore(%arg15 : memref<!tpu.dma_semaphore, #tpu.memory_space<semaphore_mem>>) src(%dma_wait3A_70 : memref<10000x128xf32, #tpu.memory_space<hbm>>) dst(%arg9 : memref<64x128xf32, #tpu.memory_space<vmem>>)
        %add3A_71 = arith.constant 0 : i32
        %add3A_72 = arith.addi %add3A_26, %add3A_71 : i32
        %dma_start3A_73 = arith.constant 0 : i32
        %dma_start3A_74 = tpu.memref_slice %arg8[%add3A_72, %dma_start3A_73] : memref<20x64xi32, #tpu.memory_space<vmem>> -> memref<1x64xi32, #tpu.memory_space<vmem>>
        %dma_start3A_75 = tpu.memref_squeeze %dma_start3A_74 : memref<1x64xi32, #tpu.memory_space<vmem>> -> memref<64xi32, #tpu.memory_space<vmem>>
        %dma_start3A_76 = arith.constant 0 : i32
        %dma_start3A_77 = arith.constant 0 : i32
        %dma_start3A_78 = tpu.memref_slice %arg14[%dma_start3A_76, %dma_start3A_77] : memref<10240x128xf32, #tpu.memory_space<vmem_shared>> -> memref<10240x128xf32, #tpu.memory_space<vmem_shared>>
        tpu.enqueue_indirect_dma source(%arg9 : memref<64x128xf32, #tpu.memory_space<vmem>>) target(%dma_start3A_78 : memref<10240x128xf32, #tpu.memory_space<vmem_shared>>) offsets(%dma_start3A_75 : memref<64xi32, #tpu.memory_space<vmem>>) semaphore(%arg20 : memref<!tpu.dma_semaphore, #tpu.memory_space<semaphore_mem>>) {add = true}
        %dma_wait3A_79 = arith.constant 0 : i32
        %dma_wait3A_80 = tpu.memref_slice %arg7[%add3A_35, %dma_wait3A_79] : memref<20x64xi32, #tpu.memory_space<vmem>> -> memref<1x64xi32, #tpu.memory_space<vmem>>
        %dma_wait3A_81 = tpu.memref_squeeze %dma_wait3A_80 : memref<1x64xi32, #tpu.memory_space<vmem>> -> memref<64xi32, #tpu.memory_space<vmem>>
        %dma_wait3A_82 = arith.constant 0 : i32
        %dma_wait3A_83 = arith.constant 0 : i32
        %dma_wait3A_84 = tpu.memref_slice %arg2[%dma_wait3A_82, %dma_wait3A_83] : memref<10000x128xf32, #tpu.memory_space<hbm>> -> memref<10000x128xf32, #tpu.memory_space<hbm>>
        tpu.wait_indirect_dma semaphore(%arg16 : memref<!tpu.dma_semaphore, #tpu.memory_space<semaphore_mem>>) src(%dma_wait3A_84 : memref<10000x128xf32, #tpu.memory_space<hbm>>) dst(%arg10 : memref<64x128xf32, #tpu.memory_space<vmem>>)
        %add3A_85 = arith.constant 1 : i32
        %add3A_86 = arith.addi %add3A_26, %add3A_85 : i32
        %dma_start3A_87 = arith.constant 0 : i32
        %dma_start3A_88 = tpu.memref_slice %arg8[%add3A_86, %dma_start3A_87] : memref<20x64xi32, #tpu.memory_space<vmem>> -> memref<1x64xi32, #tpu.memory_space<vmem>>
        %dma_start3A_89 = tpu.memref_squeeze %dma_start3A_88 : memref<1x64xi32, #tpu.memory_space<vmem>> -> memref<64xi32, #tpu.memory_space<vmem>>
        %dma_start3A_90 = arith.constant 0 : i32
        %dma_start3A_91 = arith.constant 0 : i32
        %dma_start3A_92 = tpu.memref_slice %arg14[%dma_start3A_90, %dma_start3A_91] : memref<10240x128xf32, #tpu.memory_space<vmem_shared>> -> memref<10240x128xf32, #tpu.memory_space<vmem_shared>>
        tpu.enqueue_indirect_dma source(%arg10 : memref<64x128xf32, #tpu.memory_space<vmem>>) target(%dma_start3A_92 : memref<10240x128xf32, #tpu.memory_space<vmem_shared>>) offsets(%dma_start3A_89 : memref<64xi32, #tpu.memory_space<vmem>>) semaphore(%arg21 : memref<!tpu.dma_semaphore, #tpu.memory_space<semaphore_mem>>) {add = true}
        %dma_wait3A_93 = arith.constant 0 : i32
        %dma_wait3A_94 = tpu.memref_slice %arg7[%add3A_43, %dma_wait3A_93] : memref<20x64xi32, #tpu.memory_space<vmem>> -> memref<1x64xi32, #tpu.memory_space<vmem>>
        %dma_wait3A_95 = tpu.memref_squeeze %dma_wait3A_94 : memref<1x64xi32, #tpu.memory_space<vmem>> -> memref<64xi32, #tpu.memory_space<vmem>>
        %dma_wait3A_96 = arith.constant 0 : i32
        %dma_wait3A_97 = arith.constant 0 : i32
        %dma_wait3A_98 = tpu.memref_slice %arg2[%dma_wait3A_96, %dma_wait3A_97] : memref<10000x128xf32, #tpu.memory_space<hbm>> -> memref<10000x128xf32, #tpu.memory_space<hbm>>
        tpu.wait_indirect_dma semaphore(%arg17 : memref<!tpu.dma_semaphore, #tpu.memory_space<semaphore_mem>>) src(%dma_wait3A_98 : memref<10000x128xf32, #tpu.memory_space<hbm>>) dst(%arg11 : memref<64x128xf32, #tpu.memory_space<vmem>>)
        %add3A_99 = arith.constant 2 : i32
        %add3A_100 = arith.addi %add3A_26, %add3A_99 : i32
        %dma_start3A_101 = arith.constant 0 : i32
        %dma_start3A_102 = tpu.memref_slice %arg8[%add3A_100, %dma_start3A_101] : memref<20x64xi32, #tpu.memory_space<vmem>> -> memref<1x64xi32, #tpu.memory_space<vmem>>
        %dma_start3A_103 = tpu.memref_squeeze %dma_start3A_102 : memref<1x64xi32, #tpu.memory_space<vmem>> -> memref<64xi32, #tpu.memory_space<vmem>>
        %dma_start3A_104 = arith.constant 0 : i32
        %dma_start3A_105 = arith.constant 0 : i32
        %dma_start3A_106 = tpu.memref_slice %arg14[%dma_start3A_104, %dma_start3A_105] : memref<10240x128xf32, #tpu.memory_space<vmem_shared>> -> memref<10240x128xf32, #tpu.memory_space<vmem_shared>>
        tpu.enqueue_indirect_dma source(%arg11 : memref<64x128xf32, #tpu.memory_space<vmem>>) target(%dma_start3A_106 : memref<10240x128xf32, #tpu.memory_space<vmem_shared>>) offsets(%dma_start3A_103 : memref<64xi32, #tpu.memory_space<vmem>>) semaphore(%arg22 : memref<!tpu.dma_semaphore, #tpu.memory_space<semaphore_mem>>) {add = true}
        %dma_wait3A_107 = arith.constant 0 : i32
        %dma_wait3A_108 = tpu.memref_slice %arg7[%add3A_51, %dma_wait3A_107] : memref<20x64xi32, #tpu.memory_space<vmem>> -> memref<1x64xi32, #tpu.memory_space<vmem>>
        %dma_wait3A_109 = tpu.memref_squeeze %dma_wait3A_108 : memref<1x64xi32, #tpu.memory_space<vmem>> -> memref<64xi32, #tpu.memory_space<vmem>>
        %dma_wait3A_110 = arith.constant 0 : i32
        %dma_wait3A_111 = arith.constant 0 : i32
        %dma_wait3A_112 = tpu.memref_slice %arg2[%dma_wait3A_110, %dma_wait3A_111] : memref<10000x128xf32, #tpu.memory_space<hbm>> -> memref<10000x128xf32, #tpu.memory_space<hbm>>
        tpu.wait_indirect_dma semaphore(%arg18 : memref<!tpu.dma_semaphore, #tpu.memory_space<semaphore_mem>>) src(%dma_wait3A_112 : memref<10000x128xf32, #tpu.memory_space<hbm>>) dst(%arg12 : memref<64x128xf32, #tpu.memory_space<vmem>>)
        %add3A_113 = arith.constant 3 : i32
        %add3A_114 = arith.addi %add3A_26, %add3A_113 : i32
        %dma_start3A_115 = arith.constant 0 : i32
        %dma_start3A_116 = tpu.memref_slice %arg8[%add3A_114, %dma_start3A_115] : memref<20x64xi32, #tpu.memory_space<vmem>> -> memref<1x64xi32, #tpu.memory_space<vmem>>
        %dma_start3A_117 = tpu.memref_squeeze %dma_start3A_116 : memref<1x64xi32, #tpu.memory_space<vmem>> -> memref<64xi32, #tpu.memory_space<vmem>>
        %dma_start3A_118 = arith.constant 0 : i32
        %dma_start3A_119 = arith.constant 0 : i32
        %dma_start3A_120 = tpu.memref_slice %arg14[%dma_start3A_118, %dma_start3A_119] : memref<10240x128xf32, #tpu.memory_space<vmem_shared>> -> memref<10240x128xf32, #tpu.memory_space<vmem_shared>>
        tpu.enqueue_indirect_dma source(%arg12 : memref<64x128xf32, #tpu.memory_space<vmem>>) target(%dma_start3A_120 : memref<10240x128xf32, #tpu.memory_space<vmem_shared>>) offsets(%dma_start3A_117 : memref<64xi32, #tpu.memory_space<vmem>>) semaphore(%arg23 : memref<!tpu.dma_semaphore, #tpu.memory_space<semaphore_mem>>) {add = true}
        %dma_wait3A_121 = arith.constant 0 : i32
        %dma_wait3A_122 = tpu.memref_slice %arg7[%add3A_59, %dma_wait3A_121] : memref<20x64xi32, #tpu.memory_space<vmem>> -> memref<1x64xi32, #tpu.memory_space<vmem>>
        %dma_wait3A_123 = tpu.memref_squeeze %dma_wait3A_122 : memref<1x64xi32, #tpu.memory_space<vmem>> -> memref<64xi32, #tpu.memory_space<vmem>>
        %dma_wait3A_124 = arith.constant 0 : i32
        %dma_wait3A_125 = arith.constant 0 : i32
        %dma_wait3A_126 = tpu.memref_slice %arg2[%dma_wait3A_124, %dma_wait3A_125] : memref<10000x128xf32, #tpu.memory_space<hbm>> -> memref<10000x128xf32, #tpu.memory_space<hbm>>
        tpu.wait_indirect_dma semaphore(%arg19 : memref<!tpu.dma_semaphore, #tpu.memory_space<semaphore_mem>>) src(%dma_wait3A_126 : memref<10000x128xf32, #tpu.memory_space<hbm>>) dst(%arg13 : memref<64x128xf32, #tpu.memory_space<vmem>>)
        %add3A_127 = arith.constant 4 : i32
        %add3A_128 = arith.addi %add3A_26, %add3A_127 : i32
        %dma_start3A_129 = arith.constant 0 : i32
        %dma_start3A_130 = tpu.memref_slice %arg8[%add3A_128, %dma_start3A_129] : memref<20x64xi32, #tpu.memory_space<vmem>> -> memref<1x64xi32, #tpu.memory_space<vmem>>
        %dma_start3A_131 = tpu.memref_squeeze %dma_start3A_130 : memref<1x64xi32, #tpu.memory_space<vmem>> -> memref<64xi32, #tpu.memory_space<vmem>>
        %dma_start3A_132 = arith.constant 0 : i32
        %dma_start3A_133 = arith.constant 0 : i32
        %dma_start3A_134 = tpu.memref_slice %arg14[%dma_start3A_132, %dma_start3A_133] : memref<10240x128xf32, #tpu.memory_space<vmem_shared>> -> memref<10240x128xf32, #tpu.memory_space<vmem_shared>>
        tpu.enqueue_indirect_dma source(%arg13 : memref<64x128xf32, #tpu.memory_space<vmem>>) target(%dma_start3A_134 : memref<10240x128xf32, #tpu.memory_space<vmem_shared>>) offsets(%dma_start3A_131 : memref<64xi32, #tpu.memory_space<vmem>>) semaphore(%arg24 : memref<!tpu.dma_semaphore, #tpu.memory_space<semaphore_mem>>) {add = true}
        %dma_wait3A_135 = arith.constant 0 : i32
        %dma_wait3A_136 = tpu.memref_slice %arg8[%add3A_72, %dma_wait3A_135] : memref<20x64xi32, #tpu.memory_space<vmem>> -> memref<1x64xi32, #tpu.memory_space<vmem>>
        %dma_wait3A_137 = tpu.memref_squeeze %dma_wait3A_136 : memref<1x64xi32, #tpu.memory_space<vmem>> -> memref<64xi32, #tpu.memory_space<vmem>>
        %dma_wait3A_138 = arith.constant 0 : i32
        %dma_wait3A_139 = arith.constant 0 : i32
        %dma_wait3A_140 = tpu.memref_slice %arg14[%dma_wait3A_138, %dma_wait3A_139] : memref<10240x128xf32, #tpu.memory_space<vmem_shared>> -> memref<10240x128xf32, #tpu.memory_space<vmem_shared>>
        tpu.wait_indirect_dma semaphore(%arg20 : memref<!tpu.dma_semaphore, #tpu.memory_space<semaphore_mem>>) src(%arg9 : memref<64x128xf32, #tpu.memory_space<vmem>>) dst(%dma_wait3A_140 : memref<10240x128xf32, #tpu.memory_space<vmem_shared>>)
        %dma_wait3A_141 = arith.constant 0 : i32
        %dma_wait3A_142 = tpu.memref_slice %arg8[%add3A_86, %dma_wait3A_141] : memref<20x64xi32, #tpu.memory_space<vmem>> -> memref<1x64xi32, #tpu.memory_space<vmem>>
        %dma_wait3A_143 = tpu.memref_squeeze %dma_wait3A_142 : memref<1x64xi32, #tpu.memory_space<vmem>> -> memref<64xi32, #tpu.memory_space<vmem>>
        %dma_wait3A_144 = arith.constant 0 : i32
        %dma_wait3A_145 = arith.constant 0 : i32
        %dma_wait3A_146 = tpu.memref_slice %arg14[%dma_wait3A_144, %dma_wait3A_145] : memref<10240x128xf32, #tpu.memory_space<vmem_shared>> -> memref<10240x128xf32, #tpu.memory_space<vmem_shared>>
        tpu.wait_indirect_dma semaphore(%arg21 : memref<!tpu.dma_semaphore, #tpu.memory_space<semaphore_mem>>) src(%arg10 : memref<64x128xf32, #tpu.memory_space<vmem>>) dst(%dma_wait3A_146 : memref<10240x128xf32, #tpu.memory_space<vmem_shared>>)
        %dma_wait3A_147 = arith.constant 0 : i32
        %dma_wait3A_148 = tpu.memref_slice %arg8[%add3A_100, %dma_wait3A_147] : memref<20x64xi32, #tpu.memory_space<vmem>> -> memref<1x64xi32, #tpu.memory_space<vmem>>
        %dma_wait3A_149 = tpu.memref_squeeze %dma_wait3A_148 : memref<1x64xi32, #tpu.memory_space<vmem>> -> memref<64xi32, #tpu.memory_space<vmem>>
        %dma_wait3A_150 = arith.constant 0 : i32
        %dma_wait3A_151 = arith.constant 0 : i32
        %dma_wait3A_152 = tpu.memref_slice %arg14[%dma_wait3A_150, %dma_wait3A_151] : memref<10240x128xf32, #tpu.memory_space<vmem_shared>> -> memref<10240x128xf32, #tpu.memory_space<vmem_shared>>
        tpu.wait_indirect_dma semaphore(%arg22 : memref<!tpu.dma_semaphore, #tpu.memory_space<semaphore_mem>>) src(%arg11 : memref<64x128xf32, #tpu.memory_space<vmem>>) dst(%dma_wait3A_152 : memref<10240x128xf32, #tpu.memory_space<vmem_shared>>)
        %dma_wait3A_153 = arith.constant 0 : i32
        %dma_wait3A_154 = tpu.memref_slice %arg8[%add3A_114, %dma_wait3A_153] : memref<20x64xi32, #tpu.memory_space<vmem>> -> memref<1x64xi32, #tpu.memory_space<vmem>>
        %dma_wait3A_155 = tpu.memref_squeeze %dma_wait3A_154 : memref<1x64xi32, #tpu.memory_space<vmem>> -> memref<64xi32, #tpu.memory_space<vmem>>
        %dma_wait3A_156 = arith.constant 0 : i32
        %dma_wait3A_157 = arith.constant 0 : i32
        %dma_wait3A_158 = tpu.memref_slice %arg14[%dma_wait3A_156, %dma_wait3A_157] : memref<10240x128xf32, #tpu.memory_space<vmem_shared>> -> memref<10240x128xf32, #tpu.memory_space<vmem_shared>>
        tpu.wait_indirect_dma semaphore(%arg23 : memref<!tpu.dma_semaphore, #tpu.memory_space<semaphore_mem>>) src(%arg12 : memref<64x128xf32, #tpu.memory_space<vmem>>) dst(%dma_wait3A_158 : memref<10240x128xf32, #tpu.memory_space<vmem_shared>>)
        %dma_wait3A_159 = arith.constant 0 : i32
        %dma_wait3A_160 = tpu.memref_slice %arg8[%add3A_128, %dma_wait3A_159] : memref<20x64xi32, #tpu.memory_space<vmem>> -> memref<1x64xi32, #tpu.memory_space<vmem>>
        %dma_wait3A_161 = tpu.memref_squeeze %dma_wait3A_160 : memref<1x64xi32, #tpu.memory_space<vmem>> -> memref<64xi32, #tpu.memory_space<vmem>>
        %dma_wait3A_162 = arith.constant 0 : i32
        %dma_wait3A_163 = arith.constant 0 : i32
        %dma_wait3A_164 = tpu.memref_slice %arg14[%dma_wait3A_162, %dma_wait3A_163] : memref<10240x128xf32, #tpu.memory_space<vmem_shared>> -> memref<10240x128xf32, #tpu.memory_space<vmem_shared>>
        tpu.wait_indirect_dma semaphore(%arg24 : memref<!tpu.dma_semaphore, #tpu.memory_space<semaphore_mem>>) src(%arg13 : memref<64x128xf32, #tpu.memory_space<vmem>>) dst(%dma_wait3A_164 : memref<10240x128xf32, #tpu.memory_space<vmem_shared>>)
      }
      %scan3A_21 = arith.constant 4 : i32
    }
    %scan3A_6 = arith.constant 8 : i32
    %barrier3A_7 = arith.constant 0 : index
    tpu.barrier barrier_id(%barrier3A_7)
    %mul3A_8 = arith.constant 640 : i32
    %mul3A_9 = arith.muli %arg1, %mul3A_8 : i32
    %mul3A_10 = arith.constant 640 : i32
    %mul3A_11 = arith.muli %arg1, %mul3A_10 : i32
    "tpu.region"() ({
      %run_scoped3A = tpu.sem_alloc : memref<!tpu.dma_semaphore, #tpu.memory_space<semaphore_mem>>
      %dma_start3A = arith.constant 0 : i32
      %dma_start3A_12 = tpu.memref_slice %arg6[%arg0, %mul3A_11, %dma_start3A] : memref<2x10240x128xf32, #tpu.memory_space<hbm>> -> memref<1x640x128xf32, #tpu.memory_space<hbm>>
      %dma_start3A_13 = tpu.memref_squeeze %dma_start3A_12 : memref<1x640x128xf32, #tpu.memory_space<hbm>> -> memref<640x128xf32, #tpu.memory_space<hbm>>
      %dma_start3A_14 = arith.constant 0 : i32
      %dma_start3A_15 = tpu.memref_slice %arg14[%mul3A_9, %dma_start3A_14] : memref<10240x128xf32, #tpu.memory_space<vmem_shared>> -> memref<640x128xf32, #tpu.memory_space<vmem_shared>>
      tpu.enqueue_dma source(%dma_start3A_15 : memref<640x128xf32, #tpu.memory_space<vmem_shared>>) target(%dma_start3A_13 : memref<640x128xf32, #tpu.memory_space<hbm>>) target_semaphore(%run_scoped3A : memref<!tpu.dma_semaphore, #tpu.memory_space<semaphore_mem>>)
      %dma_wait3A = arith.constant 0 : i32
      %dma_wait3A_16 = tpu.memref_slice %arg6[%arg0, %mul3A_11, %dma_wait3A] : memref<2x10240x128xf32, #tpu.memory_space<hbm>> -> memref<1x640x128xf32, #tpu.memory_space<hbm>>
      %dma_wait3A_17 = tpu.memref_squeeze %dma_wait3A_16 : memref<1x640x128xf32, #tpu.memory_space<hbm>> -> memref<640x128xf32, #tpu.memory_space<hbm>>
      %dma_wait3A_18 = arith.constant 0 : i32
      %dma_wait3A_19 = tpu.memref_slice %arg14[%mul3A_9, %dma_wait3A_18] : memref<10240x128xf32, #tpu.memory_space<vmem_shared>> -> memref<640x128xf32, #tpu.memory_space<vmem_shared>>
      tpu.wait_dma2 semaphore(%run_scoped3A : memref<!tpu.dma_semaphore, #tpu.memory_space<semaphore_mem>>) src(%dma_wait3A_19 : memref<640x128xf32, #tpu.memory_space<vmem_shared>>) dst(%dma_wait3A_17 : memref<640x128xf32, #tpu.memory_space<hbm>>)
      tpu.yield
    }) : () -> ()
    return
  }
}

module attributes {stable_mosaic.version = 14 : i64} {
  func.func @_layer_body(%arg0: i32, %arg1: memref<2000x128xf32, #tpu.memory_space<vmem>>, %arg2: memref<2x2000x128xf32, #tpu.memory_space<vmem>>, %arg3: memref<128x128xf32, #tpu.memory_space<vmem>>, %arg4: memref<1x128xf32, #tpu.memory_space<vmem>>, %arg5: memref<2000x128xf32, #tpu.memory_space<vmem>>) attributes {dimension_semantics = [#tpu.dimension_semantics<arbitrary>], iteration_bounds = array<i64: 5>, scalar_prefetch = 0 : i64, scratch_operands = 0 : i64, tpu.core_type = #tpu.core_type<tc>, window_params = [{transform_indices = @transform_0, window_bounds = array<i64: 2000, 128>}, {transform_indices = @transform_1, window_bounds = array<i64: 2, 2000, 128>}, {pipeline_mode = #tpu.pipeline_mode<synchronous>, transform_indices = @transform_2, window_bounds = array<i64: 128, 128>}, {pipeline_mode = #tpu.pipeline_mode<synchronous>, transform_indices = @transform_3, window_bounds = array<i64: 1, 128>}, {transform_indices = @transform_4, window_bounds = array<i64: 2000, 128>}]} {
    %get3A = arith.constant 0 : index
    %get3A_0 = arith.constant 0 : index
    %get3A_1 = vector.load %arg1[%get3A, %get3A_0] : memref<2000x128xf32, #tpu.memory_space<vmem>>, vector<2000x128xf32>
    %get3A_2 = arith.constant 0 : index
    %get3A_3 = arith.constant 0 : index
    %get3A_4 = arith.constant 0 : index
    %get3A_5 = vector.load %arg2[%get3A_2, %get3A_3, %get3A_4] : memref<2x2000x128xf32, #tpu.memory_space<vmem>>, vector<1x2000x128xf32>
    %get3A_6 = vector.shape_cast %get3A_5 : vector<1x2000x128xf32> to vector<2000x128xf32>
    %add3A = arith.addf %get3A_1, %get3A_6 : vector<2000x128xf32>
    %get3A_7 = arith.constant 1 : index
    %get3A_8 = arith.constant 0 : index
    %get3A_9 = arith.constant 0 : index
    %get3A_10 = vector.load %arg2[%get3A_7, %get3A_8, %get3A_9] : memref<2x2000x128xf32, #tpu.memory_space<vmem>>, vector<1x2000x128xf32>
    %get3A_11 = vector.shape_cast %get3A_10 : vector<1x2000x128xf32> to vector<2000x128xf32>
    %add3A_12 = arith.addf %add3A, %get3A_11 : vector<2000x128xf32>
    %get3A_13 = arith.constant 0 : index
    %get3A_14 = arith.constant 0 : index
    %get3A_15 = vector.load %arg3[%get3A_13, %get3A_14] : memref<128x128xf32, #tpu.memory_space<vmem>>, vector<128x128xf32>
    %dot_general3A = arith.constant dense<0.000000e+00> : vector<2000x128xf32>
    %dot_general3A_16 = tpu.matmul %add3A_12, %get3A_15, %dot_general3A {dimension_numbers = #tpu.dot_dimension_numbers<[1], [1], [0], [0], [0, 0, 1, 0], [], []>, transpose_lhs_hint = false} : vector<2000x128xf32>, vector<128x128xf32>, vector<2000x128xf32> -> vector<2000x128xf32>
    %get3A_17 = arith.constant 0 : index
    %get3A_18 = arith.constant 0 : index
    %get3A_19 = vector.load %arg4[%get3A_17, %get3A_18] : memref<1x128xf32, #tpu.memory_space<vmem>>, vector<1x128xf32>
    %add3A_20 = vector.broadcast %get3A_19 : vector<1x128xf32> to vector<2000x128xf32>
    %add3A_21 = arith.addf %dot_general3A_16, %add3A_20 : vector<2000x128xf32>
    %max3A = arith.constant 0.000000e+00 : f32
    %max3A_22 = vector.broadcast %max3A : f32 to vector<2000x128xf32>
    %max3A_23 = arith.maximumf %add3A_21, %max3A_22 : vector<2000x128xf32>
    %swap3A = arith.constant 0 : index
    %swap3A_24 = arith.constant 0 : index
    %swap3A_25 = vector.load %arg5[%swap3A, %swap3A_24] : memref<2000x128xf32, #tpu.memory_space<vmem>>, vector<2000x128xf32>
    tpu.vector_store %arg5[%swap3A, %swap3A_24], %max3A_23 {strides = array<i32>} : memref<2000x128xf32, #tpu.memory_space<vmem>>, vector<2000x128xf32>,
    return
  }
  func.func @transform_0(%arg0: i32) -> (i32, i32) {
    %c0_i32 = arith.constant 0 : i32
    %c0_i32_0 = arith.constant 0 : i32
    return %arg0, %c0_i32 : i32, i32
  }
  func.func @transform_1(%arg0: i32) -> (i32, i32, i32) {
    %c0_i32 = arith.constant 0 : i32
    %c0_i32_0 = arith.constant 0 : i32
    %c0_i32_1 = arith.constant 0 : i32
    return %c0_i32, %arg0, %c0_i32_0 : i32, i32, i32
  }
  func.func @transform_2(%arg0: i32) -> (i32, i32) {
    %c0_i32 = arith.constant 0 : i32
    %c0_i32_0 = arith.constant 0 : i32
    %c0_i32_1 = arith.constant 0 : i32
    return %c0_i32, %c0_i32_0 : i32, i32
  }
  func.func @transform_3(%arg0: i32) -> (i32, i32) {
    %c0_i32 = arith.constant 0 : i32
    %c0_i32_0 = arith.constant 0 : i32
    %c0_i32_1 = arith.constant 0 : i32
    return %c0_i32, %c0_i32_0 : i32, i32
  }
  func.func @transform_4(%arg0: i32) -> (i32, i32) {
    %c0_i32 = arith.constant 0 : i32
    %c0_i32_0 = arith.constant 0 : i32
    return %arg0, %c0_i32 : i32, i32
  }
}

module attributes {stable_mosaic.version = 14 : i64} {
  func.func @_pool_body(%arg0: memref<10000x128xf32, #tpu.memory_space<vmem>>, %arg1: memref<1x10000xi32, #tpu.memory_space<vmem>>, %arg2: memref<128x128xf32, #tpu.memory_space<vmem>>, %arg3: memref<1x128xf32, #tpu.memory_space<vmem>>, %arg4: memref<64x128xf32, #tpu.memory_space<vmem>>) attributes {dimension_semantics = [], scalar_prefetch = 0 : i64, scratch_operands = 0 : i64, tpu.core_type = #tpu.core_type<tc>} {
    %iota3A = tpu.iota {dimensions = array<i32: 0>} : vector<64x10000xi32>
    %get3A = arith.constant 0 : index
    %get3A_0 = arith.constant 0 : index
    %get3A_1 = vector.load %arg1[%get3A, %get3A_0] : memref<1x10000xi32, #tpu.memory_space<vmem>>, vector<1x10000xi32>
    %eq3A = vector.broadcast %get3A_1 : vector<1x10000xi32> to vector<64x10000xi32>
    %eq3A_2 = arith.cmpi eq, %iota3A, %eq3A : vector<64x10000xi32>
    %convert_element_type3A = arith.extui %eq3A_2 : vector<64x10000xi1> to vector<64x10000xi32>
    %convert_element_type3A_3 = arith.sitofp %convert_element_type3A : vector<64x10000xi32> to vector<64x10000xf32>
    %get3A_4 = arith.constant 0 : index
    %get3A_5 = arith.constant 0 : index
    %get3A_6 = vector.load %arg0[%get3A_4, %get3A_5] : memref<10000x128xf32, #tpu.memory_space<vmem>>, vector<10000x128xf32>
    %dot_general3A = arith.constant dense<0.000000e+00> : vector<64x128xf32>
    %dot_general3A_7 = tpu.matmul %convert_element_type3A_3, %get3A_6, %dot_general3A {dimension_numbers = #tpu.dot_dimension_numbers<[1], [0], [0], [1], [0, 0, 1, 1], [], []>, transpose_lhs_hint = false} : vector<64x10000xf32>, vector<10000x128xf32>, vector<64x128xf32> -> vector<64x128xf32>
    %reduce_sum3A = arith.constant dense<0.000000e+00> : vector<64xf32>
    %reduce_sum3A_8 = vector.multi_reduction <add>, %convert_element_type3A_3, %reduce_sum3A [1] : vector<64x10000xf32> to vector<64xf32>
    %broadcast_in_dim3A = vector.shape_cast %reduce_sum3A_8 : vector<64xf32> to vector<64x1xf32>
    %max3A = arith.constant 1.000000e+00 : f32
    %max3A_9 = vector.broadcast %max3A : f32 to vector<64x1xf32>
    %max3A_10 = arith.maximumf %broadcast_in_dim3A, %max3A_9 : vector<64x1xf32>
    %div3A = vector.broadcast %max3A_10 : vector<64x1xf32> to vector<64x128xf32>
    %div3A_11 = arith.divf %dot_general3A_7, %div3A : vector<64x128xf32>
    %get3A_12 = arith.constant 0 : index
    %get3A_13 = arith.constant 0 : index
    %get3A_14 = vector.load %arg2[%get3A_12, %get3A_13] : memref<128x128xf32, #tpu.memory_space<vmem>>, vector<128x128xf32>
    %dot_general3A_15 = arith.constant dense<0.000000e+00> : vector<64x128xf32>
    %dot_general3A_16 = tpu.matmul %div3A_11, %get3A_14, %dot_general3A_15 {dimension_numbers = #tpu.dot_dimension_numbers<[1], [1], [0], [0], [0, 0, 1, 0], [], []>, transpose_lhs_hint = false} : vector<64x128xf32>, vector<128x128xf32>, vector<64x128xf32> -> vector<64x128xf32>
    %get3A_17 = arith.constant 0 : index
    %get3A_18 = arith.constant 0 : index
    %get3A_19 = vector.load %arg3[%get3A_17, %get3A_18] : memref<1x128xf32, #tpu.memory_space<vmem>>, vector<1x128xf32>
    %add3A = vector.broadcast %get3A_19 : vector<1x128xf32> to vector<64x128xf32>
    %add3A_20 = arith.addf %dot_general3A_16, %add3A : vector<64x128xf32>
    %swap3A = arith.constant 0 : index
    %swap3A_21 = arith.constant 0 : index
    %swap3A_22 = vector.load %arg4[%swap3A, %swap3A_21] : memref<64x128xf32, #tpu.memory_space<vmem>>, vector<64x128xf32>
    tpu.vector_store %arg4[%swap3A, %swap3A_21], %add3A_20 {strides = array<i32>} : memref<64x128xf32, #tpu.memory_space<vmem>>, vector<64x128xf32>,
    return
  }
}

</mosaic_0001>

<sc_bundles>
// kernel: kernel.12.cloned.1.call-start
scs
__scs_entry_jumppad:
0x0: {  	(pc) =	sbr.rel $0x88, $3  }
0x1: {  	(tag) =	ssettag $0x0;
	lr =	simm.s32 $0x1  }
0x2: {  	[smem:$0x3F96] =	sst lr;
	_ =	strace $0xD0000000  }
0x3: {  	_ = 	snop  }
0x4: {  	_ = 	snop  }
0x5: {  	_ = 	snop  }
0x6: {  	_ = 	snop  }
0x7: {  	_ = 	snop  }
__scs_overlays_trampoline_lowered:
0x8: {  	[smem:$0x3FA5] =	sst s0  }
0x9: {  	[smem:$0x3FA6] =	sst s1  }
0xa: {  	[smem:$0x3FA7] =	sst s2  }
0xb: {  	[smem:$0x3FA8] =	sst s3  }
0xc: {  	[smem:$0x3FA9] =	sst s4  }
0xd: {  	[smem:$0x3FAA] =	sst s5  }
0xe: {  	[smem:$0x3FAB] =	sst s6  }
0xf: {  	[smem:$0x3FAC] =	sst s7  }
0x10: {  	[smem:$0x3FAD] =	sst s8  }
0x11: {  	[smem:$0x3FAE] =	sst s9;
	s0 =	simm.s32 @!p0 $0x0  }
0x12: {  	s1 =	sld [smem:$0x3F94];
	s0 =	simm.s32 @p0 $0x1  }
0x13: {  	[smem:$0x3FAF] =	sst s0;
	s0 =	simm.s32 @!p1 $0x0  }
0x14: {  	s2 =	sld [smem:$0x3F93];
	s0 =	simm.s32 @p1 $0x1  }
0x15: {  	[smem:$0x3FB0] =	sst s0;
	s0 =	simm.s32 @!p2 $0x0  }
0x16: {  	s3 =	sld [smem:$0x3FDB];
	s0 =	simm.s32 @p2 $0x1  }
0x17: {  	s4 =	simm.s32 $0x1BF5;
	[smem:$0x3FB2] =	sst s0  }
0x18: {  	s0 =	sld [smem:$0x3F95];
	_ =	swait.ge [sflag:s4], $0x0  }
0x19: {  	s7 =	sld [smem:$0x3F96]  }
0x1a: {  	s8 =	sadd.s32 $0xFFFFE003, lr  }
0x1b: {  	s9 =	sadd.s32 $0xFFFFFEF7, lr;
	s5 =	simm.s32 $0xFFFFFFFF;
	p2 =	slt.u32 s8, $0xFFFFF086  }
0x1c: {  	p1 =	slt.u32 s9, $0xF7A;
	s5 =	simm.s32 @!p2 $0x0  }
0x1d: {  	s5 =	simm.s32 @p1 $0x1;
	p0 =	seq.s32 s7, s2  }
0x1e: {  	s7 =	smul.u32 @!p0 $0xF7A, s2;
	p2 =	seq.s32 @!p0 s5, $0x0  }
0x1f: {  	s9 =	smul.u32 $0xF7A, s1;
	s8 =	simm.s32 @!p0 $0x1BF5;
	p2 =	por !p2, p0  }
0x20: {  	[sflag:s8] =	ssyncset.s32 @!p0 $0xFFFFF086;
	s6 =	sadd.s32 @!p0 s3, s7;
	s7 =	simm.s32 @!p0 $0x108  }
0x21: {  	s3 =	sadd.s32 s3, s9;
	s6 =	sadd.s32 @!p0 $0x88, s6;
	s7 =	simm.s32 @p2 $0x1082  }
0x22: {  	[simem:s7], [sflag:s8] =	dma.local @!p0 [hbm:s6], $0xF7A  }
0x23: {  	s9 =	sor.u32 $0xD0000000, s2;
	s6 =	simm.s32 $0x108;
	_ =	swait.ge @!p0 [sflag:s8], $0x0  }
0x24: {  	s3 =	sadd.s32 $0x88, s3;
	s6 =	simm.s32 @!p1 $0x1082;
	[sflag:s4] =	ssyncset.s32 $0xFFFFF086  }
0x25: {  	[simem:s6], [sflag:s4] =	dma.local [hbm:s3], $0xF7A  }
0x26: {  	[smem:$0x3F96] =	sst s1;
	(tag) =	ssettag s2;
	_ =	strace s9  }
0x27: {  	s1 =	sld [smem:$0x3FA6]  }
0x28: {  	s2 =	sld [smem:$0x3FA7]  }
0x29: {  	s4 =	sld [smem:$0x3FA9]  }
0x2a: {  	p0 =	seq.s32 s5, $0x0;
	s5 =	sld [smem:$0x3FAA]  }
0x2b: {  	s6 =	sld [smem:$0x3FAB]  }
0x2c: {  	s7 =	sld [smem:$0x3FAC]  }
0x2d: {  	s3 =	simm.s32 $0x108;
	s8 =	sld [smem:$0x3FAD]  }
0x2e: {  	s3 =	simm.s32 @!p0 $0x1082;
	s9 =	sld [smem:$0x3FAE]  }
0x2f: {  	lr =	sadd.s32 s0, s3;
	s0 =	sld [smem:$0x3FA5]  }
0x30: {  	s3 =	sld [smem:$0x3FA8]  }
0x31: {  	[smem:$0x3FB1] =	sst s10  }
0x32: {  	s10 =	sld [smem:$0x3FAF];
	_ =	sdelay $0x3  }
0x33: {  	p0 =	seq.s32 s10, $0x1;
	s10 =	sld [smem:$0x3FB1];
	_ =	sdelay $0x3  }
0x34: {  	[smem:$0x3FB1] =	sst s10  }
0x35: {  	s10 =	sld [smem:$0x3FB0];
	_ =	sdelay $0x3  }
0x36: {  	p1 =	seq.s32 s10, $0x1;
	s10 =	sld [smem:$0x3FB1];
	_ =	sdelay $0x3  }
0x37: {  	[smem:$0x3FB1] =	sst s10  }
0x38: {  	s10 =	sld [smem:$0x3FB2]  }
0x39: {  	_ = 	snop;
	(pc) =	sbr.ind lr, $3  }
0x3a: {  	_ = 	snop  }
0x3b: {  	_ = 	snop  }
0x3c: {  	p2 =	seq.s32 s10, $0x1;
	s10 =	sld [smem:$0x3FB1]  }
0x3d: {  	_ =	shalt  }
0x3e: {  	_ =	shalt  }
0x3f: {  	_ =	shalt  }
0x40: {  	_ =	shalt  }
0x41: {  	_ =	shalt  }
0x42: {  	_ =	shalt  }
0x43: {  	_ =	shalt  }
0x44: {  	_ =	shalt  }
0x45: {  	_ =	shalt  }
0x46: {  	_ =	shalt  }
0x47: {  	_ =	shalt  }
0x48: {  	_ =	shalt  }
0x49: {  	_ =	shalt  }
0x4a: {  	_ =	shalt  }
0x4b: {  	_ =	shalt  }
0x4c: {  	_ =	shalt  }
0x4d: {  	_ =	shalt  }
0x4e: {  	_ =	shalt  }
0x4f: {  	_ =	shalt  }
0x50: {  	_ =	shalt  }
0x51: {  	_ =	shalt  }
0x52: {  	_ =	shalt  }
0x53: {  	_ =	shalt  }
0x54: {  	_ =	shalt  }
0x55: {  	_ =	shalt  }
0x56: {  	_ =	shalt  }
0x57: {  	_ =	shalt  }
0x58: {  	_ =	shalt  }
0x59: {  	_ =	shalt  }
0x5a: {  	_ =	shalt  }
0x5b: {  	_ =	shalt  }
0x5c: {  	_ =	shalt  }
0x5d: {  	_ =	shalt  }
0x5e: {  	_ =	shalt  }
0x5f: {  	_ =	shalt  }
0x60: {  	_ =	shalt  }
0x61: {  	_ =	shalt  }
0x62: {  	_ =	shalt  }
0x63: {  	_ =	shalt  }
0x64: {  	_ =	shalt  }
0x65: {  	_ =	shalt  }
0x66: {  	_ =	shalt  }
0x67: {  	_ =	shalt  }
0x68: {  	_ =	shalt  }
0x69: {  	_ =	shalt  }
0x6a: {  	_ =	shalt  }
0x6b: {  	_ =	shalt  }
0x6c: {  	_ =	shalt  }
0x6d: {  	_ =	shalt  }
0x6e: {  	_ =	shalt  }
0x6f: {  	_ =	shalt  }
0x70: {  	_ =	shalt  }
0x71: {  	_ =	shalt  }
0x72: {  	_ =	shalt  }
0x73: {  	_ =	shalt  }
0x74: {  	_ =	shalt  }
0x75: {  	_ =	shalt  }
0x76: {  	_ =	shalt  }
0x77: {  	_ =	shalt  }
0x78: {  	_ =	shalt  }
0x79: {  	_ =	shalt  }
0x7a: {  	_ =	shalt  }
0x7b: {  	_ =	shalt  }
0x7c: {  	_ =	shalt  }
0x7d: {  	_ =	shalt  }
0x7e: {  	_ =	shalt  }
0x7f: {  	_ =	shalt  }
0x80: {  	_ =	shalt  }
0x81: {  	_ =	shalt  }
0x82: {  	_ =	shalt  }
0x83: {  	_ =	shalt  }
0x84: {  	_ =	shalt  }
0x85: {  	_ =	shalt  }
0x86: {  	_ =	shalt  }
0x87: {  	_ =	shalt  }
.Lfunc_end0:
.L_simem_size_0:
called_computation.1_lowered:
.L_overlay_start_0:
0x88: {  	s2 =	sld [smem:$0x3FD9]  }
0x89: {  	s3 =	sld [smem:$0x3FFE];
	_ =	sdelay $0x1  }
0x8a: {  	s1 =	srdreg.scid  }
0x8b: {  	s0 =	sand.u32 $0x1, s1  }
0x8c: {  	s16 =	sshll.u32 s0, $0xA;
	s2 =	sadd.s32 s3, s2  }
0x8d: {  	s2 =	sadd.s32 s2, s16  }
0x8e: {  	[smem:$0x3FBD] =	sst s2  }
0x8f: {  	_ = 	snop  }
0x90: {  	(tm) =	ssettm $0x1  }
0x91: {  	s17 =	sld [smem:$0x3FFB];
	_ =	sdelay $0x3  }
0x92: {  	_ =	strace s17  }
0x93: {  	s2 =	sld [smem:$0x3FFC];
	_ =	sdelay $0x3  }
0x94: {  	_ =	strace s2  }
0x95: {  	s2 =	sld [smem:$0x3FFD];
	_ =	sdelay $0x3  }
0x96: {  	_ =	strace s2  }
0x97: {  	_ =	strace $0x8FFFFFFF  }
0x98: {  	s18 =	sld [smem:$0x3FDB];
	_ =	sdelay $0x1  }
0x99: {  	s19 =	simm.s32 $_scs_section_size  }
0x9a: {  	s4 =	simm.s32 $_size__tile_overlayer_lowered;
	s5 =	simm.s32 $_tile_overlayer_lowered  }
0x9b: {  	s22 =	simm.s32 $0x1BFF;
	s21 =	sshll.u32 s5, $0x1;
	s2 =	sadd.s32 s19, s18  }
0x9c: {  	s6 =	simm.s32 $0x0;
	s20 =	sshll.u32 s4, $0x1;
	s4 =	sadd.s32 s21, s2  }
0x9d: {  	[timem:s6], [sflag:s22] =	dma.local [hbm:s4], s20  }
0x9e: {  	_ =	swait.ge [sflag:s22], s20  }
0x9f: {  	s3 =	ssub.s32 $0x0, s20;
	[sflag:s22] =	ssyncset.done $0x0  }
0xa0: {  	[sflag:s22] =	ssyncadd.s32 s3;
	_ =	sdelay $0x1  }
0xa1: {  	s23 =	simm.s32 $0x1B8B  }
0xa2: {  	_ =	swait.ge [sflag:s23], $0x1  }
0xa3: {  	[sflag:s23] =	ssyncset.done $0x0  }
0xa4: {  	s25 =	simm.s32 $0x1B8E;
	s24 =	sld [smem:$0x3FFE];
	[sflag:s23] =	ssyncadd.s32 $0xFFFFFFFF  }
0xa5: {  	s26 =	simm.s32 $execute0_lowered;
	[smem:$0x3FD2] =	sst s25  }
0xa6: {  	s4 =	sshll.u32 s26, $0x1;
	_ =	strace $0x80000049;
	[dreg:$0x1] =	wrdreg $0xFFFFFFFF  }
0xa7: {  	s28 =	simm.s32 $_size_execute0_lowered;
	s2 =	sadd.s32 s2, s4;
	[dreg:$0x0] =	wrdreg $0x0  }
0xa8: {  	s4 =	sshll.u32 s28, $0x1;
	[dreg:$0x2] =	wrdreg s2  }
0xa9: {  	[dreg:$0x3] =	wrdreg s4  }
0xaa: {  	[dreg:$0x4] =	wrdreg $0xC0  }
0xab: {  	_ =	task [dreg:s6], $0x5FFFF  }
0xac: {  	[dreg:$0x1] =	wrdreg $0xFFFFFFFF  }
0xad: {  	[dreg:$0x0] =	wrdreg $0x60  }
0xae: {  	[dreg:$0x2] =	wrdreg s24  }
0xaf: {  	[dreg:$0x3] =	wrdreg $0xB8000  }
0xb0: {  	[dreg:$0x4] =	wrdreg $0x9  }
0xb1: {  	_ =	task.clear_ibuf [dreg:s6], $0x5FFFF;
	_ =	strace $0x90000049  }
0xb2: {  	s29 =	simm.s32 $0x9;
	_ =	strace $0x8000004B  }
0xb3: {  	_ =	swait.ge [sflag:s29], $0x1  }
0xb4: {  	[sflag:s29] =	ssyncadd.s32 $0xFFFFFFFF  }
0xb5: {  	_ =	strace $0x9000004B  }
0xb6: {  	_ =	sfence  }
0xb7: {  	s30 =	sld [smem:$0x0];
	_ =	sdelay $0x2  }
0xb8: {  	s31 =	sshll.u32 s1, $0xD;
	s1 =	sshrl.u32 s1, $0x2  }
0xb9: {  	s3 =	sand.u32 $0x4000, s31;
	s1 =	sadd.s32 s1, s30  }
0xba: {  	s0 =	sor.u32 s3, s0;
	s1 =	sshll.u32 s1, $0x11  }
0xbb: {  	s0 =	sor.u32 s1, s0  }
0xbc: {  	s0 =	sadd.s32 $0x8F2B, s0  }
0xbd: {  	[sflag:s0] =	ssyncadd.remote.s32 $0x1  }
0xbe: {  	_ =	sfence.sel $0xFFFF  }
0xbf: {  	[dreg:$0x0] =	wrdreg $0xFFFFFFFF;
	(pc) =	sbr.abs _section_cstart, $3  }
0xc0: {  	[dreg:$0x1] =	wrdreg $0xFFFFFFFF  }
0xc1: {  	_ =	task.clear_ibuf [dreg:s6], $0x2FFFF;
	_ =	strace $0x9FFFFFFF  }
0xc2: {  	(tm) =	ssettm $0x7FFFFFFF  }
0xc3: {  	_ =	shalt  }
tec
execute0_lowered:
.L_overlay_start_1:
0x0: {  	(tag) =	ssettag $0x1  }
0x1: {  	s0 =	srdreg.scid;
	s8 =	stileid.u32  }
0x2: {  	s0 =	sand.u32 $0x1, s0;
	s3 =	smul.u32 $0x6000, s8  }
0x3: {  	s1 =	smul.u32 $0x60000, s0  }
0x4: {  	s5 =	rddreg [dreg:$0x0]  }
0x5: {  	s2 =	rddreg [dreg:$0x1];
	s1 =	sadd.s32 s3, s1;
	s3 =	simm.s32 $0x0  }
0x6: {  	s10 =	simm.s32 $0x80;
	[smem:$0x7FF] =	sst s3  }
0x7: {  	s11 =	simm.s32 $0x100;
	_ =	strace $0x8000004A;
	[dreg:$0x5] =	wrdreg s10  }
0x8: {  	s9 =	sadd.s32 $0x32C00, s5;
	[dreg:$0x6] =	wrdreg s11  }
0x9: {  	s12 =	simm.s32 $0x180;
	[smem:$0x7F4] =	sst s9  }
0xa: {  	s13 =	simm.s32 $0x200;
	s14 =	simm.s32 $0xC80;
	[dreg:$0x7] =	wrdreg s12  }
0xb: {  	s15 =	simm.s32 $0xD00;
	s16 =	simm.s32 $0xD80;
	[dreg:$0x8] =	wrdreg s13  }
0xc: {  	s17 =	simm.s32 $0xE00;
	s19 =	simm.s32 $0x280;
	[dreg:$0x9] =	wrdreg s14  }
0xd: {  	s21 =	simm.s32 $0x300;
	s22 =	simm.s32 $0x380;
	[dreg:$0xa] =	wrdreg s15  }
0xe: {  	s24 =	simm.s32 $0x400;
	s25 =	simm.s32 $0x480;
	[dreg:$0xb] =	wrdreg s16  }
0xf: {  	s28 =	simm.s32 $0xA;
	s29 =	simm.s32 $0x980;
	[dreg:$0xc] =	wrdreg s17  }
0x10: {  	s30 =	simm.s32 $0x1380;
	s7 =	smul.u32 $0x14000, s8;
	[dreg:$0xd] =	wrdreg s19  }
0x11: {  	s31 =	simm.s32 $0x1400;
	s20 =	smul.u32 $0x50000, s8;
	[dreg:$0xe] =	wrdreg s21  }
0x12: {  	s6 =	smul.u32 $0x140000, s0;
	s0 =	ssub.s32 $0x2, s0;
	[dreg:$0xf] =	wrdreg s22  }
0x13: {  	s26 =	sshll.u32 s8, $0x6;
	s18 =	sshrl.u32 s0, $0x1;
	[dreg:$0x10] =	wrdreg s24  }
0x14: {  	s8 =	simm.s32 $0xE80;
	s0 =	ssub.s32 s0, s18;
	[dreg:$0x11] =	wrdreg s25  }
0x15: {  	s23 =	sshrl.u32 s20, $0x2;
	s0 =	smax.u32 s0, $0x1;
	[dreg:$0x12] =	wrdreg s8  }
0x16: {  	s20 =	simm.s32 $0x1200;
	s18 =	simm.s32 $0x1100;
	[smem:$0x7F6] =	sst s0  }
0x17: {  	s6 =	sadd.s32 s7, s6;
	s7 =	sor.u32 $0x1C0B, s26;
	[dreg:$0x1c] =	wrdreg s18  }
0x18: {  	s26 =	simm.s32 $0x900;
	s1 =	sshrl.u32 s1, $0x3;
	[dreg:$0x1e] =	wrdreg s20  }
0x19: {  	s6 =	sshrl.u32 s6, $0x3;
	s1 =	sadd.s32 s1, s5;
	[smem:$0x7FB] =	sst s26  }
0x1a: {  	s9 =	simm.s32 $0xF00;
	s10 =	simm.s32 $0xF80;
	[smem:$0x7FC] =	sst s7  }
0x1b: {  	s11 =	simm.s32 $0x1000;
	s12 =	simm.s32 $0x1080;
	[dreg:$0x13] =	wrdreg s9  }
0x1c: {  	s13 =	simm.s32 $0x500;
	s14 =	simm.s32 $0x580;
	[dreg:$0x14] =	wrdreg s10  }
0x1d: {  	s15 =	simm.s32 $0x600;
	s16 =	simm.s32 $0x680;
	[dreg:$0x15] =	wrdreg s11  }
0x1e: {  	s17 =	simm.s32 $0x700;
	s19 =	simm.s32 $0x1180;
	[dreg:$0x16] =	wrdreg s12  }
0x1f: {  	s18 =	simm.s32 $0x1;
	s21 =	simm.s32 $0x1280;
	[dreg:$0x17] =	wrdreg s13  }
0x20: {  	s22 =	simm.s32 $0x1300;
	s20 =	simm.s32 $0x3;
	[dreg:$0x18] =	wrdreg s14  }
0x21: {  	s24 =	simm.s32 $0x800;
	s25 =	simm.s32 $0x880;
	[dreg:$0x19] =	wrdreg s15  }
0x22: {  	s26 =	simm.s32 $0x9;
	s0 =	simm.s32 $0x1500;
	[dreg:$0x1a] =	wrdreg s16  }
0x23: {  	s4 =	sadd.s32 $0x2C00, s1;
	s1 =	sadd.s32 $0x1AC00, s1;
	[dreg:$0x1b] =	wrdreg s17  }
0x24: {  	s10 =	simm.s32 $0xB;
	s11 =	simm.s32 $0xC00;
	[dreg:$0x1d] =	wrdreg s19  }
0x25: {  	s12 =	simm.s32 $0x40;
	s13 =	simm.s32 $0x1800;
	[dreg:$0x1f] =	wrdreg s21  }
0x26: {  	s14 =	simm.s32 $0x3800;
	s15 =	simm.s32 $0x5800;
	[smem:$0x7F7] =	sst s22  }
0x27: {  	s16 =	simm.s32 $0x7800;
	s17 =	simm.s32 $0x9800;
	[smem:$0x7F9] =	sst s24  }
0x28: {  	s19 =	simm.s32 $0x2;
	s21 =	simm.s32 $0x4;
	[smem:$0x7FA] =	sst s25  }
0x29: {  	s22 =	simm.s32 $0x5;
	s24 =	simm.s32 $0x7;
	[dreg:$0x3] =	wrdreg s4  }
0x2a: {  	s25 =	simm.s32 $0x8;
	s4 =	sadd.s32 $0x35400, s5;
	[dreg:$0x4] =	wrdreg s1  }
0x2b: {  	s5 =	sadd.s32 s6, s5;
	s6 =	sadd.s32 s23, s2;
	s23 =	simm.s32 $0x780  }
0x2c: {  	s9 =	simm.s32 $0x0;
	s5 =	sadd.s32 $0x5C600, s5;
	[smem:$0x7F8] =	sst s23  }
0x2d: {  	s1 =	simm.s32 $0x1480;
	s8 =	sshrl.u32 s6, $0x3;
	[smem:$0x7F5] =	sst s5  }
0x2e: {  	s23 =	simm.s32 $0x6;
	s5 =	simm.s32 $0x1580;
	[smem:$0x7FD] =	sst s8  }
.LBB2_1:
0x2f: {  	s6 =	sld [smem:$0x7F4];
	_ =	sdelay $0x1  }
0x30: {  	[smem:$0x7F3] =	sst s9  }
0x31: {  	[spmem:s8], [sflag:s7] =	dma.local [hbm:s6], $0x2800  }
0x32: {  	_ =	swait.ge [sflag:s10], $0x2800  }
0x33: {  	[sflag:s10] =	ssyncset.done $0x0  }
0x34: {  	[sflag:s10] =	ssyncadd.s32 $0xFFFFD800  }
0x35: {  	[bflag:$0x0] =	sbarrier.arrive $0xFFFF  }
0x36: {  	s9 =	rddreg [dreg:$0x4]  }
0x37: {  	s6 =	sadd.s32 $0x0, s9  }
0x38: {  	[tilespmem:s3], [sflag:$0xB] =	stream.linear.gather [hbm4b:s6+s3], $0xA00, $0x38;
	[tilespmem:$0x1F800] =	vst v63  }
0x39: {  	_ =	swait.ge [sflag:s10], $0xA00  }
0x3a: {  	s7 =	rddreg [dreg:$0x3];
	[sflag:s10] =	ssyncset.done $0x0  }
0x3b: {  	[sflag:s10] =	ssyncadd.s32 $0xFFFFF600;
	s6 =	sadd.s32 $0x0, s7  }
0x3c: {  	[tilespmem:s11], [sflag:$0xB] =	stream.linear.gather [hbm4b:s6+s3], $0xA00, $0x38;
	[tilespmem:$0x1F800] =	vst v63  }
0x3d: {  	_ =	swait.ge [sflag:s10], $0xA00  }
0x3e: {  	[sflag:s10] =	ssyncset.done $0x0  }
0x3f: {  	[sflag:s10] =	ssyncadd.s32 $0xFFFFF600  }
0x40: {  	[tilespmem:s13], [sflag:$0x1] =	stream.indirect.gather [hbm4b:s4+s12], $0x80, s3, s12, $0xb8;
	[tilespmem:$0x1F800] =	vst v63  }
0x41: {  	s8 =	rddreg [dreg:$0x5]  }
0x42: {  	[tilespmem:s14], [sflag:$0x2] =	stream.indirect.gather [hbm4b:s4+s12], $0x80, s8, s12, $0xb8;
	[tilespmem:$0x1F800] =	vst v63  }
0x43: {  	s9 =	rddreg [dreg:$0x6]  }
0x44: {  	[tilespmem:s15], [sflag:$0x3] =	stream.indirect.gather [hbm4b:s4+s12], $0x80, s9, s12, $0xb8;
	[tilespmem:$0x1F800] =	vst v63  }
0x45: {  	s7 =	rddreg [dreg:$0x7]  }
0x46: {  	[tilespmem:s16], [sflag:$0x4] =	stream.indirect.gather [hbm4b:s4+s12], $0x80, s7, s12, $0xb8;
	[tilespmem:$0x1F800] =	vst v63  }
0x47: {  	s9 =	rddreg [dreg:$0x8]  }
0x48: {  	[tilespmem:s17], [sflag:$0x5] =	stream.indirect.gather [hbm4b:s4+s12], $0x80, s9, s12, $0xb8;
	[tilespmem:$0x1F800] =	vst v63  }
0x49: {  	_ =	swait.ge [sflag:s18], $0x2000  }
0x4a: {  	[sflag:s18] =	ssyncset.done $0x0  }
0x4b: {  	[sflag:s18] =	ssyncadd.s32 $0xFFFFE000  }
0x4c: {  	[spmem:s2] =	stream.indirect.scatter.add.f32 [tilespmem:s13], [sflag:$0x6], $0x80, s11, s12, $0xb8;
	[tilespmem:$0x1F800] =	vst v63  }
0x4d: {  	_ =	swait.ge [sflag:s19], $0x2000  }
0x4e: {  	[sflag:s19] =	ssyncset.done $0x0  }
0x4f: {  	s7 =	rddreg [dreg:$0x9];
	[sflag:s19] =	ssyncadd.s32 $0xFFFFE000  }
0x50: {  	[spmem:s2] =	stream.indirect.scatter.add.f32 [tilespmem:s14], [sflag:$0x7], $0x80, s7, s12, $0xb8;
	[tilespmem:$0x1F800] =	vst v63  }
0x51: {  	_ =	swait.ge [sflag:s20], $0x2000  }
0x52: {  	[sflag:s20] =	ssyncset.done $0x0  }
0x53: {  	s8 =	rddreg [dreg:$0xa];
	[sflag:s20] =	ssyncadd.s32 $0xFFFFE000  }
0x54: {  	[spmem:s2] =	stream.indirect.scatter.add.f32 [tilespmem:s15], [sflag:$0x8], $0x80, s8, s12, $0xb8;
	[tilespmem:$0x1F800] =	vst v63  }
0x55: {  	_ =	swait.ge [sflag:s21], $0x2000  }
0x56: {  	[sflag:s21] =	ssyncset.done $0x0  }
0x57: {  	s9 =	rddreg [dreg:$0xb];
	[sflag:s21] =	ssyncadd.s32 $0xFFFFE000  }
0x58: {  	[spmem:s2] =	stream.indirect.scatter.add.f32 [tilespmem:s16], [sflag:$0x9], $0x80, s9, s12, $0xb8;
	[tilespmem:$0x1F800] =	vst v63  }
0x59: {  	_ =	swait.ge [sflag:s22], $0x2000  }
0x5a: {  	[sflag:s22] =	ssyncset.done $0x0  }
0x5b: {  	s7 =	rddreg [dreg:$0xc];
	[sflag:s22] =	ssyncadd.s32 $0xFFFFE000  }
0x5c: {  	[spmem:s2] =	stream.indirect.scatter.add.f32 [tilespmem:s17], [sflag:$0xA], $0x80, s7, s12, $0xb8;
	[tilespmem:$0x1F800] =	vst v63  }
0x5d: {  	_ =	swait.ge [sflag:s23], $0x2000  }
0x5e: {  	[sflag:s23] =	ssyncset.done $0x0  }
0x5f: {  	[sflag:s23] =	ssyncadd.s32 $0xFFFFE000  }
0x60: {  	_ =	swait.ge [sflag:s24], $0x2000  }
0x61: {  	[sflag:s24] =	ssyncset.done $0x0  }
0x62: {  	[sflag:s24] =	ssyncadd.s32 $0xFFFFE000  }
0x63: {  	_ =	swait.ge [sflag:s25], $0x2000  }
0x64: {  	[sflag:s25] =	ssyncset.done $0x0  }
0x65: {  	[sflag:s25] =	ssyncadd.s32 $0xFFFFE000  }
0x66: {  	_ =	swait.ge [sflag:s26], $0x2000  }
0x67: {  	[sflag:s26] =	ssyncset.done $0x0  }
0x68: {  	[sflag:s26] =	ssyncadd.s32 $0xFFFFE000  }
0x69: {  	_ =	swait.ge [sflag:s28], $0x2000  }
0x6a: {  	[sflag:s28] =	ssyncset.done $0x0  }
0x6b: {  	s8 =	rddreg [dreg:$0xd];
	[sflag:s28] =	ssyncadd.s32 $0xFFFFE000  }
0x6c: {  	[tilespmem:s13], [sflag:$0x1] =	stream.indirect.gather [hbm4b:s4+s12], $0x80, s8, s12, $0xb8;
	[tilespmem:$0x1F800] =	vst v63  }
0x6d: {  	s9 =	rddreg [dreg:$0xe]  }
0x6e: {  	[tilespmem:s14], [sflag:$0x2] =	stream.indirect.gather [hbm4b:s4+s12], $0x80, s9, s12, $0xb8;
	[tilespmem:$0x1F800] =	vst v63  }
0x6f: {  	s7 =	rddreg [dreg:$0xf]  }
0x70: {  	[tilespmem:s15], [sflag:$0x3] =	stream.indirect.gather [hbm4b:s4+s12], $0x80, s7, s12, $0xb8;
	[tilespmem:$0x1F800] =	vst v63  }
0x71: {  	s9 =	rddreg [dreg:$0x10]  }
0x72: {  	[tilespmem:s16], [sflag:$0x4] =	stream.indirect.gather [hbm4b:s4+s12], $0x80, s9, s12, $0xb8;
	[tilespmem:$0x1F800] =	vst v63  }
0x73: {  	s7 =	rddreg [dreg:$0x11]  }
0x74: {  	[tilespmem:s17], [sflag:$0x5] =	stream.indirect.gather [hbm4b:s4+s12], $0x80, s7, s12, $0xb8;
	[tilespmem:$0x1F800] =	vst v63  }
0x75: {  	_ =	swait.ge [sflag:s18], $0x2000  }
0x76: {  	[sflag:s18] =	ssyncset.done $0x0  }
0x77: {  	s9 =	rddreg [dreg:$0x12];
	[sflag:s18] =	ssyncadd.s32 $0xFFFFE000  }
0x78: {  	[spmem:s2] =	stream.indirect.scatter.add.f32 [tilespmem:s13], [sflag:$0x6], $0x80, s9, s12, $0xb8;
	[tilespmem:$0x1F800] =	vst v63  }
0x79: {  	_ =	swait.ge [sflag:s19], $0x2000  }
0x7a: {  	[sflag:s19] =	ssyncset.done $0x0  }
0x7b: {  	s7 =	rddreg [dreg:$0x13];
	[sflag:s19] =	ssyncadd.s32 $0xFFFFE000  }
0x7c: {  	[spmem:s2] =	stream.indirect.scatter.add.f32 [tilespmem:s14], [sflag:$0x7], $0x80, s7, s12, $0xb8;
	[tilespmem:$0x1F800] =	vst v63  }
0x7d: {  	_ =	swait.ge [sflag:s20], $0x2000  }
0x7e: {  	[sflag:s20] =	ssyncset.done $0x0  }
0x7f: {  	s8 =	rddreg [dreg:$0x14];
	[sflag:s20] =	ssyncadd.s32 $0xFFFFE000  }
0x80: {  	[spmem:s2] =	stream.indirect.scatter.add.f32 [tilespmem:s15], [sflag:$0x8], $0x80, s8, s12, $0xb8;
	[tilespmem:$0x1F800] =	vst v63  }
0x81: {  	_ =	swait.ge [sflag:s21], $0x2000  }
0x82: {  	[sflag:s21] =	ssyncset.done $0x0  }
0x83: {  	s9 =	rddreg [dreg:$0x15];
	[sflag:s21] =	ssyncadd.s32 $0xFFFFE000  }
0x84: {  	[spmem:s2] =	stream.indirect.scatter.add.f32 [tilespmem:s16], [sflag:$0x9], $0x80, s9, s12, $0xb8;
	[tilespmem:$0x1F800] =	vst v63  }
0x85: {  	_ =	swait.ge [sflag:s22], $0x2000  }
0x86: {  	[sflag:s22] =	ssyncset.done $0x0  }
0x87: {  	s7 =	rddreg [dreg:$0x16];
	[sflag:s22] =	ssyncadd.s32 $0xFFFFE000  }
0x88: {  	[spmem:s2] =	stream.indirect.scatter.add.f32 [tilespmem:s17], [sflag:$0xA], $0x80, s7, s12, $0xb8;
	[tilespmem:$0x1F800] =	vst v63  }
0x89: {  	_ =	swait.ge [sflag:s23], $0x2000  }
0x8a: {  	[sflag:s23] =	ssyncset.done $0x0  }
0x8b: {  	[sflag:s23] =	ssyncadd.s32 $0xFFFFE000  }
0x8c: {  	_ =	swait.ge [sflag:s24], $0x2000  }
0x8d: {  	[sflag:s24] =	ssyncset.done $0x0  }
0x8e: {  	[sflag:s24] =	ssyncadd.s32 $0xFFFFE000  }
0x8f: {  	_ =	swait.ge [sflag:s25], $0x2000  }
0x90: {  	[sflag:s25] =	ssyncset.done $0x0  }
0x91: {  	[sflag:s25] =	ssyncadd.s32 $0xFFFFE000  }
0x92: {  	_ =	swait.ge [sflag:s26], $0x2000  }
0x93: {  	[sflag:s26] =	ssyncset.done $0x0  }
0x94: {  	[sflag:s26] =	ssyncadd.s32 $0xFFFFE000  }
0x95: {  	_ =	swait.ge [sflag:s28], $0x2000  }
0x96: {  	[sflag:s28] =	ssyncset.done $0x0  }
0x97: {  	s8 =	rddreg [dreg:$0x17];
	[sflag:s28] =	ssyncadd.s32 $0xFFFFE000  }
0x98: {  	[tilespmem:s13], [sflag:$0x1] =	stream.indirect.gather [hbm4b:s4+s12], $0x80, s8, s12, $0xb8;
	[tilespmem:$0x1F800] =	vst v63  }
0x99: {  	s9 =	rddreg [dreg:$0x18]  }
0x9a: {  	[tilespmem:s14], [sflag:$0x2] =	stream.indirect.gather [hbm4b:s4+s12], $0x80, s9, s12, $0xb8;
	[tilespmem:$0x1F800] =	vst v63  }
0x9b: {  	s7 =	rddreg [dreg:$0x19]  }
0x9c: {  	[tilespmem:s15], [sflag:$0x3] =	stream.indirect.gather [hbm4b:s4+s12], $0x80, s7, s12, $0xb8;
	[tilespmem:$0x1F800] =	vst v63  }
0x9d: {  	s9 =	rddreg [dreg:$0x1a]  }
0x9e: {  	[tilespmem:s16], [sflag:$0x4] =	stream.indirect.gather [hbm4b:s4+s12], $0x80, s9, s12, $0xb8;
	[tilespmem:$0x1F800] =	vst v63  }
0x9f: {  	s7 =	rddreg [dreg:$0x1b]  }
0xa0: {  	[tilespmem:s17], [sflag:$0x5] =	stream.indirect.gather [hbm4b:s4+s12], $0x80, s7, s12, $0xb8;
	[tilespmem:$0x1F800] =	vst v63  }
0xa1: {  	_ =	swait.ge [sflag:s18], $0x2000  }
0xa2: {  	[sflag:s18] =	ssyncset.done $0x0  }
0xa3: {  	s9 =	rddreg [dreg:$0x1c];
	[sflag:s18] =	ssyncadd.s32 $0xFFFFE000  }
0xa4: {  	[spmem:s2] =	stream.indirect.scatter.add.f32 [tilespmem:s13], [sflag:$0x6], $0x80, s9, s12, $0xb8;
	[tilespmem:$0x1F800] =	vst v63  }
0xa5: {  	_ =	swait.ge [sflag:s19], $0x2000  }
0xa6: {  	[sflag:s19] =	ssyncset.done $0x0  }
0xa7: {  	s7 =	rddreg [dreg:$0x1d];
	[sflag:s19] =	ssyncadd.s32 $0xFFFFE000  }
0xa8: {  	[spmem:s2] =	stream.indirect.scatter.add.f32 [tilespmem:s14], [sflag:$0x7], $0x80, s7, s12, $0xb8;
	[tilespmem:$0x1F800] =	vst v63  }
0xa9: {  	_ =	swait.ge [sflag:s20], $0x2000  }
0xaa: {  	[sflag:s20] =	ssyncset.done $0x0  }
0xab: {  	s8 =	rddreg [dreg:$0x1e];
	[sflag:s20] =	ssyncadd.s32 $0xFFFFE000  }
0xac: {  	[spmem:s2] =	stream.indirect.scatter.add.f32 [tilespmem:s15], [sflag:$0x8], $0x80, s8, s12, $0xb8;
	[tilespmem:$0x1F800] =	vst v63  }
0xad: {  	_ =	swait.ge [sflag:s21], $0x2000  }
0xae: {  	[sflag:s21] =	ssyncset.done $0x0  }
0xaf: {  	s9 =	rddreg [dreg:$0x1f];
	[sflag:s21] =	ssyncadd.s32 $0xFFFFE000  }
0xb0: {  	[spmem:s2] =	stream.indirect.scatter.add.f32 [tilespmem:s16], [sflag:$0x9], $0x80, s9, s12, $0xb8;
	[tilespmem:$0x1F800] =	vst v63  }
0xb1: {  	_ =	swait.ge [sflag:s22], $0x2000  }
0xb2: {  	s7 =	sld [smem:$0x7F7]  }
0xb3: {  	[sflag:s22] =	ssyncset.done $0x0  }
0xb4: {  	[sflag:s22] =	ssyncadd.s32 $0xFFFFE000  }
0xb5: {  	[spmem:s2] =	stream.indirect.scatter.add.f32 [tilespmem:s17], [sflag:$0xA], $0x80, s7, s12, $0xb8;
	[tilespmem:$0x1F800] =	vst v63  }
0xb6: {  	_ =	swait.ge [sflag:s23], $0x2000  }
0xb7: {  	[sflag:s23] =	ssyncset.done $0x0  }
0xb8: {  	[sflag:s23] =	ssyncadd.s32 $0xFFFFE000  }
0xb9: {  	_ =	swait.ge [sflag:s24], $0x2000  }
0xba: {  	[sflag:s24] =	ssyncset.done $0x0  }
0xbb: {  	[sflag:s24] =	ssyncadd.s32 $0xFFFFE000  }
0xbc: {  	_ =	swait.ge [sflag:s25], $0x2000  }
0xbd: {  	[sflag:s25] =	ssyncset.done $0x0  }
0xbe: {  	[sflag:s25] =	ssyncadd.s32 $0xFFFFE000  }
0xbf: {  	_ =	swait.ge [sflag:s26], $0x2000  }
0xc0: {  	[sflag:s26] =	ssyncset.done $0x0  }
0xc1: {  	[sflag:s26] =	ssyncadd.s32 $0xFFFFE000  }
0xc2: {  	_ =	swait.ge [sflag:s28], $0x2000  }
0xc3: {  	s8 =	sld [smem:$0x7F8]  }
0xc4: {  	[sflag:s28] =	ssyncset.done $0x0  }
0xc5: {  	s9 =	sld [smem:$0x7F9];
	[sflag:s28] =	ssyncadd.s32 $0xFFFFE000  }
0xc6: {  	[tilespmem:s13], [sflag:$0x1] =	stream.indirect.gather [hbm4b:s4+s12], $0x80, s8, s12, $0xb8;
	[tilespmem:$0x1F800] =	vst v63  }
0xc7: {  	s7 =	sld [smem:$0x7FA]  }
0xc8: {  	[tilespmem:s14], [sflag:$0x2] =	stream.indirect.gather [hbm4b:s4+s12], $0x80, s9, s12, $0xb8;
	[tilespmem:$0x1F800] =	vst v63  }
0xc9: {  	s9 =	sld [smem:$0x7FB]  }
0xca: {  	[tilespmem:s15], [sflag:$0x3] =	stream.indirect.gather [hbm4b:s4+s12], $0x80, s7, s12, $0xb8;
	[tilespmem:$0x1F800] =	vst v63  }
0xcb: {  	_ = 	snop  }
0xcc: {  	[tilespmem:s16], [sflag:$0x4] =	stream.indirect.gather [hbm4b:s4+s12], $0x80, s9, s12, $0xb8;
	[tilespmem:$0x1F800] =	vst v63  }
0xcd: {  	_ = 	snop  }
0xce: {  	[tilespmem:s17], [sflag:$0x5] =	stream.indirect.gather [hbm4b:s4+s12], $0x80, s29, s12, $0xb8;
	[tilespmem:$0x1F800] =	vst v63  }
0xcf: {  	_ =	swait.ge [sflag:s18], $0x2000  }
0xd0: {  	[sflag:s18] =	ssyncset.done $0x0  }
0xd1: {  	[sflag:s18] =	ssyncadd.s32 $0xFFFFE000  }
0xd2: {  	[spmem:s2] =	stream.indirect.scatter.add.f32 [tilespmem:s13], [sflag:$0x6], $0x80, s30, s12, $0xb8;
	[tilespmem:$0x1F800] =	vst v63  }
0xd3: {  	_ =	swait.ge [sflag:s19], $0x2000  }
0xd4: {  	[sflag:s19] =	ssyncset.done $0x0  }
0xd5: {  	[sflag:s19] =	ssyncadd.s32 $0xFFFFE000  }
0xd6: {  	[spmem:s2] =	stream.indirect.scatter.add.f32 [tilespmem:s14], [sflag:$0x7], $0x80, s31, s12, $0xb8;
	[tilespmem:$0x1F800] =	vst v63  }
0xd7: {  	_ =	swait.ge [sflag:s20], $0x2000  }
0xd8: {  	[sflag:s20] =	ssyncset.done $0x0  }
0xd9: {  	[sflag:s20] =	ssyncadd.s32 $0xFFFFE000  }
0xda: {  	[spmem:s2] =	stream.indirect.scatter.add.f32 [tilespmem:s15], [sflag:$0x8], $0x80, s1, s12, $0xb8;
	[tilespmem:$0x1F800] =	vst v63  }
0xdb: {  	_ =	swait.ge [sflag:s21], $0x2000  }
0xdc: {  	[sflag:s21] =	ssyncset.done $0x0  }
0xdd: {  	[sflag:s21] =	ssyncadd.s32 $0xFFFFE000  }
0xde: {  	[spmem:s2] =	stream.indirect.scatter.add.f32 [tilespmem:s16], [sflag:$0x9], $0x80, s0, s12, $0xb8;
	[tilespmem:$0x1F800] =	vst v63  }
0xdf: {  	_ =	swait.ge [sflag:s22], $0x2000  }
0xe0: {  	[sflag:s22] =	ssyncset.done $0x0  }
0xe1: {  	[sflag:s22] =	ssyncadd.s32 $0xFFFFE000  }
0xe2: {  	[spmem:s2] =	stream.indirect.scatter.add.f32 [tilespmem:s17], [sflag:$0xA], $0x80, s5, s12, $0xb8;
	[tilespmem:$0x1F800] =	vst v63  }
0xe3: {  	_ =	swait.ge [sflag:s23], $0x2000  }
0xe4: {  	[sflag:s23] =	ssyncset.done $0x0  }
0xe5: {  	[sflag:s23] =	ssyncadd.s32 $0xFFFFE000  }
0xe6: {  	_ =	swait.ge [sflag:s24], $0x2000  }
0xe7: {  	[sflag:s24] =	ssyncset.done $0x0  }
0xe8: {  	[sflag:s24] =	ssyncadd.s32 $0xFFFFE000  }
0xe9: {  	_ =	swait.ge [sflag:s25], $0x2000  }
0xea: {  	[sflag:s25] =	ssyncset.done $0x0  }
0xeb: {  	[sflag:s25] =	ssyncadd.s32 $0xFFFFE000  }
0xec: {  	_ =	swait.ge [sflag:s26], $0x2000  }
0xed: {  	[sflag:s26] =	ssyncset.done $0x0  }
0xee: {  	[sflag:s26] =	ssyncadd.s32 $0xFFFFE000  }
0xef: {  	s6 =	simm.s32 $0x300;
	_ =	swait.ge [sflag:s28], $0x2000  }
0xf0: {  	s8 =	simm.s32 $0x180;
	s9 =	rddreg [dreg:$0x4];
	[sflag:s28] =	ssyncset.done $0x0  }
.LBB2_2:
0xf1: {  	[sflag:s28] =	ssyncadd.s32 $0xFFFFE000;
	s9 =	sadd.s32 s8, s9  }
0xf2: {  	[tilespmem:s3], [sflag:$0xB] =	stream.linear.gather [hbm4b:s9+s3], $0xA00, $0x38;
	[tilespmem:$0x1F800] =	vst v63  }
0xf3: {  	_ =	swait.ge [sflag:s10], $0xA00  }
0xf4: {  	s9 =	rddreg [dreg:$0x3];
	[sflag:s10] =	ssyncset.done $0x0  }
0xf5: {  	[sflag:s10] =	ssyncadd.s32 $0xFFFFF600;
	s9 =	sadd.s32 s8, s9  }
0xf6: {  	[tilespmem:s11], [sflag:$0xB] =	stream.linear.gather [hbm4b:s9+s3], $0xA00, $0x38;
	[tilespmem:$0x1F800] =	vst v63  }
0xf7: {  	_ =	swait.ge [sflag:s10], $0xA00  }
0xf8: {  	[sflag:s10] =	ssyncset.done $0x0  }
0xf9: {  	s7 =	smov.u32 s6;
	[sflag:s10] =	ssyncadd.s32 $0xFFFFF600  }
0xfa: {  	[tilespmem:s13], [sflag:$0x1] =	stream.indirect.gather [hbm4b:s4+s12], $0x80, s3, s12, $0xb8;
	[tilespmem:$0x1F800] =	vst v63  }
0xfb: {  	s8 =	smov.u32 s7;
	s7 =	rddreg [dreg:$0x5]  }
0xfc: {  	[tilespmem:s14], [sflag:$0x2] =	stream.indirect.gather [hbm4b:s4+s12], $0x80, s7, s12, $0xb8;
	[tilespmem:$0x1F800] =	vst v63  }
0xfd: {  	s9 =	rddreg [dreg:$0x6]  }
0xfe: {  	[tilespmem:s15], [sflag:$0x3] =	stream.indirect.gather [hbm4b:s4+s12], $0x80, s9, s12, $0xb8;
	[tilespmem:$0x1F800] =	vst v63  }
0xff: {  	s7 =	rddreg [dreg:$0x7]  }
0x100: {  	[tilespmem:s16], [sflag:$0x4] =	stream.indirect.gather [hbm4b:s4+s12], $0x80, s7, s12, $0xb8;
	[tilespmem:$0x1F800] =	vst v63  }
0x101: {  	s9 =	rddreg [dreg:$0x8]  }
0x102: {  	[tilespmem:s17], [sflag:$0x5] =	stream.indirect.gather [hbm4b:s4+s12], $0x80, s9, s12, $0xb8;
	[tilespmem:$0x1F800] =	vst v63  }
0x103: {  	_ =	swait.ge [sflag:s18], $0x2000  }
0x104: {  	[sflag:s18] =	ssyncset.done $0x0  }
0x105: {  	[sflag:s18] =	ssyncadd.s32 $0xFFFFE000  }
0x106: {  	[spmem:s2] =	stream.indirect.scatter.add.f32 [tilespmem:s13], [sflag:$0x6], $0x80, s11, s12, $0xb8;
	[tilespmem:$0x1F800] =	vst v63  }
0x107: {  	_ =	swait.ge [sflag:s19], $0x2000  }
0x108: {  	[sflag:s19] =	ssyncset.done $0x0  }
0x109: {  	s9 =	rddreg [dreg:$0x9];
	[sflag:s19] =	ssyncadd.s32 $0xFFFFE000  }
0x10a: {  	[spmem:s2] =	stream.indirect.scatter.add.f32 [tilespmem:s14], [sflag:$0x7], $0x80, s9, s12, $0xb8;
	[tilespmem:$0x1F800] =	vst v63  }
0x10b: {  	_ =	swait.ge [sflag:s20], $0x2000  }
0x10c: {  	[sflag:s20] =	ssyncset.done $0x0  }
0x10d: {  	s9 =	rddreg [dreg:$0xa];
	[sflag:s20] =	ssyncadd.s32 $0xFFFFE000  }
0x10e: {  	[spmem:s2] =	stream.indirect.scatter.add.f32 [tilespmem:s15], [sflag:$0x8], $0x80, s9, s12, $0xb8;
	[tilespmem:$0x1F800] =	vst v63  }
0x10f: {  	_ =	swait.ge [sflag:s21], $0x2000  }
0x110: {  	[sflag:s21] =	ssyncset.done $0x0  }
0x111: {  	s9 =	rddreg [dreg:$0xb];
	[sflag:s21] =	ssyncadd.s32 $0xFFFFE000  }
0x112: {  	[spmem:s2] =	stream.indirect.scatter.add.f32 [tilespmem:s16], [sflag:$0x9], $0x80, s9, s12, $0xb8;
	[tilespmem:$0x1F800] =	vst v63  }
0x113: {  	_ =	swait.ge [sflag:s22], $0x2000  }
0x114: {  	[sflag:s22] =	ssyncset.done $0x0  }
0x115: {  	s9 =	rddreg [dreg:$0xc];
	[sflag:s22] =	ssyncadd.s32 $0xFFFFE000  }
0x116: {  	[spmem:s2] =	stream.indirect.scatter.add.f32 [tilespmem:s17], [sflag:$0xA], $0x80, s9, s12, $0xb8;
	[tilespmem:$0x1F800] =	vst v63  }
0x117: {  	_ =	swait.ge [sflag:s23], $0x2000  }
0x118: {  	[sflag:s23] =	ssyncset.done $0x0  }
0x119: {  	[sflag:s23] =	ssyncadd.s32 $0xFFFFE000  }
0x11a: {  	_ =	swait.ge [sflag:s24], $0x2000  }
0x11b: {  	[sflag:s24] =	ssyncset.done $0x0  }
0x11c: {  	[sflag:s24] =	ssyncadd.s32 $0xFFFFE000  }
0x11d: {  	_ =	swait.ge [sflag:s25], $0x2000  }
0x11e: {  	[sflag:s25] =	ssyncset.done $0x0  }
0x11f: {  	[sflag:s25] =	ssyncadd.s32 $0xFFFFE000  }
0x120: {  	_ =	swait.ge [sflag:s26], $0x2000  }
0x121: {  	[sflag:s26] =	ssyncset.done $0x0  }
0x122: {  	[sflag:s26] =	ssyncadd.s32 $0xFFFFE000  }
0x123: {  	_ =	swait.ge [sflag:s28], $0x2000  }
0x124: {  	[sflag:s28] =	ssyncset.done $0x0  }
0x125: {  	s7 =	rddreg [dreg:$0xd];
	[sflag:s28] =	ssyncadd.s32 $0xFFFFE000  }
0x126: {  	[tilespmem:s13], [sflag:$0x1] =	stream.indirect.gather [hbm4b:s4+s12], $0x80, s7, s12, $0xb8;
	[tilespmem:$0x1F800] =	vst v63  }
0x127: {  	s9 =	rddreg [dreg:$0xe]  }
0x128: {  	[tilespmem:s14], [sflag:$0x2] =	stream.indirect.gather [hbm4b:s4+s12], $0x80, s9, s12, $0xb8;
	[tilespmem:$0x1F800] =	vst v63  }
0x129: {  	s7 =	rddreg [dreg:$0xf]  }
0x12a: {  	[tilespmem:s15], [sflag:$0x3] =	stream.indirect.gather [hbm4b:s4+s12], $0x80, s7, s12, $0xb8;
	[tilespmem:$0x1F800] =	vst v63  }
0x12b: {  	s9 =	rddreg [dreg:$0x10]  }
0x12c: {  	[tilespmem:s16], [sflag:$0x4] =	stream.indirect.gather [hbm4b:s4+s12], $0x80, s9, s12, $0xb8;
	[tilespmem:$0x1F800] =	vst v63  }
0x12d: {  	s7 =	rddreg [dreg:$0x11]  }
0x12e: {  	[tilespmem:s17], [sflag:$0x5] =	stream.indirect.gather [hbm4b:s4+s12], $0x80, s7, s12, $0xb8;
	[tilespmem:$0x1F800] =	vst v63  }
0x12f: {  	_ =	swait.ge [sflag:s18], $0x2000  }
0x130: {  	[sflag:s18] =	ssyncset.done $0x0  }
0x131: {  	s9 =	rddreg [dreg:$0x12];
	[sflag:s18] =	ssyncadd.s32 $0xFFFFE000  }
0x132: {  	[spmem:s2] =	stream.indirect.scatter.add.f32 [tilespmem:s13], [sflag:$0x6], $0x80, s9, s12, $0xb8;
	[tilespmem:$0x1F800] =	vst v63  }
0x133: {  	_ =	swait.ge [sflag:s19], $0x2000  }
0x134: {  	[sflag:s19] =	ssyncset.done $0x0  }
0x135: {  	s9 =	rddreg [dreg:$0x13];
	[sflag:s19] =	ssyncadd.s32 $0xFFFFE000  }
0x136: {  	[spmem:s2] =	stream.indirect.scatter.add.f32 [tilespmem:s14], [sflag:$0x7], $0x80, s9, s12, $0xb8;
	[tilespmem:$0x1F800] =	vst v63  }
0x137: {  	_ =	swait.ge [sflag:s20], $0x2000  }
0x138: {  	[sflag:s20] =	ssyncset.done $0x0  }
0x139: {  	s9 =	rddreg [dreg:$0x14];
	[sflag:s20] =	ssyncadd.s32 $0xFFFFE000  }
0x13a: {  	[spmem:s2] =	stream.indirect.scatter.add.f32 [tilespmem:s15], [sflag:$0x8], $0x80, s9, s12, $0xb8;
	[tilespmem:$0x1F800] =	vst v63  }
0x13b: {  	_ =	swait.ge [sflag:s21], $0x2000  }
0x13c: {  	[sflag:s21] =	ssyncset.done $0x0  }
0x13d: {  	s9 =	rddreg [dreg:$0x15];
	[sflag:s21] =	ssyncadd.s32 $0xFFFFE000  }
0x13e: {  	[spmem:s2] =	stream.indirect.scatter.add.f32 [tilespmem:s16], [sflag:$0x9], $0x80, s9, s12, $0xb8;
	[tilespmem:$0x1F800] =	vst v63  }
0x13f: {  	_ =	swait.ge [sflag:s22], $0x2000  }
0x140: {  	[sflag:s22] =	ssyncset.done $0x0  }
0x141: {  	s9 =	rddreg [dreg:$0x16];
	[sflag:s22] =	ssyncadd.s32 $0xFFFFE000  }
0x142: {  	[spmem:s2] =	stream.indirect.scatter.add.f32 [tilespmem:s17], [sflag:$0xA], $0x80, s9, s12, $0xb8;
	[tilespmem:$0x1F800] =	vst v63  }
0x143: {  	_ =	swait.ge [sflag:s23], $0x2000  }
0x144: {  	[sflag:s23] =	ssyncset.done $0x0  }
0x145: {  	[sflag:s23] =	ssyncadd.s32 $0xFFFFE000  }
0x146: {  	_ =	swait.ge [sflag:s24], $0x2000  }
0x147: {  	[sflag:s24] =	ssyncset.done $0x0  }
0x148: {  	[sflag:s24] =	ssyncadd.s32 $0xFFFFE000  }
0x149: {  	_ =	swait.ge [sflag:s25], $0x2000  }
0x14a: {  	[sflag:s25] =	ssyncset.done $0x0  }
0x14b: {  	[sflag:s25] =	ssyncadd.s32 $0xFFFFE000  }
0x14c: {  	_ =	swait.ge [sflag:s26], $0x2000  }
0x14d: {  	[sflag:s26] =	ssyncset.done $0x0  }
0x14e: {  	[sflag:s26] =	ssyncadd.s32 $0xFFFFE000  }
0x14f: {  	_ =	swait.ge [sflag:s28], $0x2000  }
0x150: {  	[sflag:s28] =	ssyncset.done $0x0  }
0x151: {  	s7 =	rddreg [dreg:$0x17];
	[sflag:s28] =	ssyncadd.s32 $0xFFFFE000  }
0x152: {  	[tilespmem:s13], [sflag:$0x1] =	stream.indirect.gather [hbm4b:s4+s12], $0x80, s7, s12, $0xb8;
	[tilespmem:$0x1F800] =	vst v63  }
0x153: {  	s9 =	rddreg [dreg:$0x18]  }
0x154: {  	[tilespmem:s14], [sflag:$0x2] =	stream.indirect.gather [hbm4b:s4+s12], $0x80, s9, s12, $0xb8;
	[tilespmem:$0x1F800] =	vst v63  }
0x155: {  	s7 =	rddreg [dreg:$0x19]  }
0x156: {  	[tilespmem:s15], [sflag:$0x3] =	stream.indirect.gather [hbm4b:s4+s12], $0x80, s7, s12, $0xb8;
	[tilespmem:$0x1F800] =	vst v63  }
0x157: {  	s9 =	rddreg [dreg:$0x1a]  }
0x158: {  	[tilespmem:s16], [sflag:$0x4] =	stream.indirect.gather [hbm4b:s4+s12], $0x80, s9, s12, $0xb8;
	[tilespmem:$0x1F800] =	vst v63  }
0x159: {  	s7 =	rddreg [dreg:$0x1b]  }
0x15a: {  	[tilespmem:s17], [sflag:$0x5] =	stream.indirect.gather [hbm4b:s4+s12], $0x80, s7, s12, $0xb8;
	[tilespmem:$0x1F800] =	vst v63  }
0x15b: {  	_ =	swait.ge [sflag:s18], $0x2000  }
0x15c: {  	[sflag:s18] =	ssyncset.done $0x0  }
0x15d: {  	s9 =	rddreg [dreg:$0x1c];
	[sflag:s18] =	ssyncadd.s32 $0xFFFFE000  }
0x15e: {  	[spmem:s2] =	stream.indirect.scatter.add.f32 [tilespmem:s13], [sflag:$0x6], $0x80, s9, s12, $0xb8;
	[tilespmem:$0x1F800] =	vst v63  }
0x15f: {  	_ =	swait.ge [sflag:s19], $0x2000  }
0x160: {  	[sflag:s19] =	ssyncset.done $0x0  }
0x161: {  	s9 =	rddreg [dreg:$0x1d];
	[sflag:s19] =	ssyncadd.s32 $0xFFFFE000  }
0x162: {  	[spmem:s2] =	stream.indirect.scatter.add.f32 [tilespmem:s14], [sflag:$0x7], $0x80, s9, s12, $0xb8;
	[tilespmem:$0x1F800] =	vst v63  }
0x163: {  	_ =	swait.ge [sflag:s20], $0x2000  }
0x164: {  	[sflag:s20] =	ssyncset.done $0x0  }
0x165: {  	s9 =	rddreg [dreg:$0x1e];
	[sflag:s20] =	ssyncadd.s32 $0xFFFFE000  }
0x166: {  	[spmem:s2] =	stream.indirect.scatter.add.f32 [tilespmem:s15], [sflag:$0x8], $0x80, s9, s12, $0xb8;
	[tilespmem:$0x1F800] =	vst v63  }
0x167: {  	_ =	swait.ge [sflag:s21], $0x2000  }
0x168: {  	[sflag:s21] =	ssyncset.done $0x0  }
0x169: {  	s9 =	rddreg [dreg:$0x1f];
	[sflag:s21] =	ssyncadd.s32 $0xFFFFE000  }
0x16a: {  	[spmem:s2] =	stream.indirect.scatter.add.f32 [tilespmem:s16], [sflag:$0x9], $0x80, s9, s12, $0xb8;
	[tilespmem:$0x1F800] =	vst v63  }
0x16b: {  	_ =	swait.ge [sflag:s22], $0x2000  }
0x16c: {  	s9 =	sld [smem:$0x7F7]  }
0x16d: {  	[sflag:s22] =	ssyncset.done $0x0  }
0x16e: {  	[sflag:s22] =	ssyncadd.s32 $0xFFFFE000  }
0x16f: {  	[spmem:s2] =	stream.indirect.scatter.add.f32 [tilespmem:s17], [sflag:$0xA], $0x80, s9, s12, $0xb8;
	[tilespmem:$0x1F800] =	vst v63  }
0x170: {  	_ =	swait.ge [sflag:s23], $0x2000  }
0x171: {  	[sflag:s23] =	ssyncset.done $0x0  }
0x172: {  	[sflag:s23] =	ssyncadd.s32 $0xFFFFE000  }
0x173: {  	_ =	swait.ge [sflag:s24], $0x2000  }
0x174: {  	[sflag:s24] =	ssyncset.done $0x0  }
0x175: {  	[sflag:s24] =	ssyncadd.s32 $0xFFFFE000  }
0x176: {  	_ =	swait.ge [sflag:s25], $0x2000  }
0x177: {  	[sflag:s25] =	ssyncset.done $0x0  }
0x178: {  	[sflag:s25] =	ssyncadd.s32 $0xFFFFE000  }
0x179: {  	_ =	swait.ge [sflag:s26], $0x2000  }
0x17a: {  	[sflag:s26] =	ssyncset.done $0x0  }
0x17b: {  	[sflag:s26] =	ssyncadd.s32 $0xFFFFE000  }
0x17c: {  	_ =	swait.ge [sflag:s28], $0x2000  }
0x17d: {  	s7 =	sld [smem:$0x7F8]  }
0x17e: {  	[sflag:s28] =	ssyncset.done $0x0  }
0x17f: {  	s9 =	sld [smem:$0x7F9];
	[sflag:s28] =	ssyncadd.s32 $0xFFFFE000  }
0x180: {  	[tilespmem:s13], [sflag:$0x1] =	stream.indirect.gather [hbm4b:s4+s12], $0x80, s7, s12, $0xb8;
	[tilespmem:$0x1F800] =	vst v63  }
0x181: {  	s7 =	sld [smem:$0x7FA]  }
0x182: {  	[tilespmem:s14], [sflag:$0x2] =	stream.indirect.gather [hbm4b:s4+s12], $0x80, s9, s12, $0xb8;
	[tilespmem:$0x1F800] =	vst v63  }
0x183: {  	s9 =	sld [smem:$0x7FB]  }
0x184: {  	[tilespmem:s15], [sflag:$0x3] =	stream.indirect.gather [hbm4b:s4+s12], $0x80, s7, s12, $0xb8;
	[tilespmem:$0x1F800] =	vst v63  }
0x185: {  	_ = 	snop  }
0x186: {  	[tilespmem:s16], [sflag:$0x4] =	stream.indirect.gather [hbm4b:s4+s12], $0x80, s9, s12, $0xb8;
	[tilespmem:$0x1F800] =	vst v63  }
0x187: {  	_ = 	snop  }
0x188: {  	[tilespmem:s17], [sflag:$0x5] =	stream.indirect.gather [hbm4b:s4+s12], $0x80, s29, s12, $0xb8;
	[tilespmem:$0x1F800] =	vst v63  }
0x189: {  	_ =	swait.ge [sflag:s18], $0x2000  }
0x18a: {  	[sflag:s18] =	ssyncset.done $0x0  }
0x18b: {  	[sflag:s18] =	ssyncadd.s32 $0xFFFFE000  }
0x18c: {  	[spmem:s2] =	stream.indirect.scatter.add.f32 [tilespmem:s13], [sflag:$0x6], $0x80, s30, s12, $0xb8;
	[tilespmem:$0x1F800] =	vst v63  }
0x18d: {  	_ =	swait.ge [sflag:s19], $0x2000  }
0x18e: {  	[sflag:s19] =	ssyncset.done $0x0  }
0x18f: {  	[sflag:s19] =	ssyncadd.s32 $0xFFFFE000  }
0x190: {  	[spmem:s2] =	stream.indirect.scatter.add.f32 [tilespmem:s14], [sflag:$0x7], $0x80, s31, s12, $0xb8;
	[tilespmem:$0x1F800] =	vst v63  }
0x191: {  	_ =	swait.ge [sflag:s20], $0x2000  }
0x192: {  	[sflag:s20] =	ssyncset.done $0x0  }
0x193: {  	[sflag:s20] =	ssyncadd.s32 $0xFFFFE000  }
0x194: {  	[spmem:s2] =	stream.indirect.scatter.add.f32 [tilespmem:s15], [sflag:$0x8], $0x80, s1, s12, $0xb8;
	[tilespmem:$0x1F800] =	vst v63  }
0x195: {  	_ =	swait.ge [sflag:s21], $0x2000  }
0x196: {  	[sflag:s21] =	ssyncset.done $0x0  }
0x197: {  	[sflag:s21] =	ssyncadd.s32 $0xFFFFE000  }
0x198: {  	[spmem:s2] =	stream.indirect.scatter.add.f32 [tilespmem:s16], [sflag:$0x9], $0x80, s0, s12, $0xb8;
	[tilespmem:$0x1F800] =	vst v63  }
0x199: {  	_ =	swait.ge [sflag:s22], $0x2000  }
0x19a: {  	[sflag:s22] =	ssyncset.done $0x0  }
0x19b: {  	[sflag:s22] =	ssyncadd.s32 $0xFFFFE000  }
0x19c: {  	[spmem:s2] =	stream.indirect.scatter.add.f32 [tilespmem:s17], [sflag:$0xA], $0x80, s5, s12, $0xb8;
	[tilespmem:$0x1F800] =	vst v63  }
0x19d: {  	_ =	swait.ge [sflag:s23], $0x2000  }
0x19e: {  	[sflag:s23] =	ssyncset.done $0x0  }
0x19f: {  	[sflag:s23] =	ssyncadd.s32 $0xFFFFE000  }
0x1a0: {  	_ =	swait.ge [sflag:s24], $0x2000  }
0x1a1: {  	[sflag:s24] =	ssyncset.done $0x0  }
0x1a2: {  	[sflag:s24] =	ssyncadd.s32 $0xFFFFE000  }
0x1a3: {  	_ =	swait.ge [sflag:s25], $0x2000  }
0x1a4: {  	[sflag:s25] =	ssyncset.done $0x0  }
0x1a5: {  	p0 =	sne.s32 s6, $0xA80;
	[sflag:s25] =	ssyncadd.s32 $0xFFFFE000  }
.Ltmp0:
0x1a6: {  	_ =	swait.ge [sflag:s26], $0x2000;
	(pc) =	sbr.rel @p0 .LBB2_2-.Ltmp0, $4  }
0x1a7: {  	[sflag:s26] =	ssyncset.done $0x0  }
0x1a8: {  	[sflag:s26] =	ssyncadd.s32 $0xFFFFE000  }
0x1a9: {  	_ =	swait.ge [sflag:s28], $0x2000  }
0x1aa: {  	s6 =	sadd.s32 $0x180, s6;
	s9 =	rddreg [dreg:$0x4];
	[sflag:s28] =	ssyncset.done $0x0  }
0x1ab: {  	[sflag:s28] =	ssyncadd.s32 $0xFFFFE000;
	s6 =	sadd.s32 s8, s9  }
0x1ac: {  	[tilespmem:s3], [sflag:$0xB] =	stream.linear.gather [hbm4b:s6+s3], $0xA00, $0x38;
	[tilespmem:$0x1F800] =	vst v63  }
0x1ad: {  	_ =	swait.ge [sflag:s10], $0xA00  }
0x1ae: {  	s7 =	rddreg [dreg:$0x3];
	[sflag:s10] =	ssyncset.done $0x0  }
0x1af: {  	[sflag:s10] =	ssyncadd.s32 $0xFFFFF600;
	s6 =	sadd.s32 s8, s7  }
0x1b0: {  	[tilespmem:s11], [sflag:$0xB] =	stream.linear.gather [hbm4b:s6+s3], $0xA00, $0x38;
	[tilespmem:$0x1F800] =	vst v63  }
0x1b1: {  	_ =	swait.ge [sflag:s10], $0xA00  }
0x1b2: {  	[sflag:s10] =	ssyncset.done $0x0  }
0x1b3: {  	[sflag:s10] =	ssyncadd.s32 $0xFFFFF600  }
0x1b4: {  	[tilespmem:s13], [sflag:$0x1] =	stream.indirect.gather [hbm4b:s4+s12], $0x80, s3, s12, $0xb8;
	[tilespmem:$0x1F800] =	vst v63  }
0x1b5: {  	s8 =	rddreg [dreg:$0x5]  }
0x1b6: {  	[tilespmem:s14], [sflag:$0x2] =	stream.indirect.gather [hbm4b:s4+s12], $0x80, s8, s12, $0xb8;
	[tilespmem:$0x1F800] =	vst v63  }
0x1b7: {  	s7 =	rddreg [dreg:$0x6]  }
0x1b8: {  	[tilespmem:s15], [sflag:$0x3] =	stream.indirect.gather [hbm4b:s4+s12], $0x80, s7, s12, $0xb8;
	[tilespmem:$0x1F800] =	vst v63  }
0x1b9: {  	s9 =	rddreg [dreg:$0x7]  }
0x1ba: {  	[tilespmem:s16], [sflag:$0x4] =	stream.indirect.gather [hbm4b:s4+s12], $0x80, s9, s12, $0xb8;
	[tilespmem:$0x1F800] =	vst v63  }
0x1bb: {  	s8 =	rddreg [dreg:$0x8]  }
0x1bc: {  	[tilespmem:s17], [sflag:$0x5] =	stream.indirect.gather [hbm4b:s4+s12], $0x80, s8, s12, $0xb8;
	[tilespmem:$0x1F800] =	vst v63  }
0x1bd: {  	_ =	swait.ge [sflag:s18], $0x2000  }
0x1be: {  	[sflag:s18] =	ssyncset.done $0x0  }
0x1bf: {  	[sflag:s18] =	ssyncadd.s32 $0xFFFFE000  }
0x1c0: {  	[spmem:s2] =	stream.indirect.scatter.add.f32 [tilespmem:s13], [sflag:$0x6], $0x80, s11, s12, $0xb8;
	[tilespmem:$0x1F800] =	vst v63  }
0x1c1: {  	_ =	swait.ge [sflag:s19], $0x2000  }
0x1c2: {  	[sflag:s19] =	ssyncset.done $0x0  }
0x1c3: {  	s9 =	rddreg [dreg:$0x9];
	[sflag:s19] =	ssyncadd.s32 $0xFFFFE000  }
0x1c4: {  	[spmem:s2] =	stream.indirect.scatter.add.f32 [tilespmem:s14], [sflag:$0x7], $0x80, s9, s12, $0xb8;
	[tilespmem:$0x1F800] =	vst v63  }
0x1c5: {  	_ =	swait.ge [sflag:s20], $0x2000  }
0x1c6: {  	[sflag:s20] =	ssyncset.done $0x0  }
0x1c7: {  	s7 =	rddreg [dreg:$0xa];
	[sflag:s20] =	ssyncadd.s32 $0xFFFFE000  }
0x1c8: {  	[spmem:s2] =	stream.indirect.scatter.add.f32 [tilespmem:s15], [sflag:$0x8], $0x80, s7, s12, $0xb8;
	[tilespmem:$0x1F800] =	vst v63  }
0x1c9: {  	_ =	swait.ge [sflag:s21], $0x2000  }
0x1ca: {  	[sflag:s21] =	ssyncset.done $0x0  }
0x1cb: {  	s8 =	rddreg [dreg:$0xb];
	[sflag:s21] =	ssyncadd.s32 $0xFFFFE000  }
0x1cc: {  	[spmem:s2] =	stream.indirect.scatter.add.f32 [tilespmem:s16], [sflag:$0x9], $0x80, s8, s12, $0xb8;
	[tilespmem:$0x1F800] =	vst v63  }
0x1cd: {  	_ =	swait.ge [sflag:s22], $0x2000  }
0x1ce: {  	[sflag:s22] =	ssyncset.done $0x0  }
0x1cf: {  	s9 =	rddreg [dreg:$0xc];
	[sflag:s22] =	ssyncadd.s32 $0xFFFFE000  }
0x1d0: {  	[spmem:s2] =	stream.indirect.scatter.add.f32 [tilespmem:s17], [sflag:$0xA], $0x80, s9, s12, $0xb8;
	[tilespmem:$0x1F800] =	vst v63  }
0x1d1: {  	_ =	swait.ge [sflag:s23], $0x2000  }
0x1d2: {  	[sflag:s23] =	ssyncset.done $0x0  }
0x1d3: {  	[sflag:s23] =	ssyncadd.s32 $0xFFFFE000  }
0x1d4: {  	_ =	swait.ge [sflag:s24], $0x2000  }
0x1d5: {  	[sflag:s24] =	ssyncset.done $0x0  }
0x1d6: {  	[sflag:s24] =	ssyncadd.s32 $0xFFFFE000  }
0x1d7: {  	_ =	swait.ge [sflag:s25], $0x2000  }
0x1d8: {  	[sflag:s25] =	ssyncset.done $0x0  }
0x1d9: {  	[sflag:s25] =	ssyncadd.s32 $0xFFFFE000  }
0x1da: {  	_ =	swait.ge [sflag:s26], $0x2000  }
0x1db: {  	[sflag:s26] =	ssyncset.done $0x0  }
0x1dc: {  	[sflag:s26] =	ssyncadd.s32 $0xFFFFE000  }
0x1dd: {  	_ =	swait.ge [sflag:s28], $0x2000  }
0x1de: {  	[sflag:s28] =	ssyncset.done $0x0  }
0x1df: {  	s7 =	rddreg [dreg:$0xd];
	[sflag:s28] =	ssyncadd.s32 $0xFFFFE000  }
0x1e0: {  	[tilespmem:s13], [sflag:$0x1] =	stream.indirect.gather [hbm4b:s4+s12], $0x80, s7, s12, $0xb8;
	[tilespmem:$0x1F800] =	vst v63  }
0x1e1: {  	s8 =	rddreg [dreg:$0xe]  }
0x1e2: {  	[tilespmem:s14], [sflag:$0x2] =	stream.indirect.gather [hbm4b:s4+s12], $0x80, s8, s12, $0xb8;
	[tilespmem:$0x1F800] =	vst v63  }
0x1e3: {  	s9 =	rddreg [dreg:$0xf]  }
0x1e4: {  	[tilespmem:s15], [sflag:$0x3] =	stream.indirect.gather [hbm4b:s4+s12], $0x80, s9, s12, $0xb8;
	[tilespmem:$0x1F800] =	vst v63  }
0x1e5: {  	s8 =	rddreg [dreg:$0x10]  }
0x1e6: {  	[tilespmem:s16], [sflag:$0x4] =	stream.indirect.gather [hbm4b:s4+s12], $0x80, s8, s12, $0xb8;
	[tilespmem:$0x1F800] =	vst v63  }
0x1e7: {  	s9 =	rddreg [dreg:$0x11]  }
0x1e8: {  	[tilespmem:s17], [sflag:$0x5] =	stream.indirect.gather [hbm4b:s4+s12], $0x80, s9, s12, $0xb8;
	[tilespmem:$0x1F800] =	vst v63  }
0x1e9: {  	_ =	swait.ge [sflag:s18], $0x2000  }
0x1ea: {  	[sflag:s18] =	ssyncset.done $0x0  }
0x1eb: {  	s8 =	rddreg [dreg:$0x12];
	[sflag:s18] =	ssyncadd.s32 $0xFFFFE000  }
0x1ec: {  	[spmem:s2] =	stream.indirect.scatter.add.f32 [tilespmem:s13], [sflag:$0x6], $0x80, s8, s12, $0xb8;
	[tilespmem:$0x1F800] =	vst v63  }
0x1ed: {  	_ =	swait.ge [sflag:s19], $0x2000  }
0x1ee: {  	[sflag:s19] =	ssyncset.done $0x0  }
0x1ef: {  	s9 =	rddreg [dreg:$0x13];
	[sflag:s19] =	ssyncadd.s32 $0xFFFFE000  }
0x1f0: {  	[spmem:s2] =	stream.indirect.scatter.add.f32 [tilespmem:s14], [sflag:$0x7], $0x80, s9, s12, $0xb8;
	[tilespmem:$0x1F800] =	vst v63  }
0x1f1: {  	_ =	swait.ge [sflag:s20], $0x2000  }
0x1f2: {  	[sflag:s20] =	ssyncset.done $0x0  }
0x1f3: {  	s7 =	rddreg [dreg:$0x14];
	[sflag:s20] =	ssyncadd.s32 $0xFFFFE000  }
0x1f4: {  	[spmem:s2] =	stream.indirect.scatter.add.f32 [tilespmem:s15], [sflag:$0x8], $0x80, s7, s12, $0xb8;
	[tilespmem:$0x1F800] =	vst v63  }
0x1f5: {  	_ =	swait.ge [sflag:s21], $0x2000  }
0x1f6: {  	[sflag:s21] =	ssyncset.done $0x0  }
0x1f7: {  	s8 =	rddreg [dreg:$0x15];
	[sflag:s21] =	ssyncadd.s32 $0xFFFFE000  }
0x1f8: {  	[spmem:s2] =	stream.indirect.scatter.add.f32 [tilespmem:s16], [sflag:$0x9], $0x80, s8, s12, $0xb8;
	[tilespmem:$0x1F800] =	vst v63  }
0x1f9: {  	_ =	swait.ge [sflag:s22], $0x2000  }
0x1fa: {  	[sflag:s22] =	ssyncset.done $0x0  }
0x1fb: {  	s9 =	rddreg [dreg:$0x16];
	[sflag:s22] =	ssyncadd.s32 $0xFFFFE000  }
0x1fc: {  	[spmem:s2] =	stream.indirect.scatter.add.f32 [tilespmem:s17], [sflag:$0xA], $0x80, s9, s12, $0xb8;
	[tilespmem:$0x1F800] =	vst v63  }
0x1fd: {  	_ =	swait.ge [sflag:s23], $0x2000  }
0x1fe: {  	[sflag:s23] =	ssyncset.done $0x0  }
0x1ff: {  	[sflag:s23] =	ssyncadd.s32 $0xFFFFE000  }
0x200: {  	_ =	swait.ge [sflag:s24], $0x2000  }
0x201: {  	[sflag:s24] =	ssyncset.done $0x0  }
0x202: {  	[sflag:s24] =	ssyncadd.s32 $0xFFFFE000  }
0x203: {  	_ =	swait.ge [sflag:s25], $0x2000  }
0x204: {  	[sflag:s25] =	ssyncset.done $0x0  }
0x205: {  	[sflag:s25] =	ssyncadd.s32 $0xFFFFE000  }
0x206: {  	_ =	swait.ge [sflag:s26], $0x2000  }
0x207: {  	[sflag:s26] =	ssyncset.done $0x0  }
0x208: {  	[sflag:s26] =	ssyncadd.s32 $0xFFFFE000  }
0x209: {  	_ =	swait.ge [sflag:s28], $0x2000  }
0x20a: {  	[sflag:s28] =	ssyncset.done $0x0  }
0x20b: {  	s7 =	rddreg [dreg:$0x17];
	[sflag:s28] =	ssyncadd.s32 $0xFFFFE000  }
0x20c: {  	[tilespmem:s13], [sflag:$0x1] =	stream.indirect.gather [hbm4b:s4+s12], $0x80, s7, s12, $0xb8;
	[tilespmem:$0x1F800] =	vst v63  }
0x20d: {  	s8 =	rddreg [dreg:$0x18]  }
0x20e: {  	[tilespmem:s14], [sflag:$0x2] =	stream.indirect.gather [hbm4b:s4+s12], $0x80, s8, s12, $0xb8;
	[tilespmem:$0x1F800] =	vst v63  }
0x20f: {  	s9 =	rddreg [dreg:$0x19]  }
0x210: {  	[tilespmem:s15], [sflag:$0x3] =	stream.indirect.gather [hbm4b:s4+s12], $0x80, s9, s12, $0xb8;
	[tilespmem:$0x1F800] =	vst v63  }
0x211: {  	s8 =	rddreg [dreg:$0x1a]  }
0x212: {  	[tilespmem:s16], [sflag:$0x4] =	stream.indirect.gather [hbm4b:s4+s12], $0x80, s8, s12, $0xb8;
	[tilespmem:$0x1F800] =	vst v63  }
0x213: {  	s9 =	rddreg [dreg:$0x1b]  }
0x214: {  	[tilespmem:s17], [sflag:$0x5] =	stream.indirect.gather [hbm4b:s4+s12], $0x80, s9, s12, $0xb8;
	[tilespmem:$0x1F800] =	vst v63  }
0x215: {  	_ =	swait.ge [sflag:s18], $0x2000  }
0x216: {  	[sflag:s18] =	ssyncset.done $0x0  }
0x217: {  	s8 =	rddreg [dreg:$0x1c];
	[sflag:s18] =	ssyncadd.s32 $0xFFFFE000  }
0x218: {  	[spmem:s2] =	stream.indirect.scatter.add.f32 [tilespmem:s13], [sflag:$0x6], $0x80, s8, s12, $0xb8;
	[tilespmem:$0x1F800] =	vst v63  }
0x219: {  	_ =	swait.ge [sflag:s19], $0x2000  }
0x21a: {  	[sflag:s19] =	ssyncset.done $0x0  }
0x21b: {  	s9 =	rddreg [dreg:$0x1d];
	[sflag:s19] =	ssyncadd.s32 $0xFFFFE000  }
0x21c: {  	[spmem:s2] =	stream.indirect.scatter.add.f32 [tilespmem:s14], [sflag:$0x7], $0x80, s9, s12, $0xb8;
	[tilespmem:$0x1F800] =	vst v63  }
0x21d: {  	_ =	swait.ge [sflag:s20], $0x2000  }
0x21e: {  	[sflag:s20] =	ssyncset.done $0x0  }
0x21f: {  	s7 =	rddreg [dreg:$0x1e];
	[sflag:s20] =	ssyncadd.s32 $0xFFFFE000  }
0x220: {  	[spmem:s2] =	stream.indirect.scatter.add.f32 [tilespmem:s15], [sflag:$0x8], $0x80, s7, s12, $0xb8;
	[tilespmem:$0x1F800] =	vst v63  }
0x221: {  	_ =	swait.ge [sflag:s21], $0x2000  }
0x222: {  	[sflag:s21] =	ssyncset.done $0x0  }
0x223: {  	s8 =	rddreg [dreg:$0x1f];
	[sflag:s21] =	ssyncadd.s32 $0xFFFFE000  }
0x224: {  	[spmem:s2] =	stream.indirect.scatter.add.f32 [tilespmem:s16], [sflag:$0x9], $0x80, s8, s12, $0xb8;
	[tilespmem:$0x1F800] =	vst v63  }
0x225: {  	_ =	swait.ge [sflag:s22], $0x2000  }
0x226: {  	s9 =	sld [smem:$0x7F7]  }
0x227: {  	[sflag:s22] =	ssyncset.done $0x0  }
0x228: {  	[sflag:s22] =	ssyncadd.s32 $0xFFFFE000  }
0x229: {  	[spmem:s2] =	stream.indirect.scatter.add.f32 [tilespmem:s17], [sflag:$0xA], $0x80, s9, s12, $0xb8;
	[tilespmem:$0x1F800] =	vst v63  }
0x22a: {  	_ =	swait.ge [sflag:s23], $0x2000  }
0x22b: {  	[sflag:s23] =	ssyncset.done $0x0  }
0x22c: {  	[sflag:s23] =	ssyncadd.s32 $0xFFFFE000  }
0x22d: {  	_ =	swait.ge [sflag:s24], $0x2000  }
0x22e: {  	[sflag:s24] =	ssyncset.done $0x0  }
0x22f: {  	[sflag:s24] =	ssyncadd.s32 $0xFFFFE000  }
0x230: {  	_ =	swait.ge [sflag:s25], $0x2000  }
0x231: {  	[sflag:s25] =	ssyncset.done $0x0  }
0x232: {  	[sflag:s25] =	ssyncadd.s32 $0xFFFFE000  }
0x233: {  	_ =	swait.ge [sflag:s26], $0x2000  }
0x234: {  	[sflag:s26] =	ssyncset.done $0x0  }
0x235: {  	[sflag:s26] =	ssyncadd.s32 $0xFFFFE000  }
0x236: {  	_ =	swait.ge [sflag:s28], $0x2000  }
0x237: {  	s7 =	sld [smem:$0x7F8]  }
0x238: {  	[sflag:s28] =	ssyncset.done $0x0  }
0x239: {  	s8 =	sld [smem:$0x7F9];
	[sflag:s28] =	ssyncadd.s32 $0xFFFFE000  }
0x23a: {  	[tilespmem:s13], [sflag:$0x1] =	stream.indirect.gather [hbm4b:s4+s12], $0x80, s7, s12, $0xb8;
	[tilespmem:$0x1F800] =	vst v63  }
0x23b: {  	s9 =	sld [smem:$0x7FA]  }
0x23c: {  	[tilespmem:s14], [sflag:$0x2] =	stream.indirect.gather [hbm4b:s4+s12], $0x80, s8, s12, $0xb8;
	[tilespmem:$0x1F800] =	vst v63  }
0x23d: {  	s8 =	sld [smem:$0x7FB]  }
0x23e: {  	[tilespmem:s15], [sflag:$0x3] =	stream.indirect.gather [hbm4b:s4+s12], $0x80, s9, s12, $0xb8;
	[tilespmem:$0x1F800] =	vst v63  }
0x23f: {  	_ = 	snop  }
0x240: {  	[tilespmem:s16], [sflag:$0x4] =	stream.indirect.gather [hbm4b:s4+s12], $0x80, s8, s12, $0xb8;
	[tilespmem:$0x1F800] =	vst v63  }
0x241: {  	_ = 	snop  }
0x242: {  	[tilespmem:s17], [sflag:$0x5] =	stream.indirect.gather [hbm4b:s4+s12], $0x80, s29, s12, $0xb8;
	[tilespmem:$0x1F800] =	vst v63  }
0x243: {  	_ =	swait.ge [sflag:s18], $0x2000  }
0x244: {  	[sflag:s18] =	ssyncset.done $0x0  }
0x245: {  	[sflag:s18] =	ssyncadd.s32 $0xFFFFE000  }
0x246: {  	[spmem:s2] =	stream.indirect.scatter.add.f32 [tilespmem:s13], [sflag:$0x6], $0x80, s30, s12, $0xb8;
	[tilespmem:$0x1F800] =	vst v63  }
0x247: {  	_ =	swait.ge [sflag:s19], $0x2000  }
0x248: {  	[sflag:s19] =	ssyncset.done $0x0  }
0x249: {  	[sflag:s19] =	ssyncadd.s32 $0xFFFFE000  }
0x24a: {  	[spmem:s2] =	stream.indirect.scatter.add.f32 [tilespmem:s14], [sflag:$0x7], $0x80, s31, s12, $0xb8;
	[tilespmem:$0x1F800] =	vst v63  }
0x24b: {  	_ =	swait.ge [sflag:s20], $0x2000  }
0x24c: {  	[sflag:s20] =	ssyncset.done $0x0  }
0x24d: {  	[sflag:s20] =	ssyncadd.s32 $0xFFFFE000  }
0x24e: {  	[spmem:s2] =	stream.indirect.scatter.add.f32 [tilespmem:s15], [sflag:$0x8], $0x80, s1, s12, $0xb8;
	[tilespmem:$0x1F800] =	vst v63  }
0x24f: {  	_ =	swait.ge [sflag:s21], $0x2000  }
0x250: {  	[sflag:s21] =	ssyncset.done $0x0  }
0x251: {  	[sflag:s21] =	ssyncadd.s32 $0xFFFFE000  }
0x252: {  	[spmem:s2] =	stream.indirect.scatter.add.f32 [tilespmem:s16], [sflag:$0x9], $0x80, s0, s12, $0xb8;
	[tilespmem:$0x1F800] =	vst v63  }
0x253: {  	_ =	swait.ge [sflag:s22], $0x2000  }
0x254: {  	[sflag:s22] =	ssyncset.done $0x0  }
0x255: {  	[sflag:s22] =	ssyncadd.s32 $0xFFFFE000  }
0x256: {  	[spmem:s2] =	stream.indirect.scatter.add.f32 [tilespmem:s17], [sflag:$0xA], $0x80, s5, s12, $0xb8;
	[tilespmem:$0x1F800] =	vst v63  }
0x257: {  	_ =	swait.ge [sflag:s23], $0x2000  }
0x258: {  	[sflag:s23] =	ssyncset.done $0x0  }
0x259: {  	[sflag:s23] =	ssyncadd.s32 $0xFFFFE000  }
0x25a: {  	_ =	swait.ge [sflag:s24], $0x2000  }
0x25b: {  	[sflag:s24] =	ssyncset.done $0x0  }
0x25c: {  	[sflag:s24] =	ssyncadd.s32 $0xFFFFE000  }
0x25d: {  	_ =	swait.ge [sflag:s25], $0x2000  }
0x25e: {  	[sflag:s25] =	ssyncset.done $0x0  }
0x25f: {  	[sflag:s25] =	ssyncadd.s32 $0xFFFFE000  }
0x260: {  	_ =	swait.ge [sflag:s26], $0x2000  }
0x261: {  	[sflag:s26] =	ssyncset.done $0x0  }
0x262: {  	[sflag:s26] =	ssyncadd.s32 $0xFFFFE000  }
0x263: {  	_ =	swait.ge [sflag:s28], $0x2000  }
0x264: {  	[sflag:s28] =	ssyncset.done $0x0  }
0x265: {  	[sflag:s28] =	ssyncadd.s32 $0xFFFFE000  }
0x266: {  	[bflag:$0x0] =	sbarrier.arrive $0xFFFF  }
0x267: {  	s7 =	sld [smem:$0x7FC]  }
0x268: {  	s9 =	sld [smem:$0x7F5]  }
0x269: {  	s8 =	sld [smem:$0x7FD];
	_ =	sdelay $0x2  }
0x26a: {  	[hbm:s9], [sflag:s7] =	dma.local [spmem:s8], $0x2800  }
0x26b: {  	_ =	swait.ge [sflag:s10], $0x2800  }
0x26c: {  	s6 =	sld [smem:$0x7F3];
	_ =	sdelay $0x2  }
0x26d: {  	s9 =	sadd.s32 $0x1, s6;
	s6 =	sld [smem:$0x7F6];
	_ =	sdelay $0x2  }
0x26e: {  	p0 =	sne.s32 s9, s6  }
.Ltmp1:
0x26f: {  	_ = 	snop;
	(pc) =	sbr.rel @p0 .LBB2_1-.Ltmp1, $3  }
0x270: {  	_ =	sdelay $0x1  }
0x271: {  	[sflag:s10] =	ssyncset.done $0x0  }
0x272: {  	[sflag:s10] =	ssyncadd.s32 $0xFFFFD800  }
0x273: {  	_ =	sfence.sel $0x180000  }
0x274: {  	[bflag:$0x0] =	sbarrier.arrive $0xFFFF  }
0x275: {  	_ =	strace $0x9000004A  }
0x276: {  	s0 =	stileid.u32;
	[bflag:$0x2] =	sbarrier.arrive $0xFFFF  }
0x277: {  	p0 =	sne.s32 s0, $0x0;
	s0 =	rddreg [dreg:$0x2]  }
0x278: {  	s0 =	sadd.s32 @!p0 $0x100000, s0  }
0x279: {  	[sflag:s0] =	ssyncadd.tile.s32 @!p0 $0x1;
	_ =	shalt  }
.Lfunc_end2:
_tile_overlayer_lowered:
.L_overlay_start_2:
0x27a: {  	(tag) =	ssettag $0x2  }
0x27b: {  	s0 =	rddreg [dreg:$0x0];
	s2 =	stileid.u32  }
0x27c: {  	s1 =	rddreg [dreg:$0x1];
	p0 =	sne.s32 s2, $0x0  }
0x27d: {  	s3 =	rddreg [dreg:$0x2];
	[bflag:$0x3] =	sbarrier.arrive $0xFFFF;
	s2 =	simm.s32 @!p0 $0x1C0B  }
0x27e: {  	[timem:s3], [sflag:s2] =	dma.local @!p0 [hbm:s0], s1  }
0x27f: {  	s0 =	simm.s32 @!p0 $0xB  }
0x280: {  	_ =	swait.ge @!p0 [sflag:s0], s1  }
0x281: {  	s1 =	ssub.s32 @!p0 $0x0, s1;
	[sflag:s0] =	ssyncset.done @!p0 $0x0  }
0x282: {  	[sflag:s0] =	ssyncadd.s32 @!p0 s1  }
0x283: {  	[bflag:$0x3] =	sbarrier.arrive $0xFFFF  }
0x284: {  	_ =	shalt  }

// kernel: kernel.15.cloned.1.call-start
scs
__scs_entry_jumppad:
0x0: {  	(pc) =	sbr.rel $0x88, $3  }
0x1: {  	(tag) =	ssettag $0x0;
	lr =	simm.s32 $0x1  }
0x2: {  	[smem:$0x3F96] =	sst lr;
	_ =	strace $0xD0000000  }
0x3: {  	_ = 	snop  }
0x4: {  	_ = 	snop  }
0x5: {  	_ = 	snop  }
0x6: {  	_ = 	snop  }
0x7: {  	_ = 	snop  }
__scs_overlays_trampoline_lowered:
0x8: {  	[smem:$0x3FA5] =	sst s0  }
0x9: {  	[smem:$0x3FA6] =	sst s1  }
0xa: {  	[smem:$0x3FA7] =	sst s2  }
0xb: {  	[smem:$0x3FA8] =	sst s3  }
0xc: {  	[smem:$0x3FA9] =	sst s4  }
0xd: {  	[smem:$0x3FAA] =	sst s5  }
0xe: {  	[smem:$0x3FAB] =	sst s6  }
0xf: {  	[smem:$0x3FAC] =	sst s7  }
0x10: {  	[smem:$0x3FAD] =	sst s8  }
0x11: {  	[smem:$0x3FAE] =	sst s9;
	s0 =	simm.s32 @!p0 $0x0  }
0x12: {  	s1 =	sld [smem:$0x3F94];
	s0 =	simm.s32 @p0 $0x1  }
0x13: {  	[smem:$0x3FAF] =	sst s0;
	s0 =	simm.s32 @!p1 $0x0  }
0x14: {  	s2 =	sld [smem:$0x3F93];
	s0 =	simm.s32 @p1 $0x1  }
0x15: {  	[smem:$0x3FB0] =	sst s0;
	s0 =	simm.s32 @!p2 $0x0  }
0x16: {  	s3 =	sld [smem:$0x3FDB];
	s0 =	simm.s32 @p2 $0x1  }
0x17: {  	s4 =	simm.s32 $0x1BF5;
	[smem:$0x3FB2] =	sst s0  }
0x18: {  	s0 =	sld [smem:$0x3F95];
	_ =	swait.ge [sflag:s4], $0x0  }
0x19: {  	s7 =	sld [smem:$0x3F96]  }
0x1a: {  	s8 =	sadd.s32 $0xFFFFE003, lr  }
0x1b: {  	s9 =	sadd.s32 $0xFFFFFEF7, lr;
	s5 =	simm.s32 $0xFFFFFFFF;
	p2 =	slt.u32 s8, $0xFFFFF086  }
0x1c: {  	p1 =	slt.u32 s9, $0xF7A;
	s5 =	simm.s32 @!p2 $0x0  }
0x1d: {  	s5 =	simm.s32 @p1 $0x1;
	p0 =	seq.s32 s7, s2  }
0x1e: {  	s7 =	smul.u32 @!p0 $0xF7A, s2;
	p2 =	seq.s32 @!p0 s5, $0x0  }
0x1f: {  	s9 =	smul.u32 $0xF7A, s1;
	s8 =	simm.s32 @!p0 $0x1BF5;
	p2 =	por !p2, p0  }
0x20: {  	[sflag:s8] =	ssyncset.s32 @!p0 $0xFFFFF086;
	s6 =	sadd.s32 @!p0 s3, s7;
	s7 =	simm.s32 @!p0 $0x108  }
0x21: {  	s3 =	sadd.s32 s3, s9;
	s6 =	sadd.s32 @!p0 $0x88, s6;
	s7 =	simm.s32 @p2 $0x1082  }
0x22: {  	[simem:s7], [sflag:s8] =	dma.local @!p0 [hbm:s6], $0xF7A  }
0x23: {  	s9 =	sor.u32 $0xD0000000, s2;
	s6 =	simm.s32 $0x108;
	_ =	swait.ge @!p0 [sflag:s8], $0x0  }
0x24: {  	s3 =	sadd.s32 $0x88, s3;
	s6 =	simm.s32 @!p1 $0x1082;
	[sflag:s4] =	ssyncset.s32 $0xFFFFF086  }
0x25: {  	[simem:s6], [sflag:s4] =	dma.local [hbm:s3], $0xF7A  }
0x26: {  	[smem:$0x3F96] =	sst s1;
	(tag) =	ssettag s2;
	_ =	strace s9  }
0x27: {  	s1 =	sld [smem:$0x3FA6]  }
0x28: {  	s2 =	sld [smem:$0x3FA7]  }
0x29: {  	s4 =	sld [smem:$0x3FA9]  }
0x2a: {  	p0 =	seq.s32 s5, $0x0;
	s5 =	sld [smem:$0x3FAA]  }
0x2b: {  	s6 =	sld [smem:$0x3FAB]  }
0x2c: {  	s7 =	sld [smem:$0x3FAC]  }
0x2d: {  	s3 =	simm.s32 $0x108;
	s8 =	sld [smem:$0x3FAD]  }
0x2e: {  	s3 =	simm.s32 @!p0 $0x1082;
	s9 =	sld [smem:$0x3FAE]  }
0x2f: {  	lr =	sadd.s32 s0, s3;
	s0 =	sld [smem:$0x3FA5]  }
0x30: {  	s3 =	sld [smem:$0x3FA8]  }
0x31: {  	[smem:$0x3FB1] =	sst s10  }
0x32: {  	s10 =	sld [smem:$0x3FAF];
	_ =	sdelay $0x3  }
0x33: {  	p0 =	seq.s32 s10, $0x1;
	s10 =	sld [smem:$0x3FB1];
	_ =	sdelay $0x3  }
0x34: {  	[smem:$0x3FB1] =	sst s10  }
0x35: {  	s10 =	sld [smem:$0x3FB0];
	_ =	sdelay $0x3  }
0x36: {  	p1 =	seq.s32 s10, $0x1;
	s10 =	sld [smem:$0x3FB1];
	_ =	sdelay $0x3  }
0x37: {  	[smem:$0x3FB1] =	sst s10  }
0x38: {  	s10 =	sld [smem:$0x3FB2]  }
0x39: {  	_ = 	snop;
	(pc) =	sbr.ind lr, $3  }
0x3a: {  	_ = 	snop  }
0x3b: {  	_ = 	snop  }
0x3c: {  	p2 =	seq.s32 s10, $0x1;
	s10 =	sld [smem:$0x3FB1]  }
0x3d: {  	_ =	shalt  }
0x3e: {  	_ =	shalt  }
0x3f: {  	_ =	shalt  }
0x40: {  	_ =	shalt  }
0x41: {  	_ =	shalt  }
0x42: {  	_ =	shalt  }
0x43: {  	_ =	shalt  }
0x44: {  	_ =	shalt  }
0x45: {  	_ =	shalt  }
0x46: {  	_ =	shalt  }
0x47: {  	_ =	shalt  }
0x48: {  	_ =	shalt  }
0x49: {  	_ =	shalt  }
0x4a: {  	_ =	shalt  }
0x4b: {  	_ =	shalt  }
0x4c: {  	_ =	shalt  }
0x4d: {  	_ =	shalt  }
0x4e: {  	_ =	shalt  }
0x4f: {  	_ =	shalt  }
0x50: {  	_ =	shalt  }
0x51: {  	_ =	shalt  }
0x52: {  	_ =	shalt  }
0x53: {  	_ =	shalt  }
0x54: {  	_ =	shalt  }
0x55: {  	_ =	shalt  }
0x56: {  	_ =	shalt  }
0x57: {  	_ =	shalt  }
0x58: {  	_ =	shalt  }
0x59: {  	_ =	shalt  }
0x5a: {  	_ =	shalt  }
0x5b: {  	_ =	shalt  }
0x5c: {  	_ =	shalt  }
0x5d: {  	_ =	shalt  }
0x5e: {  	_ =	shalt  }
0x5f: {  	_ =	shalt  }
0x60: {  	_ =	shalt  }
0x61: {  	_ =	shalt  }
0x62: {  	_ =	shalt  }
0x63: {  	_ =	shalt  }
0x64: {  	_ =	shalt  }
0x65: {  	_ =	shalt  }
0x66: {  	_ =	shalt  }
0x67: {  	_ =	shalt  }
0x68: {  	_ =	shalt  }
0x69: {  	_ =	shalt  }
0x6a: {  	_ =	shalt  }
0x6b: {  	_ =	shalt  }
0x6c: {  	_ =	shalt  }
0x6d: {  	_ =	shalt  }
0x6e: {  	_ =	shalt  }
0x6f: {  	_ =	shalt  }
0x70: {  	_ =	shalt  }
0x71: {  	_ =	shalt  }
0x72: {  	_ =	shalt  }
0x73: {  	_ =	shalt  }
0x74: {  	_ =	shalt  }
0x75: {  	_ =	shalt  }
0x76: {  	_ =	shalt  }
0x77: {  	_ =	shalt  }
0x78: {  	_ =	shalt  }
0x79: {  	_ =	shalt  }
0x7a: {  	_ =	shalt  }
0x7b: {  	_ =	shalt  }
0x7c: {  	_ =	shalt  }
0x7d: {  	_ =	shalt  }
0x7e: {  	_ =	shalt  }
0x7f: {  	_ =	shalt  }
0x80: {  	_ =	shalt  }
0x81: {  	_ =	shalt  }
0x82: {  	_ =	shalt  }
0x83: {  	_ =	shalt  }
0x84: {  	_ =	shalt  }
0x85: {  	_ =	shalt  }
0x86: {  	_ =	shalt  }
0x87: {  	_ =	shalt  }
.Lfunc_end0:
.L_simem_size_0:
called_computation.2_lowered:
.L_overlay_start_0:
0x88: {  	s2 =	sld [smem:$0x3FD9]  }
0x89: {  	s3 =	sld [smem:$0x3FFE];
	_ =	sdelay $0x1  }
0x8a: {  	s1 =	srdreg.scid  }
0x8b: {  	s0 =	sand.u32 $0x1, s1  }
0x8c: {  	s16 =	sshll.u32 s0, $0xA;
	s2 =	sadd.s32 s3, s2  }
0x8d: {  	s2 =	sadd.s32 s2, s16  }
0x8e: {  	[smem:$0x3FBD] =	sst s2  }
0x8f: {  	_ = 	snop  }
0x90: {  	(tm) =	ssettm $0x1  }
0x91: {  	s17 =	sld [smem:$0x3FFB];
	_ =	sdelay $0x3  }
0x92: {  	_ =	strace s17  }
0x93: {  	s2 =	sld [smem:$0x3FFC];
	_ =	sdelay $0x3  }
0x94: {  	_ =	strace s2  }
0x95: {  	s2 =	sld [smem:$0x3FFD];
	_ =	sdelay $0x3  }
0x96: {  	_ =	strace s2  }
0x97: {  	_ =	strace $0x8FFFFFFF  }
0x98: {  	s18 =	sld [smem:$0x3FDB];
	_ =	sdelay $0x1  }
0x99: {  	s19 =	simm.s32 $_scs_section_size  }
0x9a: {  	s4 =	simm.s32 $_size__tile_overlayer_lowered;
	s5 =	simm.s32 $_tile_overlayer_lowered  }
0x9b: {  	s22 =	simm.s32 $0x1BFF;
	s21 =	sshll.u32 s5, $0x1;
	s2 =	sadd.s32 s19, s18  }
0x9c: {  	s6 =	simm.s32 $0x0;
	s20 =	sshll.u32 s4, $0x1;
	s4 =	sadd.s32 s21, s2  }
0x9d: {  	[timem:s6], [sflag:s22] =	dma.local [hbm:s4], s20  }
0x9e: {  	_ =	swait.ge [sflag:s22], s20  }
0x9f: {  	s3 =	ssub.s32 $0x0, s20;
	[sflag:s22] =	ssyncset.done $0x0  }
0xa0: {  	[sflag:s22] =	ssyncadd.s32 s3;
	_ =	sdelay $0x1  }
0xa1: {  	s23 =	simm.s32 $0x1B8B  }
0xa2: {  	_ =	swait.ge [sflag:s23], $0x1  }
0xa3: {  	[sflag:s23] =	ssyncset.done $0x0  }
0xa4: {  	s25 =	simm.s32 $0x1B8E;
	s24 =	sld [smem:$0x3FFE];
	[sflag:s23] =	ssyncadd.s32 $0xFFFFFFFF  }
0xa5: {  	s26 =	simm.s32 $execute0_lowered;
	[smem:$0x3FD2] =	sst s25  }
0xa6: {  	s4 =	sshll.u32 s26, $0x1;
	_ =	strace $0x8000004C;
	[dreg:$0x1] =	wrdreg $0xFFFFFFFF  }
0xa7: {  	s28 =	simm.s32 $_size_execute0_lowered;
	s2 =	sadd.s32 s2, s4;
	[dreg:$0x0] =	wrdreg $0x0  }
0xa8: {  	s4 =	sshll.u32 s28, $0x1;
	[dreg:$0x2] =	wrdreg s2  }
0xa9: {  	[dreg:$0x3] =	wrdreg s4  }
0xaa: {  	[dreg:$0x4] =	wrdreg $0xC0  }
0xab: {  	_ =	task [dreg:s6], $0x5FFFF  }
0xac: {  	[dreg:$0x1] =	wrdreg $0xFFFFFFFF  }
0xad: {  	[dreg:$0x0] =	wrdreg $0x60  }
0xae: {  	[dreg:$0x2] =	wrdreg s24  }
0xaf: {  	[dreg:$0x3] =	wrdreg $0xB8000  }
0xb0: {  	[dreg:$0x4] =	wrdreg $0x9  }
0xb1: {  	_ =	task.clear_ibuf [dreg:s6], $0x5FFFF;
	_ =	strace $0x9000004C  }
0xb2: {  	s29 =	simm.s32 $0x9;
	_ =	strace $0x8000004E  }
0xb3: {  	_ =	swait.ge [sflag:s29], $0x1  }
0xb4: {  	[sflag:s29] =	ssyncadd.s32 $0xFFFFFFFF  }
0xb5: {  	_ =	strace $0x9000004E  }
0xb6: {  	_ =	sfence  }
0xb7: {  	s30 =	sld [smem:$0x0];
	_ =	sdelay $0x2  }
0xb8: {  	s31 =	sshll.u32 s1, $0xD;
	s1 =	sshrl.u32 s1, $0x2  }
0xb9: {  	s3 =	sand.u32 $0x4000, s31;
	s1 =	sadd.s32 s1, s30  }
0xba: {  	s0 =	sor.u32 s3, s0;
	s1 =	sshll.u32 s1, $0x11  }
0xbb: {  	s0 =	sor.u32 s1, s0  }
0xbc: {  	s0 =	sadd.s32 $0x8F2B, s0  }
0xbd: {  	[sflag:s0] =	ssyncadd.remote.s32 $0x1  }
0xbe: {  	_ =	sfence.sel $0xFFFF  }
0xbf: {  	[dreg:$0x0] =	wrdreg $0xFFFFFFFF;
	(pc) =	sbr.abs _section_cstart, $3  }
0xc0: {  	[dreg:$0x1] =	wrdreg $0xFFFFFFFF  }
0xc1: {  	_ =	task.clear_ibuf [dreg:s6], $0x2FFFF;
	_ =	strace $0x9FFFFFFF  }
0xc2: {  	(tm) =	ssettm $0x7FFFFFFF  }
0xc3: {  	_ =	shalt  }
tec
execute0_lowered:
.L_overlay_start_1:
0x0: {  	(tag) =	ssettag $0x1  }
0x1: {  	s0 =	srdreg.scid;
	s8 =	stileid.u32  }
0x2: {  	s0 =	sand.u32 $0x1, s0;
	s3 =	smul.u32 $0x6000, s8  }
0x3: {  	s1 =	smul.u32 $0x60000, s0  }
0x4: {  	s5 =	rddreg [dreg:$0x0]  }
0x5: {  	s2 =	rddreg [dreg:$0x1];
	s1 =	sadd.s32 s3, s1;
	s3 =	simm.s32 $0x0  }
0x6: {  	s10 =	simm.s32 $0x80;
	[smem:$0x7FF] =	sst s3  }
0x7: {  	s11 =	simm.s32 $0x100;
	_ =	strace $0x8000004D;
	[dreg:$0x5] =	wrdreg s10  }
0x8: {  	s9 =	sadd.s32 $0x32C00, s5;
	[dreg:$0x6] =	wrdreg s11  }
0x9: {  	s12 =	simm.s32 $0x180;
	[smem:$0x7F4] =	sst s9  }
0xa: {  	s13 =	simm.s32 $0x200;
	s14 =	simm.s32 $0xC80;
	[dreg:$0x7] =	wrdreg s12  }
0xb: {  	s15 =	simm.s32 $0xD00;
	s16 =	simm.s32 $0xD80;
	[dreg:$0x8] =	wrdreg s13  }
0xc: {  	s17 =	simm.s32 $0xE00;
	s19 =	simm.s32 $0x280;
	[dreg:$0x9] =	wrdreg s14  }
0xd: {  	s21 =	simm.s32 $0x300;
	s22 =	simm.s32 $0x380;
	[dreg:$0xa] =	wrdreg s15  }
0xe: {  	s24 =	simm.s32 $0x400;
	s25 =	simm.s32 $0x480;
	[dreg:$0xb] =	wrdreg s16  }
0xf: {  	s28 =	simm.s32 $0xA;
	s29 =	simm.s32 $0x980;
	[dreg:$0xc] =	wrdreg s17  }
0x10: {  	s30 =	simm.s32 $0x1380;
	s7 =	smul.u32 $0x14000, s8;
	[dreg:$0xd] =	wrdreg s19  }
0x11: {  	s31 =	simm.s32 $0x1400;
	s20 =	smul.u32 $0x50000, s8;
	[dreg:$0xe] =	wrdreg s21  }
0x12: {  	s6 =	smul.u32 $0x140000, s0;
	s0 =	ssub.s32 $0x2, s0;
	[dreg:$0xf] =	wrdreg s22  }
0x13: {  	s26 =	sshll.u32 s8, $0x6;
	s18 =	sshrl.u32 s0, $0x1;
	[dreg:$0x10] =	wrdreg s24  }
0x14: {  	s8 =	simm.s32 $0xE80;
	s0 =	ssub.s32 s0, s18;
	[dreg:$0x11] =	wrdreg s25  }
0x15: {  	s23 =	sshrl.u32 s20, $0x2;
	s0 =	smax.u32 s0, $0x1;
	[dreg:$0x12] =	wrdreg s8  }
0x16: {  	s20 =	simm.s32 $0x1200;
	s18 =	simm.s32 $0x1100;
	[smem:$0x7F6] =	sst s0  }
0x17: {  	s6 =	sadd.s32 s7, s6;
	s7 =	sor.u32 $0x1C0B, s26;
	[dreg:$0x1c] =	wrdreg s18  }
0x18: {  	s26 =	simm.s32 $0x900;
	s1 =	sshrl.u32 s1, $0x3;
	[dreg:$0x1e] =	wrdreg s20  }
0x19: {  	s6 =	sshrl.u32 s6, $0x3;
	s1 =	sadd.s32 s1, s5;
	[smem:$0x7FB] =	sst s26  }
0x1a: {  	s9 =	simm.s32 $0xF00;
	s10 =	simm.s32 $0xF80;
	[smem:$0x7FC] =	sst s7  }
0x1b: {  	s11 =	simm.s32 $0x1000;
	s12 =	simm.s32 $0x1080;
	[dreg:$0x13] =	wrdreg s9  }
0x1c: {  	s13 =	simm.s32 $0x500;
	s14 =	simm.s32 $0x580;
	[dreg:$0x14] =	wrdreg s10  }
0x1d: {  	s15 =	simm.s32 $0x600;
	s16 =	simm.s32 $0x680;
	[dreg:$0x15] =	wrdreg s11  }
0x1e: {  	s17 =	simm.s32 $0x700;
	s19 =	simm.s32 $0x1180;
	[dreg:$0x16] =	wrdreg s12  }
0x1f: {  	s18 =	simm.s32 $0x1;
	s21 =	simm.s32 $0x1280;
	[dreg:$0x17] =	wrdreg s13  }
0x20: {  	s22 =	simm.s32 $0x1300;
	s20 =	simm.s32 $0x3;
	[dreg:$0x18] =	wrdreg s14  }
0x21: {  	s24 =	simm.s32 $0x800;
	s25 =	simm.s32 $0x880;
	[dreg:$0x19] =	wrdreg s15  }
0x22: {  	s26 =	simm.s32 $0x9;
	s0 =	simm.s32 $0x1500;
	[dreg:$0x1a] =	wrdreg s16  }
0x23: {  	s4 =	sadd.s32 $0x2C00, s1;
	s1 =	sadd.s32 $0x1AC00, s1;
	[dreg:$0x1b] =	wrdreg s17  }
0x24: {  	s10 =	simm.s32 $0xB;
	s11 =	simm.s32 $0xC00;
	[dreg:$0x1d] =	wrdreg s19  }
0x25: {  	s12 =	simm.s32 $0x40;
	s13 =	simm.s32 $0x1800;
	[dreg:$0x1f] =	wrdreg s21  }
0x26: {  	s14 =	simm.s32 $0x3800;
	s15 =	simm.s32 $0x5800;
	[smem:$0x7F7] =	sst s22  }
0x27: {  	s16 =	simm.s32 $0x7800;
	s17 =	simm.s32 $0x9800;
	[smem:$0x7F9] =	sst s24  }
0x28: {  	s19 =	simm.s32 $0x2;
	s21 =	simm.s32 $0x4;
	[smem:$0x7FA] =	sst s25  }
0x29: {  	s22 =	simm.s32 $0x5;
	s24 =	simm.s32 $0x7;
	[dreg:$0x3] =	wrdreg s4  }
0x2a: {  	s25 =	simm.s32 $0x8;
	s4 =	sadd.s32 $0x35400, s5;
	[dreg:$0x4] =	wrdreg s1  }
0x2b: {  	s5 =	sadd.s32 s6, s5;
	s6 =	sadd.s32 s23, s2;
	s23 =	simm.s32 $0x780  }
0x2c: {  	s9 =	simm.s32 $0x0;
	s5 =	sadd.s32 $0x5C600, s5;
	[smem:$0x7F8] =	sst s23  }
0x2d: {  	s1 =	simm.s32 $0x1480;
	s8 =	sshrl.u32 s6, $0x3;
	[smem:$0x7F5] =	sst s5  }
0x2e: {  	s23 =	simm.s32 $0x6;
	s5 =	simm.s32 $0x1580;
	[smem:$0x7FD] =	sst s8  }
.LBB2_1:
0x2f: {  	s6 =	sld [smem:$0x7F4];
	_ =	sdelay $0x1  }
0x30: {  	[smem:$0x7F3] =	sst s9  }
0x31: {  	[spmem:s8], [sflag:s7] =	dma.local [hbm:s6], $0x2800  }
0x32: {  	_ =	swait.ge [sflag:s10], $0x2800  }
0x33: {  	[sflag:s10] =	ssyncset.done $0x0  }
0x34: {  	[sflag:s10] =	ssyncadd.s32 $0xFFFFD800  }
0x35: {  	[bflag:$0x0] =	sbarrier.arrive $0xFFFF  }
0x36: {  	s9 =	rddreg [dreg:$0x4]  }
0x37: {  	s6 =	sadd.s32 $0x0, s9  }
0x38: {  	[tilespmem:s3], [sflag:$0xB] =	stream.linear.gather [hbm4b:s6+s3], $0xA00, $0x38;
	[tilespmem:$0x1F800] =	vst v63  }
0x39: {  	_ =	swait.ge [sflag:s10], $0xA00  }
0x3a: {  	s7 =	rddreg [dreg:$0x3];
	[sflag:s10] =	ssyncset.done $0x0  }
0x3b: {  	[sflag:s10] =	ssyncadd.s32 $0xFFFFF600;
	s6 =	sadd.s32 $0x0, s7  }
0x3c: {  	[tilespmem:s11], [sflag:$0xB] =	stream.linear.gather [hbm4b:s6+s3], $0xA00, $0x38;
	[tilespmem:$0x1F800] =	vst v63  }
0x3d: {  	_ =	swait.ge [sflag:s10], $0xA00  }
0x3e: {  	[sflag:s10] =	ssyncset.done $0x0  }
0x3f: {  	[sflag:s10] =	ssyncadd.s32 $0xFFFFF600  }
0x40: {  	[tilespmem:s13], [sflag:$0x1] =	stream.indirect.gather [hbm4b:s4+s12], $0x80, s3, s12, $0xb8;
	[tilespmem:$0x1F800] =	vst v63  }
0x41: {  	s8 =	rddreg [dreg:$0x5]  }
0x42: {  	[tilespmem:s14], [sflag:$0x2] =	stream.indirect.gather [hbm4b:s4+s12], $0x80, s8, s12, $0xb8;
	[tilespmem:$0x1F800] =	vst v63  }
0x43: {  	s9 =	rddreg [dreg:$0x6]  }
0x44: {  	[tilespmem:s15], [sflag:$0x3] =	stream.indirect.gather [hbm4b:s4+s12], $0x80, s9, s12, $0xb8;
	[tilespmem:$0x1F800] =	vst v63  }
0x45: {  	s7 =	rddreg [dreg:$0x7]  }
0x46: {  	[tilespmem:s16], [sflag:$0x4] =	stream.indirect.gather [hbm4b:s4+s12], $0x80, s7, s12, $0xb8;
	[tilespmem:$0x1F800] =	vst v63  }
0x47: {  	s9 =	rddreg [dreg:$0x8]  }
0x48: {  	[tilespmem:s17], [sflag:$0x5] =	stream.indirect.gather [hbm4b:s4+s12], $0x80, s9, s12, $0xb8;
	[tilespmem:$0x1F800] =	vst v63  }
0x49: {  	_ =	swait.ge [sflag:s18], $0x2000  }
0x4a: {  	[sflag:s18] =	ssyncset.done $0x0  }
0x4b: {  	[sflag:s18] =	ssyncadd.s32 $0xFFFFE000  }
0x4c: {  	[spmem:s2] =	stream.indirect.scatter.add.f32 [tilespmem:s13], [sflag:$0x6], $0x80, s11, s12, $0xb8;
	[tilespmem:$0x1F800] =	vst v63  }
0x4d: {  	_ =	swait.ge [sflag:s19], $0x2000  }
0x4e: {  	[sflag:s19] =	ssyncset.done $0x0  }
0x4f: {  	s7 =	rddreg [dreg:$0x9];
	[sflag:s19] =	ssyncadd.s32 $0xFFFFE000  }
0x50: {  	[spmem:s2] =	stream.indirect.scatter.add.f32 [tilespmem:s14], [sflag:$0x7], $0x80, s7, s12, $0xb8;
	[tilespmem:$0x1F800] =	vst v63  }
0x51: {  	_ =	swait.ge [sflag:s20], $0x2000  }
0x52: {  	[sflag:s20] =	ssyncset.done $0x0  }
0x53: {  	s8 =	rddreg [dreg:$0xa];
	[sflag:s20] =	ssyncadd.s32 $0xFFFFE000  }
0x54: {  	[spmem:s2] =	stream.indirect.scatter.add.f32 [tilespmem:s15], [sflag:$0x8], $0x80, s8, s12, $0xb8;
	[tilespmem:$0x1F800] =	vst v63  }
0x55: {  	_ =	swait.ge [sflag:s21], $0x2000  }
0x56: {  	[sflag:s21] =	ssyncset.done $0x0  }
0x57: {  	s9 =	rddreg [dreg:$0xb];
	[sflag:s21] =	ssyncadd.s32 $0xFFFFE000  }
0x58: {  	[spmem:s2] =	stream.indirect.scatter.add.f32 [tilespmem:s16], [sflag:$0x9], $0x80, s9, s12, $0xb8;
	[tilespmem:$0x1F800] =	vst v63  }
0x59: {  	_ =	swait.ge [sflag:s22], $0x2000  }
0x5a: {  	[sflag:s22] =	ssyncset.done $0x0  }
0x5b: {  	s7 =	rddreg [dreg:$0xc];
	[sflag:s22] =	ssyncadd.s32 $0xFFFFE000  }
0x5c: {  	[spmem:s2] =	stream.indirect.scatter.add.f32 [tilespmem:s17], [sflag:$0xA], $0x80, s7, s12, $0xb8;
	[tilespmem:$0x1F800] =	vst v63  }
0x5d: {  	_ =	swait.ge [sflag:s23], $0x2000  }
0x5e: {  	[sflag:s23] =	ssyncset.done $0x0  }
0x5f: {  	[sflag:s23] =	ssyncadd.s32 $0xFFFFE000  }
0x60: {  	_ =	swait.ge [sflag:s24], $0x2000  }
0x61: {  	[sflag:s24] =	ssyncset.done $0x0  }
0x62: {  	[sflag:s24] =	ssyncadd.s32 $0xFFFFE000  }
0x63: {  	_ =	swait.ge [sflag:s25], $0x2000  }
0x64: {  	[sflag:s25] =	ssyncset.done $0x0  }
0x65: {  	[sflag:s25] =	ssyncadd.s32 $0xFFFFE000  }
0x66: {  	_ =	swait.ge [sflag:s26], $0x2000  }
0x67: {  	[sflag:s26] =	ssyncset.done $0x0  }
0x68: {  	[sflag:s26] =	ssyncadd.s32 $0xFFFFE000  }
0x69: {  	_ =	swait.ge [sflag:s28], $0x2000  }
0x6a: {  	[sflag:s28] =	ssyncset.done $0x0  }
0x6b: {  	s8 =	rddreg [dreg:$0xd];
	[sflag:s28] =	ssyncadd.s32 $0xFFFFE000  }
0x6c: {  	[tilespmem:s13], [sflag:$0x1] =	stream.indirect.gather [hbm4b:s4+s12], $0x80, s8, s12, $0xb8;
	[tilespmem:$0x1F800] =	vst v63  }
0x6d: {  	s9 =	rddreg [dreg:$0xe]  }
0x6e: {  	[tilespmem:s14], [sflag:$0x2] =	stream.indirect.gather [hbm4b:s4+s12], $0x80, s9, s12, $0xb8;
	[tilespmem:$0x1F800] =	vst v63  }
0x6f: {  	s7 =	rddreg [dreg:$0xf]  }
0x70: {  	[tilespmem:s15], [sflag:$0x3] =	stream.indirect.gather [hbm4b:s4+s12], $0x80, s7, s12, $0xb8;
	[tilespmem:$0x1F800] =	vst v63  }
0x71: {  	s9 =	rddreg [dreg:$0x10]  }
0x72: {  	[tilespmem:s16], [sflag:$0x4] =	stream.indirect.gather [hbm4b:s4+s12], $0x80, s9, s12, $0xb8;
	[tilespmem:$0x1F800] =	vst v63  }
0x73: {  	s7 =	rddreg [dreg:$0x11]  }
0x74: {  	[tilespmem:s17], [sflag:$0x5] =	stream.indirect.gather [hbm4b:s4+s12], $0x80, s7, s12, $0xb8;
	[tilespmem:$0x1F800] =	vst v63  }
0x75: {  	_ =	swait.ge [sflag:s18], $0x2000  }
0x76: {  	[sflag:s18] =	ssyncset.done $0x0  }
0x77: {  	s9 =	rddreg [dreg:$0x12];
	[sflag:s18] =	ssyncadd.s32 $0xFFFFE000  }
0x78: {  	[spmem:s2] =	stream.indirect.scatter.add.f32 [tilespmem:s13], [sflag:$0x6], $0x80, s9, s12, $0xb8;
	[tilespmem:$0x1F800] =	vst v63  }
0x79: {  	_ =	swait.ge [sflag:s19], $0x2000  }
0x7a: {  	[sflag:s19] =	ssyncset.done $0x0  }
0x7b: {  	s7 =	rddreg [dreg:$0x13];
	[sflag:s19] =	ssyncadd.s32 $0xFFFFE000  }
0x7c: {  	[spmem:s2] =	stream.indirect.scatter.add.f32 [tilespmem:s14], [sflag:$0x7], $0x80, s7, s12, $0xb8;
	[tilespmem:$0x1F800] =	vst v63  }
0x7d: {  	_ =	swait.ge [sflag:s20], $0x2000  }
0x7e: {  	[sflag:s20] =	ssyncset.done $0x0  }
0x7f: {  	s8 =	rddreg [dreg:$0x14];
	[sflag:s20] =	ssyncadd.s32 $0xFFFFE000  }
0x80: {  	[spmem:s2] =	stream.indirect.scatter.add.f32 [tilespmem:s15], [sflag:$0x8], $0x80, s8, s12, $0xb8;
	[tilespmem:$0x1F800] =	vst v63  }
0x81: {  	_ =	swait.ge [sflag:s21], $0x2000  }
0x82: {  	[sflag:s21] =	ssyncset.done $0x0  }
0x83: {  	s9 =	rddreg [dreg:$0x15];
	[sflag:s21] =	ssyncadd.s32 $0xFFFFE000  }
0x84: {  	[spmem:s2] =	stream.indirect.scatter.add.f32 [tilespmem:s16], [sflag:$0x9], $0x80, s9, s12, $0xb8;
	[tilespmem:$0x1F800] =	vst v63  }
0x85: {  	_ =	swait.ge [sflag:s22], $0x2000  }
0x86: {  	[sflag:s22] =	ssyncset.done $0x0  }
0x87: {  	s7 =	rddreg [dreg:$0x16];
	[sflag:s22] =	ssyncadd.s32 $0xFFFFE000  }
0x88: {  	[spmem:s2] =	stream.indirect.scatter.add.f32 [tilespmem:s17], [sflag:$0xA], $0x80, s7, s12, $0xb8;
	[tilespmem:$0x1F800] =	vst v63  }
0x89: {  	_ =	swait.ge [sflag:s23], $0x2000  }
0x8a: {  	[sflag:s23] =	ssyncset.done $0x0  }
0x8b: {  	[sflag:s23] =	ssyncadd.s32 $0xFFFFE000  }
0x8c: {  	_ =	swait.ge [sflag:s24], $0x2000  }
0x8d: {  	[sflag:s24] =	ssyncset.done $0x0  }
0x8e: {  	[sflag:s24] =	ssyncadd.s32 $0xFFFFE000  }
0x8f: {  	_ =	swait.ge [sflag:s25], $0x2000  }
0x90: {  	[sflag:s25] =	ssyncset.done $0x0  }
0x91: {  	[sflag:s25] =	ssyncadd.s32 $0xFFFFE000  }
0x92: {  	_ =	swait.ge [sflag:s26], $0x2000  }
0x93: {  	[sflag:s26] =	ssyncset.done $0x0  }
0x94: {  	[sflag:s26] =	ssyncadd.s32 $0xFFFFE000  }
0x95: {  	_ =	swait.ge [sflag:s28], $0x2000  }
0x96: {  	[sflag:s28] =	ssyncset.done $0x0  }
0x97: {  	s8 =	rddreg [dreg:$0x17];
	[sflag:s28] =	ssyncadd.s32 $0xFFFFE000  }
0x98: {  	[tilespmem:s13], [sflag:$0x1] =	stream.indirect.gather [hbm4b:s4+s12], $0x80, s8, s12, $0xb8;
	[tilespmem:$0x1F800] =	vst v63  }
0x99: {  	s9 =	rddreg [dreg:$0x18]  }
0x9a: {  	[tilespmem:s14], [sflag:$0x2] =	stream.indirect.gather [hbm4b:s4+s12], $0x80, s9, s12, $0xb8;
	[tilespmem:$0x1F800] =	vst v63  }
0x9b: {  	s7 =	rddreg [dreg:$0x19]  }
0x9c: {  	[tilespmem:s15], [sflag:$0x3] =	stream.indirect.gather [hbm4b:s4+s12], $0x80, s7, s12, $0xb8;
	[tilespmem:$0x1F800] =	vst v63  }
0x9d: {  	s9 =	rddreg [dreg:$0x1a]  }
0x9e: {  	[tilespmem:s16], [sflag:$0x4] =	stream.indirect.gather [hbm4b:s4+s12], $0x80, s9, s12, $0xb8;
	[tilespmem:$0x1F800] =	vst v63  }
0x9f: {  	s7 =	rddreg [dreg:$0x1b]  }
0xa0: {  	[tilespmem:s17], [sflag:$0x5] =	stream.indirect.gather [hbm4b:s4+s12], $0x80, s7, s12, $0xb8;
	[tilespmem:$0x1F800] =	vst v63  }
0xa1: {  	_ =	swait.ge [sflag:s18], $0x2000  }
0xa2: {  	[sflag:s18] =	ssyncset.done $0x0  }
0xa3: {  	s9 =	rddreg [dreg:$0x1c];
	[sflag:s18] =	ssyncadd.s32 $0xFFFFE000  }
0xa4: {  	[spmem:s2] =	stream.indirect.scatter.add.f32 [tilespmem:s13], [sflag:$0x6], $0x80, s9, s12, $0xb8;
	[tilespmem:$0x1F800] =	vst v63  }
0xa5: {  	_ =	swait.ge [sflag:s19], $0x2000  }
0xa6: {  	[sflag:s19] =	ssyncset.done $0x0  }
0xa7: {  	s7 =	rddreg [dreg:$0x1d];
	[sflag:s19] =	ssyncadd.s32 $0xFFFFE000  }
0xa8: {  	[spmem:s2] =	stream.indirect.scatter.add.f32 [tilespmem:s14], [sflag:$0x7], $0x80, s7, s12, $0xb8;
	[tilespmem:$0x1F800] =	vst v63  }
0xa9: {  	_ =	swait.ge [sflag:s20], $0x2000  }
0xaa: {  	[sflag:s20] =	ssyncset.done $0x0  }
0xab: {  	s8 =	rddreg [dreg:$0x1e];
	[sflag:s20] =	ssyncadd.s32 $0xFFFFE000  }
0xac: {  	[spmem:s2] =	stream.indirect.scatter.add.f32 [tilespmem:s15], [sflag:$0x8], $0x80, s8, s12, $0xb8;
	[tilespmem:$0x1F800] =	vst v63  }
0xad: {  	_ =	swait.ge [sflag:s21], $0x2000  }
0xae: {  	[sflag:s21] =	ssyncset.done $0x0  }
0xaf: {  	s9 =	rddreg [dreg:$0x1f];
	[sflag:s21] =	ssyncadd.s32 $0xFFFFE000  }
0xb0: {  	[spmem:s2] =	stream.indirect.scatter.add.f32 [tilespmem:s16], [sflag:$0x9], $0x80, s9, s12, $0xb8;
	[tilespmem:$0x1F800] =	vst v63  }
0xb1: {  	_ =	swait.ge [sflag:s22], $0x2000  }
0xb2: {  	s7 =	sld [smem:$0x7F7]  }
0xb3: {  	[sflag:s22] =	ssyncset.done $0x0  }
0xb4: {  	[sflag:s22] =	ssyncadd.s32 $0xFFFFE000  }
0xb5: {  	[spmem:s2] =	stream.indirect.scatter.add.f32 [tilespmem:s17], [sflag:$0xA], $0x80, s7, s12, $0xb8;
	[tilespmem:$0x1F800] =	vst v63  }
0xb6: {  	_ =	swait.ge [sflag:s23], $0x2000  }
0xb7: {  	[sflag:s23] =	ssyncset.done $0x0  }
0xb8: {  	[sflag:s23] =	ssyncadd.s32 $0xFFFFE000  }
0xb9: {  	_ =	swait.ge [sflag:s24], $0x2000  }
0xba: {  	[sflag:s24] =	ssyncset.done $0x0  }
0xbb: {  	[sflag:s24] =	ssyncadd.s32 $0xFFFFE000  }
0xbc: {  	_ =	swait.ge [sflag:s25], $0x2000  }
0xbd: {  	[sflag:s25] =	ssyncset.done $0x0  }
0xbe: {  	[sflag:s25] =	ssyncadd.s32 $0xFFFFE000  }
0xbf: {  	_ =	swait.ge [sflag:s26], $0x2000  }
0xc0: {  	[sflag:s26] =	ssyncset.done $0x0  }
0xc1: {  	[sflag:s26] =	ssyncadd.s32 $0xFFFFE000  }
0xc2: {  	_ =	swait.ge [sflag:s28], $0x2000  }
0xc3: {  	s8 =	sld [smem:$0x7F8]  }
0xc4: {  	[sflag:s28] =	ssyncset.done $0x0  }
0xc5: {  	s9 =	sld [smem:$0x7F9];
	[sflag:s28] =	ssyncadd.s32 $0xFFFFE000  }
0xc6: {  	[tilespmem:s13], [sflag:$0x1] =	stream.indirect.gather [hbm4b:s4+s12], $0x80, s8, s12, $0xb8;
	[tilespmem:$0x1F800] =	vst v63  }
0xc7: {  	s7 =	sld [smem:$0x7FA]  }
0xc8: {  	[tilespmem:s14], [sflag:$0x2] =	stream.indirect.gather [hbm4b:s4+s12], $0x80, s9, s12, $0xb8;
	[tilespmem:$0x1F800] =	vst v63  }
0xc9: {  	s9 =	sld [smem:$0x7FB]  }
0xca: {  	[tilespmem:s15], [sflag:$0x3] =	stream.indirect.gather [hbm4b:s4+s12], $0x80, s7, s12, $0xb8;
	[tilespmem:$0x1F800] =	vst v63  }
0xcb: {  	_ = 	snop  }
0xcc: {  	[tilespmem:s16], [sflag:$0x4] =	stream.indirect.gather [hbm4b:s4+s12], $0x80, s9, s12, $0xb8;
	[tilespmem:$0x1F800] =	vst v63  }
0xcd: {  	_ = 	snop  }
0xce: {  	[tilespmem:s17], [sflag:$0x5] =	stream.indirect.gather [hbm4b:s4+s12], $0x80, s29, s12, $0xb8;
	[tilespmem:$0x1F800] =	vst v63  }
0xcf: {  	_ =	swait.ge [sflag:s18], $0x2000  }
0xd0: {  	[sflag:s18] =	ssyncset.done $0x0  }
0xd1: {  	[sflag:s18] =	ssyncadd.s32 $0xFFFFE000  }
0xd2: {  	[spmem:s2] =	stream.indirect.scatter.add.f32 [tilespmem:s13], [sflag:$0x6], $0x80, s30, s12, $0xb8;
	[tilespmem:$0x1F800] =	vst v63  }
0xd3: {  	_ =	swait.ge [sflag:s19], $0x2000  }
0xd4: {  	[sflag:s19] =	ssyncset.done $0x0  }
0xd5: {  	[sflag:s19] =	ssyncadd.s32 $0xFFFFE000  }
0xd6: {  	[spmem:s2] =	stream.indirect.scatter.add.f32 [tilespmem:s14], [sflag:$0x7], $0x80, s31, s12, $0xb8;
	[tilespmem:$0x1F800] =	vst v63  }
0xd7: {  	_ =	swait.ge [sflag:s20], $0x2000  }
0xd8: {  	[sflag:s20] =	ssyncset.done $0x0  }
0xd9: {  	[sflag:s20] =	ssyncadd.s32 $0xFFFFE000  }
0xda: {  	[spmem:s2] =	stream.indirect.scatter.add.f32 [tilespmem:s15], [sflag:$0x8], $0x80, s1, s12, $0xb8;
	[tilespmem:$0x1F800] =	vst v63  }
0xdb: {  	_ =	swait.ge [sflag:s21], $0x2000  }
0xdc: {  	[sflag:s21] =	ssyncset.done $0x0  }
0xdd: {  	[sflag:s21] =	ssyncadd.s32 $0xFFFFE000  }
0xde: {  	[spmem:s2] =	stream.indirect.scatter.add.f32 [tilespmem:s16], [sflag:$0x9], $0x80, s0, s12, $0xb8;
	[tilespmem:$0x1F800] =	vst v63  }
0xdf: {  	_ =	swait.ge [sflag:s22], $0x2000  }
0xe0: {  	[sflag:s22] =	ssyncset.done $0x0  }
0xe1: {  	[sflag:s22] =	ssyncadd.s32 $0xFFFFE000  }
0xe2: {  	[spmem:s2] =	stream.indirect.scatter.add.f32 [tilespmem:s17], [sflag:$0xA], $0x80, s5, s12, $0xb8;
	[tilespmem:$0x1F800] =	vst v63  }
0xe3: {  	_ =	swait.ge [sflag:s23], $0x2000  }
0xe4: {  	[sflag:s23] =	ssyncset.done $0x0  }
0xe5: {  	[sflag:s23] =	ssyncadd.s32 $0xFFFFE000  }
0xe6: {  	_ =	swait.ge [sflag:s24], $0x2000  }
0xe7: {  	[sflag:s24] =	ssyncset.done $0x0  }
0xe8: {  	[sflag:s24] =	ssyncadd.s32 $0xFFFFE000  }
0xe9: {  	_ =	swait.ge [sflag:s25], $0x2000  }
0xea: {  	[sflag:s25] =	ssyncset.done $0x0  }
0xeb: {  	[sflag:s25] =	ssyncadd.s32 $0xFFFFE000  }
0xec: {  	_ =	swait.ge [sflag:s26], $0x2000  }
0xed: {  	[sflag:s26] =	ssyncset.done $0x0  }
0xee: {  	[sflag:s26] =	ssyncadd.s32 $0xFFFFE000  }
0xef: {  	s6 =	simm.s32 $0x300;
	_ =	swait.ge [sflag:s28], $0x2000  }
0xf0: {  	s8 =	simm.s32 $0x180;
	s9 =	rddreg [dreg:$0x4];
	[sflag:s28] =	ssyncset.done $0x0  }
.LBB2_2:
0xf1: {  	[sflag:s28] =	ssyncadd.s32 $0xFFFFE000;
	s9 =	sadd.s32 s8, s9  }
0xf2: {  	[tilespmem:s3], [sflag:$0xB] =	stream.linear.gather [hbm4b:s9+s3], $0xA00, $0x38;
	[tilespmem:$0x1F800] =	vst v63  }
0xf3: {  	_ =	swait.ge [sflag:s10], $0xA00  }
0xf4: {  	s9 =	rddreg [dreg:$0x3];
	[sflag:s10] =	ssyncset.done $0x0  }
0xf5: {  	[sflag:s10] =	ssyncadd.s32 $0xFFFFF600;
	s9 =	sadd.s32 s8, s9  }
0xf6: {  	[tilespmem:s11], [sflag:$0xB] =	stream.linear.gather [hbm4b:s9+s3], $0xA00, $0x38;
	[tilespmem:$0x1F800] =	vst v63  }
0xf7: {  	_ =	swait.ge [sflag:s10], $0xA00  }
0xf8: {  	[sflag:s10] =	ssyncset.done $0x0  }
0xf9: {  	s7 =	smov.u32 s6;
	[sflag:s10] =	ssyncadd.s32 $0xFFFFF600  }
0xfa: {  	[tilespmem:s13], [sflag:$0x1] =	stream.indirect.gather [hbm4b:s4+s12], $0x80, s3, s12, $0xb8;
	[tilespmem:$0x1F800] =	vst v63  }
0xfb: {  	s8 =	smov.u32 s7;
	s7 =	rddreg [dreg:$0x5]  }
0xfc: {  	[tilespmem:s14], [sflag:$0x2] =	stream.indirect.gather [hbm4b:s4+s12], $0x80, s7, s12, $0xb8;
	[tilespmem:$0x1F800] =	vst v63  }
0xfd: {  	s9 =	rddreg [dreg:$0x6]  }
0xfe: {  	[tilespmem:s15], [sflag:$0x3] =	stream.indirect.gather [hbm4b:s4+s12], $0x80, s9, s12, $0xb8;
	[tilespmem:$0x1F800] =	vst v63  }
0xff: {  	s7 =	rddreg [dreg:$0x7]  }
0x100: {  	[tilespmem:s16], [sflag:$0x4] =	stream.indirect.gather [hbm4b:s4+s12], $0x80, s7, s12, $0xb8;
	[tilespmem:$0x1F800] =	vst v63  }
0x101: {  	s9 =	rddreg [dreg:$0x8]  }
0x102: {  	[tilespmem:s17], [sflag:$0x5] =	stream.indirect.gather [hbm4b:s4+s12], $0x80, s9, s12, $0xb8;
	[tilespmem:$0x1F800] =	vst v63  }
0x103: {  	_ =	swait.ge [sflag:s18], $0x2000  }
0x104: {  	[sflag:s18] =	ssyncset.done $0x0  }
0x105: {  	[sflag:s18] =	ssyncadd.s32 $0xFFFFE000  }
0x106: {  	[spmem:s2] =	stream.indirect.scatter.add.f32 [tilespmem:s13], [sflag:$0x6], $0x80, s11, s12, $0xb8;
	[tilespmem:$0x1F800] =	vst v63  }
0x107: {  	_ =	swait.ge [sflag:s19], $0x2000  }
0x108: {  	[sflag:s19] =	ssyncset.done $0x0  }
0x109: {  	s9 =	rddreg [dreg:$0x9];
	[sflag:s19] =	ssyncadd.s32 $0xFFFFE000  }
0x10a: {  	[spmem:s2] =	stream.indirect.scatter.add.f32 [tilespmem:s14], [sflag:$0x7], $0x80, s9, s12, $0xb8;
	[tilespmem:$0x1F800] =	vst v63  }
0x10b: {  	_ =	swait.ge [sflag:s20], $0x2000  }
0x10c: {  	[sflag:s20] =	ssyncset.done $0x0  }
0x10d: {  	s9 =	rddreg [dreg:$0xa];
	[sflag:s20] =	ssyncadd.s32 $0xFFFFE000  }
0x10e: {  	[spmem:s2] =	stream.indirect.scatter.add.f32 [tilespmem:s15], [sflag:$0x8], $0x80, s9, s12, $0xb8;
	[tilespmem:$0x1F800] =	vst v63  }
0x10f: {  	_ =	swait.ge [sflag:s21], $0x2000  }
0x110: {  	[sflag:s21] =	ssyncset.done $0x0  }
0x111: {  	s9 =	rddreg [dreg:$0xb];
	[sflag:s21] =	ssyncadd.s32 $0xFFFFE000  }
0x112: {  	[spmem:s2] =	stream.indirect.scatter.add.f32 [tilespmem:s16], [sflag:$0x9], $0x80, s9, s12, $0xb8;
	[tilespmem:$0x1F800] =	vst v63  }
0x113: {  	_ =	swait.ge [sflag:s22], $0x2000  }
0x114: {  	[sflag:s22] =	ssyncset.done $0x0  }
0x115: {  	s9 =	rddreg [dreg:$0xc];
	[sflag:s22] =	ssyncadd.s32 $0xFFFFE000  }
0x116: {  	[spmem:s2] =	stream.indirect.scatter.add.f32 [tilespmem:s17], [sflag:$0xA], $0x80, s9, s12, $0xb8;
	[tilespmem:$0x1F800] =	vst v63  }
0x117: {  	_ =	swait.ge [sflag:s23], $0x2000  }
0x118: {  	[sflag:s23] =	ssyncset.done $0x0  }
0x119: {  	[sflag:s23] =	ssyncadd.s32 $0xFFFFE000  }
0x11a: {  	_ =	swait.ge [sflag:s24], $0x2000  }
0x11b: {  	[sflag:s24] =	ssyncset.done $0x0  }
0x11c: {  	[sflag:s24] =	ssyncadd.s32 $0xFFFFE000  }
0x11d: {  	_ =	swait.ge [sflag:s25], $0x2000  }
0x11e: {  	[sflag:s25] =	ssyncset.done $0x0  }
0x11f: {  	[sflag:s25] =	ssyncadd.s32 $0xFFFFE000  }
0x120: {  	_ =	swait.ge [sflag:s26], $0x2000  }
0x121: {  	[sflag:s26] =	ssyncset.done $0x0  }
0x122: {  	[sflag:s26] =	ssyncadd.s32 $0xFFFFE000  }
0x123: {  	_ =	swait.ge [sflag:s28], $0x2000  }
0x124: {  	[sflag:s28] =	ssyncset.done $0x0  }
0x125: {  	s7 =	rddreg [dreg:$0xd];
	[sflag:s28] =	ssyncadd.s32 $0xFFFFE000  }
0x126: {  	[tilespmem:s13], [sflag:$0x1] =	stream.indirect.gather [hbm4b:s4+s12], $0x80, s7, s12, $0xb8;
	[tilespmem:$0x1F800] =	vst v63  }
0x127: {  	s9 =	rddreg [dreg:$0xe]  }
0x128: {  	[tilespmem:s14], [sflag:$0x2] =	stream.indirect.gather [hbm4b:s4+s12], $0x80, s9, s12, $0xb8;
	[tilespmem:$0x1F800] =	vst v63  }
0x129: {  	s7 =	rddreg [dreg:$0xf]  }
0x12a: {  	[tilespmem:s15], [sflag:$0x3] =	stream.indirect.gather [hbm4b:s4+s12], $0x80, s7, s12, $0xb8;
	[tilespmem:$0x1F800] =	vst v63  }
0x12b: {  	s9 =	rddreg [dreg:$0x10]  }
0x12c: {  	[tilespmem:s16], [sflag:$0x4] =	stream.indirect.gather [hbm4b:s4+s12], $0x80, s9, s12, $0xb8;
	[tilespmem:$0x1F800] =	vst v63  }
0x12d: {  	s7 =	rddreg [dreg:$0x11]  }
0x12e: {  	[tilespmem:s17], [sflag:$0x5] =	stream.indirect.gather [hbm4b:s4+s12], $0x80, s7, s12, $0xb8;
	[tilespmem:$0x1F800] =	vst v63  }
0x12f: {  	_ =	swait.ge [sflag:s18], $0x2000  }
0x130: {  	[sflag:s18] =	ssyncset.done $0x0  }
0x131: {  	s9 =	rddreg [dreg:$0x12];
	[sflag:s18] =	ssyncadd.s32 $0xFFFFE000  }
0x132: {  	[spmem:s2] =	stream.indirect.scatter.add.f32 [tilespmem:s13], [sflag:$0x6], $0x80, s9, s12, $0xb8;
	[tilespmem:$0x1F800] =	vst v63  }
0x133: {  	_ =	swait.ge [sflag:s19], $0x2000  }
0x134: {  	[sflag:s19] =	ssyncset.done $0x0  }
0x135: {  	s9 =	rddreg [dreg:$0x13];
	[sflag:s19] =	ssyncadd.s32 $0xFFFFE000  }
0x136: {  	[spmem:s2] =	stream.indirect.scatter.add.f32 [tilespmem:s14], [sflag:$0x7], $0x80, s9, s12, $0xb8;
	[tilespmem:$0x1F800] =	vst v63  }
0x137: {  	_ =	swait.ge [sflag:s20], $0x2000  }
0x138: {  	[sflag:s20] =	ssyncset.done $0x0  }
0x139: {  	s9 =	rddreg [dreg:$0x14];
	[sflag:s20] =	ssyncadd.s32 $0xFFFFE000  }
0x13a: {  	[spmem:s2] =	stream.indirect.scatter.add.f32 [tilespmem:s15], [sflag:$0x8], $0x80, s9, s12, $0xb8;
	[tilespmem:$0x1F800] =	vst v63  }
0x13b: {  	_ =	swait.ge [sflag:s21], $0x2000  }
0x13c: {  	[sflag:s21] =	ssyncset.done $0x0  }
0x13d: {  	s9 =	rddreg [dreg:$0x15];
	[sflag:s21] =	ssyncadd.s32 $0xFFFFE000  }
0x13e: {  	[spmem:s2] =	stream.indirect.scatter.add.f32 [tilespmem:s16], [sflag:$0x9], $0x80, s9, s12, $0xb8;
	[tilespmem:$0x1F800] =	vst v63  }
0x13f: {  	_ =	swait.ge [sflag:s22], $0x2000  }
0x140: {  	[sflag:s22] =	ssyncset.done $0x0  }
0x141: {  	s9 =	rddreg [dreg:$0x16];
	[sflag:s22] =	ssyncadd.s32 $0xFFFFE000  }
0x142: {  	[spmem:s2] =	stream.indirect.scatter.add.f32 [tilespmem:s17], [sflag:$0xA], $0x80, s9, s12, $0xb8;
	[tilespmem:$0x1F800] =	vst v63  }
0x143: {  	_ =	swait.ge [sflag:s23], $0x2000  }
0x144: {  	[sflag:s23] =	ssyncset.done $0x0  }
0x145: {  	[sflag:s23] =	ssyncadd.s32 $0xFFFFE000  }
0x146: {  	_ =	swait.ge [sflag:s24], $0x2000  }
0x147: {  	[sflag:s24] =	ssyncset.done $0x0  }
0x148: {  	[sflag:s24] =	ssyncadd.s32 $0xFFFFE000  }
0x149: {  	_ =	swait.ge [sflag:s25], $0x2000  }
0x14a: {  	[sflag:s25] =	ssyncset.done $0x0  }
0x14b: {  	[sflag:s25] =	ssyncadd.s32 $0xFFFFE000  }
0x14c: {  	_ =	swait.ge [sflag:s26], $0x2000  }
0x14d: {  	[sflag:s26] =	ssyncset.done $0x0  }
0x14e: {  	[sflag:s26] =	ssyncadd.s32 $0xFFFFE000  }
0x14f: {  	_ =	swait.ge [sflag:s28], $0x2000  }
0x150: {  	[sflag:s28] =	ssyncset.done $0x0  }
0x151: {  	s7 =	rddreg [dreg:$0x17];
	[sflag:s28] =	ssyncadd.s32 $0xFFFFE000  }
0x152: {  	[tilespmem:s13], [sflag:$0x1] =	stream.indirect.gather [hbm4b:s4+s12], $0x80, s7, s12, $0xb8;
	[tilespmem:$0x1F800] =	vst v63  }
0x153: {  	s9 =	rddreg [dreg:$0x18]  }
0x154: {  	[tilespmem:s14], [sflag:$0x2] =	stream.indirect.gather [hbm4b:s4+s12], $0x80, s9, s12, $0xb8;
	[tilespmem:$0x1F800] =	vst v63  }
0x155: {  	s7 =	rddreg [dreg:$0x19]  }
0x156: {  	[tilespmem:s15], [sflag:$0x3] =	stream.indirect.gather [hbm4b:s4+s12], $0x80, s7, s12, $0xb8;
	[tilespmem:$0x1F800] =	vst v63  }
0x157: {  	s9 =	rddreg [dreg:$0x1a]  }
0x158: {  	[tilespmem:s16], [sflag:$0x4] =	stream.indirect.gather [hbm4b:s4+s12], $0x80, s9, s12, $0xb8;
	[tilespmem:$0x1F800] =	vst v63  }
0x159: {  	s7 =	rddreg [dreg:$0x1b]  }
0x15a: {  	[tilespmem:s17], [sflag:$0x5] =	stream.indirect.gather [hbm4b:s4+s12], $0x80, s7, s12, $0xb8;
	[tilespmem:$0x1F800] =	vst v63  }
0x15b: {  	_ =	swait.ge [sflag:s18], $0x2000  }
0x15c: {  	[sflag:s18] =	ssyncset.done $0x0  }
0x15d: {  	s9 =	rddreg [dreg:$0x1c];
	[sflag:s18] =	ssyncadd.s32 $0xFFFFE000  }
0x15e: {  	[spmem:s2] =	stream.indirect.scatter.add.f32 [tilespmem:s13], [sflag:$0x6], $0x80, s9, s12, $0xb8;
	[tilespmem:$0x1F800] =	vst v63  }
0x15f: {  	_ =	swait.ge [sflag:s19], $0x2000  }
0x160: {  	[sflag:s19] =	ssyncset.done $0x0  }
0x161: {  	s9 =	rddreg [dreg:$0x1d];
	[sflag:s19] =	ssyncadd.s32 $0xFFFFE000  }
0x162: {  	[spmem:s2] =	stream.indirect.scatter.add.f32 [tilespmem:s14], [sflag:$0x7], $0x80, s9, s12, $0xb8;
	[tilespmem:$0x1F800] =	vst v63  }
0x163: {  	_ =	swait.ge [sflag:s20], $0x2000  }
0x164: {  	[sflag:s20] =	ssyncset.done $0x0  }
0x165: {  	s9 =	rddreg [dreg:$0x1e];
	[sflag:s20] =	ssyncadd.s32 $0xFFFFE000  }
0x166: {  	[spmem:s2] =	stream.indirect.scatter.add.f32 [tilespmem:s15], [sflag:$0x8], $0x80, s9, s12, $0xb8;
	[tilespmem:$0x1F800] =	vst v63  }
0x167: {  	_ =	swait.ge [sflag:s21], $0x2000  }
0x168: {  	[sflag:s21] =	ssyncset.done $0x0  }
0x169: {  	s9 =	rddreg [dreg:$0x1f];
	[sflag:s21] =	ssyncadd.s32 $0xFFFFE000  }
0x16a: {  	[spmem:s2] =	stream.indirect.scatter.add.f32 [tilespmem:s16], [sflag:$0x9], $0x80, s9, s12, $0xb8;
	[tilespmem:$0x1F800] =	vst v63  }
0x16b: {  	_ =	swait.ge [sflag:s22], $0x2000  }
0x16c: {  	s9 =	sld [smem:$0x7F7]  }
0x16d: {  	[sflag:s22] =	ssyncset.done $0x0  }
0x16e: {  	[sflag:s22] =	ssyncadd.s32 $0xFFFFE000  }
0x16f: {  	[spmem:s2] =	stream.indirect.scatter.add.f32 [tilespmem:s17], [sflag:$0xA], $0x80, s9, s12, $0xb8;
	[tilespmem:$0x1F800] =	vst v63  }
0x170: {  	_ =	swait.ge [sflag:s23], $0x2000  }
0x171: {  	[sflag:s23] =	ssyncset.done $0x0  }
0x172: {  	[sflag:s23] =	ssyncadd.s32 $0xFFFFE000  }
0x173: {  	_ =	swait.ge [sflag:s24], $0x2000  }
0x174: {  	[sflag:s24] =	ssyncset.done $0x0  }
0x175: {  	[sflag:s24] =	ssyncadd.s32 $0xFFFFE000  }
0x176: {  	_ =	swait.ge [sflag:s25], $0x2000  }
0x177: {  	[sflag:s25] =	ssyncset.done $0x0  }
0x178: {  	[sflag:s25] =	ssyncadd.s32 $0xFFFFE000  }
0x179: {  	_ =	swait.ge [sflag:s26], $0x2000  }
0x17a: {  	[sflag:s26] =	ssyncset.done $0x0  }
0x17b: {  	[sflag:s26] =	ssyncadd.s32 $0xFFFFE000  }
0x17c: {  	_ =	swait.ge [sflag:s28], $0x2000  }
0x17d: {  	s7 =	sld [smem:$0x7F8]  }
0x17e: {  	[sflag:s28] =	ssyncset.done $0x0  }
0x17f: {  	s9 =	sld [smem:$0x7F9];
	[sflag:s28] =	ssyncadd.s32 $0xFFFFE000  }
0x180: {  	[tilespmem:s13], [sflag:$0x1] =	stream.indirect.gather [hbm4b:s4+s12], $0x80, s7, s12, $0xb8;
	[tilespmem:$0x1F800] =	vst v63  }
0x181: {  	s7 =	sld [smem:$0x7FA]  }
0x182: {  	[tilespmem:s14], [sflag:$0x2] =	stream.indirect.gather [hbm4b:s4+s12], $0x80, s9, s12, $0xb8;
	[tilespmem:$0x1F800] =	vst v63  }
0x183: {  	s9 =	sld [smem:$0x7FB]  }
0x184: {  	[tilespmem:s15], [sflag:$0x3] =	stream.indirect.gather [hbm4b:s4+s12], $0x80, s7, s12, $0xb8;
	[tilespmem:$0x1F800] =	vst v63  }
0x185: {  	_ = 	snop  }
0x186: {  	[tilespmem:s16], [sflag:$0x4] =	stream.indirect.gather [hbm4b:s4+s12], $0x80, s9, s12, $0xb8;
	[tilespmem:$0x1F800] =	vst v63  }
0x187: {  	_ = 	snop  }
0x188: {  	[tilespmem:s17], [sflag:$0x5] =	stream.indirect.gather [hbm4b:s4+s12], $0x80, s29, s12, $0xb8;
	[tilespmem:$0x1F800] =	vst v63  }
0x189: {  	_ =	swait.ge [sflag:s18], $0x2000  }
0x18a: {  	[sflag:s18] =	ssyncset.done $0x0  }
0x18b: {  	[sflag:s18] =	ssyncadd.s32 $0xFFFFE000  }
0x18c: {  	[spmem:s2] =	stream.indirect.scatter.add.f32 [tilespmem:s13], [sflag:$0x6], $0x80, s30, s12, $0xb8;
	[tilespmem:$0x1F800] =	vst v63  }
0x18d: {  	_ =	swait.ge [sflag:s19], $0x2000  }
0x18e: {  	[sflag:s19] =	ssyncset.done $0x0  }
0x18f: {  	[sflag:s19] =	ssyncadd.s32 $0xFFFFE000  }
0x190: {  	[spmem:s2] =	stream.indirect.scatter.add.f32 [tilespmem:s14], [sflag:$0x7], $0x80, s31, s12, $0xb8;
	[tilespmem:$0x1F800] =	vst v63  }
0x191: {  	_ =	swait.ge [sflag:s20], $0x2000  }
0x192: {  	[sflag:s20] =	ssyncset.done $0x0  }
0x193: {  	[sflag:s20] =	ssyncadd.s32 $0xFFFFE000  }
0x194: {  	[spmem:s2] =	stream.indirect.scatter.add.f32 [tilespmem:s15], [sflag:$0x8], $0x80, s1, s12, $0xb8;
	[tilespmem:$0x1F800] =	vst v63  }
0x195: {  	_ =	swait.ge [sflag:s21], $0x2000  }
0x196: {  	[sflag:s21] =	ssyncset.done $0x0  }
0x197: {  	[sflag:s21] =	ssyncadd.s32 $0xFFFFE000  }
0x198: {  	[spmem:s2] =	stream.indirect.scatter.add.f32 [tilespmem:s16], [sflag:$0x9], $0x80, s0, s12, $0xb8;
	[tilespmem:$0x1F800] =	vst v63  }
0x199: {  	_ =	swait.ge [sflag:s22], $0x2000  }
0x19a: {  	[sflag:s22] =	ssyncset.done $0x0  }
0x19b: {  	[sflag:s22] =	ssyncadd.s32 $0xFFFFE000  }
0x19c: {  	[spmem:s2] =	stream.indirect.scatter.add.f32 [tilespmem:s17], [sflag:$0xA], $0x80, s5, s12, $0xb8;
	[tilespmem:$0x1F800] =	vst v63  }
0x19d: {  	_ =	swait.ge [sflag:s23], $0x2000  }
0x19e: {  	[sflag:s23] =	ssyncset.done $0x0  }
0x19f: {  	[sflag:s23] =	ssyncadd.s32 $0xFFFFE000  }
0x1a0: {  	_ =	swait.ge [sflag:s24], $0x2000  }
0x1a1: {  	[sflag:s24] =	ssyncset.done $0x0  }
0x1a2: {  	[sflag:s24] =	ssyncadd.s32 $0xFFFFE000  }
0x1a3: {  	_ =	swait.ge [sflag:s25], $0x2000  }
0x1a4: {  	[sflag:s25] =	ssyncset.done $0x0  }
0x1a5: {  	p0 =	sne.s32 s6, $0xA80;
	[sflag:s25] =	ssyncadd.s32 $0xFFFFE000  }
.Ltmp0:
0x1a6: {  	_ =	swait.ge [sflag:s26], $0x2000;
	(pc) =	sbr.rel @p0 .LBB2_2-.Ltmp0, $4  }
0x1a7: {  	[sflag:s26] =	ssyncset.done $0x0  }
0x1a8: {  	[sflag:s26] =	ssyncadd.s32 $0xFFFFE000  }
0x1a9: {  	_ =	swait.ge [sflag:s28], $0x2000  }
0x1aa: {  	s6 =	sadd.s32 $0x180, s6;
	s9 =	rddreg [dreg:$0x4];
	[sflag:s28] =	ssyncset.done $0x0  }
0x1ab: {  	[sflag:s28] =	ssyncadd.s32 $0xFFFFE000;
	s6 =	sadd.s32 s8, s9  }
0x1ac: {  	[tilespmem:s3], [sflag:$0xB] =	stream.linear.gather [hbm4b:s6+s3], $0xA00, $0x38;
	[tilespmem:$0x1F800] =	vst v63  }
0x1ad: {  	_ =	swait.ge [sflag:s10], $0xA00  }
0x1ae: {  	s7 =	rddreg [dreg:$0x3];
	[sflag:s10] =	ssyncset.done $0x0  }
0x1af: {  	[sflag:s10] =	ssyncadd.s32 $0xFFFFF600;
	s6 =	sadd.s32 s8, s7  }
0x1b0: {  	[tilespmem:s11], [sflag:$0xB] =	stream.linear.gather [hbm4b:s6+s3], $0xA00, $0x38;
	[tilespmem:$0x1F800] =	vst v63  }
0x1b1: {  	_ =	swait.ge [sflag:s10], $0xA00  }
0x1b2: {  	[sflag:s10] =	ssyncset.done $0x0  }
0x1b3: {  	[sflag:s10] =	ssyncadd.s32 $0xFFFFF600  }
0x1b4: {  	[tilespmem:s13], [sflag:$0x1] =	stream.indirect.gather [hbm4b:s4+s12], $0x80, s3, s12, $0xb8;
	[tilespmem:$0x1F800] =	vst v63  }
0x1b5: {  	s8 =	rddreg [dreg:$0x5]  }
0x1b6: {  	[tilespmem:s14], [sflag:$0x2] =	stream.indirect.gather [hbm4b:s4+s12], $0x80, s8, s12, $0xb8;
	[tilespmem:$0x1F800] =	vst v63  }
0x1b7: {  	s7 =	rddreg [dreg:$0x6]  }
0x1b8: {  	[tilespmem:s15], [sflag:$0x3] =	stream.indirect.gather [hbm4b:s4+s12], $0x80, s7, s12, $0xb8;
	[tilespmem:$0x1F800] =	vst v63  }
0x1b9: {  	s9 =	rddreg [dreg:$0x7]  }
0x1ba: {  	[tilespmem:s16], [sflag:$0x4] =	stream.indirect.gather [hbm4b:s4+s12], $0x80, s9, s12, $0xb8;
	[tilespmem:$0x1F800] =	vst v63  }
0x1bb: {  	s8 =	rddreg [dreg:$0x8]  }
0x1bc: {  	[tilespmem:s17], [sflag:$0x5] =	stream.indirect.gather [hbm4b:s4+s12], $0x80, s8, s12, $0xb8;
	[tilespmem:$0x1F800] =	vst v63  }
0x1bd: {  	_ =	swait.ge [sflag:s18], $0x2000  }
0x1be: {  	[sflag:s18] =	ssyncset.done $0x0  }
0x1bf: {  	[sflag:s18] =	ssyncadd.s32 $0xFFFFE000  }
0x1c0: {  	[spmem:s2] =	stream.indirect.scatter.add.f32 [tilespmem:s13], [sflag:$0x6], $0x80, s11, s12, $0xb8;
	[tilespmem:$0x1F800] =	vst v63  }
0x1c1: {  	_ =	swait.ge [sflag:s19], $0x2000  }
0x1c2: {  	[sflag:s19] =	ssyncset.done $0x0  }
0x1c3: {  	s9 =	rddreg [dreg:$0x9];
	[sflag:s19] =	ssyncadd.s32 $0xFFFFE000  }
0x1c4: {  	[spmem:s2] =	stream.indirect.scatter.add.f32 [tilespmem:s14], [sflag:$0x7], $0x80, s9, s12, $0xb8;
	[tilespmem:$0x1F800] =	vst v63  }
0x1c5: {  	_ =	swait.ge [sflag:s20], $0x2000  }
0x1c6: {  	[sflag:s20] =	ssyncset.done $0x0  }
0x1c7: {  	s7 =	rddreg [dreg:$0xa];
	[sflag:s20] =	ssyncadd.s32 $0xFFFFE000  }
0x1c8: {  	[spmem:s2] =	stream.indirect.scatter.add.f32 [tilespmem:s15], [sflag:$0x8], $0x80, s7, s12, $0xb8;
	[tilespmem:$0x1F800] =	vst v63  }
0x1c9: {  	_ =	swait.ge [sflag:s21], $0x2000  }
0x1ca: {  	[sflag:s21] =	ssyncset.done $0x0  }
0x1cb: {  	s8 =	rddreg [dreg:$0xb];
	[sflag:s21] =	ssyncadd.s32 $0xFFFFE000  }
0x1cc: {  	[spmem:s2] =	stream.indirect.scatter.add.f32 [tilespmem:s16], [sflag:$0x9], $0x80, s8, s12, $0xb8;
	[tilespmem:$0x1F800] =	vst v63  }
0x1cd: {  	_ =	swait.ge [sflag:s22], $0x2000  }
0x1ce: {  	[sflag:s22] =	ssyncset.done $0x0  }
0x1cf: {  	s9 =	rddreg [dreg:$0xc];
	[sflag:s22] =	ssyncadd.s32 $0xFFFFE000  }
0x1d0: {  	[spmem:s2] =	stream.indirect.scatter.add.f32 [tilespmem:s17], [sflag:$0xA], $0x80, s9, s12, $0xb8;
	[tilespmem:$0x1F800] =	vst v63  }
0x1d1: {  	_ =	swait.ge [sflag:s23], $0x2000  }
0x1d2: {  	[sflag:s23] =	ssyncset.done $0x0  }
0x1d3: {  	[sflag:s23] =	ssyncadd.s32 $0xFFFFE000  }
0x1d4: {  	_ =	swait.ge [sflag:s24], $0x2000  }
0x1d5: {  	[sflag:s24] =	ssyncset.done $0x0  }
0x1d6: {  	[sflag:s24] =	ssyncadd.s32 $0xFFFFE000  }
0x1d7: {  	_ =	swait.ge [sflag:s25], $0x2000  }
0x1d8: {  	[sflag:s25] =	ssyncset.done $0x0  }
0x1d9: {  	[sflag:s25] =	ssyncadd.s32 $0xFFFFE000  }
0x1da: {  	_ =	swait.ge [sflag:s26], $0x2000  }
0x1db: {  	[sflag:s26] =	ssyncset.done $0x0  }
0x1dc: {  	[sflag:s26] =	ssyncadd.s32 $0xFFFFE000  }
0x1dd: {  	_ =	swait.ge [sflag:s28], $0x2000  }
0x1de: {  	[sflag:s28] =	ssyncset.done $0x0  }
0x1df: {  	s7 =	rddreg [dreg:$0xd];
	[sflag:s28] =	ssyncadd.s32 $0xFFFFE000  }
0x1e0: {  	[tilespmem:s13], [sflag:$0x1] =	stream.indirect.gather [hbm4b:s4+s12], $0x80, s7, s12, $0xb8;
	[tilespmem:$0x1F800] =	vst v63  }
0x1e1: {  	s8 =	rddreg [dreg:$0xe]  }
0x1e2: {  	[tilespmem:s14], [sflag:$0x2] =	stream.indirect.gather [hbm4b:s4+s12], $0x80, s8, s12, $0xb8;
	[tilespmem:$0x1F800] =	vst v63  }
0x1e3: {  	s9 =	rddreg [dreg:$0xf]  }
0x1e4: {  	[tilespmem:s15], [sflag:$0x3] =	stream.indirect.gather [hbm4b:s4+s12], $0x80, s9, s12, $0xb8;
	[tilespmem:$0x1F800] =	vst v63  }
0x1e5: {  	s8 =	rddreg [dreg:$0x10]  }
0x1e6: {  	[tilespmem:s16], [sflag:$0x4] =	stream.indirect.gather [hbm4b:s4+s12], $0x80, s8, s12, $0xb8;
	[tilespmem:$0x1F800] =	vst v63  }
0x1e7: {  	s9 =	rddreg [dreg:$0x11]  }
0x1e8: {  	[tilespmem:s17], [sflag:$0x5] =	stream.indirect.gather [hbm4b:s4+s12], $0x80, s9, s12, $0xb8;
	[tilespmem:$0x1F800] =	vst v63  }
0x1e9: {  	_ =	swait.ge [sflag:s18], $0x2000  }
0x1ea: {  	[sflag:s18] =	ssyncset.done $0x0  }
0x1eb: {  	s8 =	rddreg [dreg:$0x12];
	[sflag:s18] =	ssyncadd.s32 $0xFFFFE000  }
0x1ec: {  	[spmem:s2] =	stream.indirect.scatter.add.f32 [tilespmem:s13], [sflag:$0x6], $0x80, s8, s12, $0xb8;
	[tilespmem:$0x1F800] =	vst v63  }
0x1ed: {  	_ =	swait.ge [sflag:s19], $0x2000  }
0x1ee: {  	[sflag:s19] =	ssyncset.done $0x0  }
0x1ef: {  	s9 =	rddreg [dreg:$0x13];
	[sflag:s19] =	ssyncadd.s32 $0xFFFFE000  }
0x1f0: {  	[spmem:s2] =	stream.indirect.scatter.add.f32 [tilespmem:s14], [sflag:$0x7], $0x80, s9, s12, $0xb8;
	[tilespmem:$0x1F800] =	vst v63  }
0x1f1: {  	_ =	swait.ge [sflag:s20], $0x2000  }
0x1f2: {  	[sflag:s20] =	ssyncset.done $0x0  }
0x1f3: {  	s7 =	rddreg [dreg:$0x14];
	[sflag:s20] =	ssyncadd.s32 $0xFFFFE000  }
0x1f4: {  	[spmem:s2] =	stream.indirect.scatter.add.f32 [tilespmem:s15], [sflag:$0x8], $0x80, s7, s12, $0xb8;
	[tilespmem:$0x1F800] =	vst v63  }
0x1f5: {  	_ =	swait.ge [sflag:s21], $0x2000  }
0x1f6: {  	[sflag:s21] =	ssyncset.done $0x0  }
0x1f7: {  	s8 =	rddreg [dreg:$0x15];
	[sflag:s21] =	ssyncadd.s32 $0xFFFFE000  }
0x1f8: {  	[spmem:s2] =	stream.indirect.scatter.add.f32 [tilespmem:s16], [sflag:$0x9], $0x80, s8, s12, $0xb8;
	[tilespmem:$0x1F800] =	vst v63  }
0x1f9: {  	_ =	swait.ge [sflag:s22], $0x2000  }
0x1fa: {  	[sflag:s22] =	ssyncset.done $0x0  }
0x1fb: {  	s9 =	rddreg [dreg:$0x16];
	[sflag:s22] =	ssyncadd.s32 $0xFFFFE000  }
0x1fc: {  	[spmem:s2] =	stream.indirect.scatter.add.f32 [tilespmem:s17], [sflag:$0xA], $0x80, s9, s12, $0xb8;
	[tilespmem:$0x1F800] =	vst v63  }
0x1fd: {  	_ =	swait.ge [sflag:s23], $0x2000  }
0x1fe: {  	[sflag:s23] =	ssyncset.done $0x0  }
0x1ff: {  	[sflag:s23] =	ssyncadd.s32 $0xFFFFE000  }
0x200: {  	_ =	swait.ge [sflag:s24], $0x2000  }
0x201: {  	[sflag:s24] =	ssyncset.done $0x0  }
0x202: {  	[sflag:s24] =	ssyncadd.s32 $0xFFFFE000  }
0x203: {  	_ =	swait.ge [sflag:s25], $0x2000  }
0x204: {  	[sflag:s25] =	ssyncset.done $0x0  }
0x205: {  	[sflag:s25] =	ssyncadd.s32 $0xFFFFE000  }
0x206: {  	_ =	swait.ge [sflag:s26], $0x2000  }
0x207: {  	[sflag:s26] =	ssyncset.done $0x0  }
0x208: {  	[sflag:s26] =	ssyncadd.s32 $0xFFFFE000  }
0x209: {  	_ =	swait.ge [sflag:s28], $0x2000  }
0x20a: {  	[sflag:s28] =	ssyncset.done $0x0  }
0x20b: {  	s7 =	rddreg [dreg:$0x17];
	[sflag:s28] =	ssyncadd.s32 $0xFFFFE000  }
0x20c: {  	[tilespmem:s13], [sflag:$0x1] =	stream.indirect.gather [hbm4b:s4+s12], $0x80, s7, s12, $0xb8;
	[tilespmem:$0x1F800] =	vst v63  }
0x20d: {  	s8 =	rddreg [dreg:$0x18]  }
0x20e: {  	[tilespmem:s14], [sflag:$0x2] =	stream.indirect.gather [hbm4b:s4+s12], $0x80, s8, s12, $0xb8;
	[tilespmem:$0x1F800] =	vst v63  }
0x20f: {  	s9 =	rddreg [dreg:$0x19]  }
0x210: {  	[tilespmem:s15], [sflag:$0x3] =	stream.indirect.gather [hbm4b:s4+s12], $0x80, s9, s12, $0xb8;
	[tilespmem:$0x1F800] =	vst v63  }
0x211: {  	s8 =	rddreg [dreg:$0x1a]  }
0x212: {  	[tilespmem:s16], [sflag:$0x4] =	stream.indirect.gather [hbm4b:s4+s12], $0x80, s8, s12, $0xb8;
	[tilespmem:$0x1F800] =	vst v63  }
0x213: {  	s9 =	rddreg [dreg:$0x1b]  }
0x214: {  	[tilespmem:s17], [sflag:$0x5] =	stream.indirect.gather [hbm4b:s4+s12], $0x80, s9, s12, $0xb8;
	[tilespmem:$0x1F800] =	vst v63  }
0x215: {  	_ =	swait.ge [sflag:s18], $0x2000  }
0x216: {  	[sflag:s18] =	ssyncset.done $0x0  }
0x217: {  	s8 =	rddreg [dreg:$0x1c];
	[sflag:s18] =	ssyncadd.s32 $0xFFFFE000  }
0x218: {  	[spmem:s2] =	stream.indirect.scatter.add.f32 [tilespmem:s13], [sflag:$0x6], $0x80, s8, s12, $0xb8;
	[tilespmem:$0x1F800] =	vst v63  }
0x219: {  	_ =	swait.ge [sflag:s19], $0x2000  }
0x21a: {  	[sflag:s19] =	ssyncset.done $0x0  }
0x21b: {  	s9 =	rddreg [dreg:$0x1d];
	[sflag:s19] =	ssyncadd.s32 $0xFFFFE000  }
0x21c: {  	[spmem:s2] =	stream.indirect.scatter.add.f32 [tilespmem:s14], [sflag:$0x7], $0x80, s9, s12, $0xb8;
	[tilespmem:$0x1F800] =	vst v63  }
0x21d: {  	_ =	swait.ge [sflag:s20], $0x2000  }
0x21e: {  	[sflag:s20] =	ssyncset.done $0x0  }
0x21f: {  	s7 =	rddreg [dreg:$0x1e];
	[sflag:s20] =	ssyncadd.s32 $0xFFFFE000  }
0x220: {  	[spmem:s2] =	stream.indirect.scatter.add.f32 [tilespmem:s15], [sflag:$0x8], $0x80, s7, s12, $0xb8;
	[tilespmem:$0x1F800] =	vst v63  }
0x221: {  	_ =	swait.ge [sflag:s21], $0x2000  }
0x222: {  	[sflag:s21] =	ssyncset.done $0x0  }
0x223: {  	s8 =	rddreg [dreg:$0x1f];
	[sflag:s21] =	ssyncadd.s32 $0xFFFFE000  }
0x224: {  	[spmem:s2] =	stream.indirect.scatter.add.f32 [tilespmem:s16], [sflag:$0x9], $0x80, s8, s12, $0xb8;
	[tilespmem:$0x1F800] =	vst v63  }
0x225: {  	_ =	swait.ge [sflag:s22], $0x2000  }
0x226: {  	s9 =	sld [smem:$0x7F7]  }
0x227: {  	[sflag:s22] =	ssyncset.done $0x0  }
0x228: {  	[sflag:s22] =	ssyncadd.s32 $0xFFFFE000  }
0x229: {  	[spmem:s2] =	stream.indirect.scatter.add.f32 [tilespmem:s17], [sflag:$0xA], $0x80, s9, s12, $0xb8;
	[tilespmem:$0x1F800] =	vst v63  }
0x22a: {  	_ =	swait.ge [sflag:s23], $0x2000  }
0x22b: {  	[sflag:s23] =	ssyncset.done $0x0  }
0x22c: {  	[sflag:s23] =	ssyncadd.s32 $0xFFFFE000  }
0x22d: {  	_ =	swait.ge [sflag:s24], $0x2000  }
0x22e: {  	[sflag:s24] =	ssyncset.done $0x0  }
0x22f: {  	[sflag:s24] =	ssyncadd.s32 $0xFFFFE000  }
0x230: {  	_ =	swait.ge [sflag:s25], $0x2000  }
0x231: {  	[sflag:s25] =	ssyncset.done $0x0  }
0x232: {  	[sflag:s25] =	ssyncadd.s32 $0xFFFFE000  }
0x233: {  	_ =	swait.ge [sflag:s26], $0x2000  }
0x234: {  	[sflag:s26] =	ssyncset.done $0x0  }
0x235: {  	[sflag:s26] =	ssyncadd.s32 $0xFFFFE000  }
0x236: {  	_ =	swait.ge [sflag:s28], $0x2000  }
0x237: {  	s7 =	sld [smem:$0x7F8]  }
0x238: {  	[sflag:s28] =	ssyncset.done $0x0  }
0x239: {  	s8 =	sld [smem:$0x7F9];
	[sflag:s28] =	ssyncadd.s32 $0xFFFFE000  }
0x23a: {  	[tilespmem:s13], [sflag:$0x1] =	stream.indirect.gather [hbm4b:s4+s12], $0x80, s7, s12, $0xb8;
	[tilespmem:$0x1F800] =	vst v63  }
0x23b: {  	s9 =	sld [smem:$0x7FA]  }
0x23c: {  	[tilespmem:s14], [sflag:$0x2] =	stream.indirect.gather [hbm4b:s4+s12], $0x80, s8, s12, $0xb8;
	[tilespmem:$0x1F800] =	vst v63  }
0x23d: {  	s8 =	sld [smem:$0x7FB]  }
0x23e: {  	[tilespmem:s15], [sflag:$0x3] =	stream.indirect.gather [hbm4b:s4+s12], $0x80, s9, s12, $0xb8;
	[tilespmem:$0x1F800] =	vst v63  }
0x23f: {  	_ = 	snop  }
0x240: {  	[tilespmem:s16], [sflag:$0x4] =	stream.indirect.gather [hbm4b:s4+s12], $0x80, s8, s12, $0xb8;
	[tilespmem:$0x1F800] =	vst v63  }
0x241: {  	_ = 	snop  }
0x242: {  	[tilespmem:s17], [sflag:$0x5] =	stream.indirect.gather [hbm4b:s4+s12], $0x80, s29, s12, $0xb8;
	[tilespmem:$0x1F800] =	vst v63  }
0x243: {  	_ =	swait.ge [sflag:s18], $0x2000  }
0x244: {  	[sflag:s18] =	ssyncset.done $0x0  }
0x245: {  	[sflag:s18] =	ssyncadd.s32 $0xFFFFE000  }
0x246: {  	[spmem:s2] =	stream.indirect.scatter.add.f32 [tilespmem:s13], [sflag:$0x6], $0x80, s30, s12, $0xb8;
	[tilespmem:$0x1F800] =	vst v63  }
0x247: {  	_ =	swait.ge [sflag:s19], $0x2000  }
0x248: {  	[sflag:s19] =	ssyncset.done $0x0  }
0x249: {  	[sflag:s19] =	ssyncadd.s32 $0xFFFFE000  }
0x24a: {  	[spmem:s2] =	stream.indirect.scatter.add.f32 [tilespmem:s14], [sflag:$0x7], $0x80, s31, s12, $0xb8;
	[tilespmem:$0x1F800] =	vst v63  }
0x24b: {  	_ =	swait.ge [sflag:s20], $0x2000  }
0x24c: {  	[sflag:s20] =	ssyncset.done $0x0  }
0x24d: {  	[sflag:s20] =	ssyncadd.s32 $0xFFFFE000  }
0x24e: {  	[spmem:s2] =	stream.indirect.scatter.add.f32 [tilespmem:s15], [sflag:$0x8], $0x80, s1, s12, $0xb8;
	[tilespmem:$0x1F800] =	vst v63  }
0x24f: {  	_ =	swait.ge [sflag:s21], $0x2000  }
0x250: {  	[sflag:s21] =	ssyncset.done $0x0  }
0x251: {  	[sflag:s21] =	ssyncadd.s32 $0xFFFFE000  }
0x252: {  	[spmem:s2] =	stream.indirect.scatter.add.f32 [tilespmem:s16], [sflag:$0x9], $0x80, s0, s12, $0xb8;
	[tilespmem:$0x1F800] =	vst v63  }
0x253: {  	_ =	swait.ge [sflag:s22], $0x2000  }
0x254: {  	[sflag:s22] =	ssyncset.done $0x0  }
0x255: {  	[sflag:s22] =	ssyncadd.s32 $0xFFFFE000  }
0x256: {  	[spmem:s2] =	stream.indirect.scatter.add.f32 [tilespmem:s17], [sflag:$0xA], $0x80, s5, s12, $0xb8;
	[tilespmem:$0x1F800] =	vst v63  }
0x257: {  	_ =	swait.ge [sflag:s23], $0x2000  }
0x258: {  	[sflag:s23] =	ssyncset.done $0x0  }
0x259: {  	[sflag:s23] =	ssyncadd.s32 $0xFFFFE000  }
0x25a: {  	_ =	swait.ge [sflag:s24], $0x2000  }
0x25b: {  	[sflag:s24] =	ssyncset.done $0x0  }
0x25c: {  	[sflag:s24] =	ssyncadd.s32 $0xFFFFE000  }
0x25d: {  	_ =	swait.ge [sflag:s25], $0x2000  }
0x25e: {  	[sflag:s25] =	ssyncset.done $0x0  }
0x25f: {  	[sflag:s25] =	ssyncadd.s32 $0xFFFFE000  }
0x260: {  	_ =	swait.ge [sflag:s26], $0x2000  }
0x261: {  	[sflag:s26] =	ssyncset.done $0x0  }
0x262: {  	[sflag:s26] =	ssyncadd.s32 $0xFFFFE000  }
0x263: {  	_ =	swait.ge [sflag:s28], $0x2000  }
0x264: {  	[sflag:s28] =	ssyncset.done $0x0  }
0x265: {  	[sflag:s28] =	ssyncadd.s32 $0xFFFFE000  }
0x266: {  	[bflag:$0x0] =	sbarrier.arrive $0xFFFF  }
0x267: {  	s7 =	sld [smem:$0x7FC]  }
0x268: {  	s9 =	sld [smem:$0x7F5]  }
0x269: {  	s8 =	sld [smem:$0x7FD];
	_ =	sdelay $0x2  }
0x26a: {  	[hbm:s9], [sflag:s7] =	dma.local [spmem:s8], $0x2800  }
0x26b: {  	_ =	swait.ge [sflag:s10], $0x2800  }
0x26c: {  	s6 =	sld [smem:$0x7F3];
	_ =	sdelay $0x2  }
0x26d: {  	s9 =	sadd.s32 $0x1, s6;
	s6 =	sld [smem:$0x7F6];
	_ =	sdelay $0x2  }
0x26e: {  	p0 =	sne.s32 s9, s6  }
.Ltmp1:
0x26f: {  	_ = 	snop;
	(pc) =	sbr.rel @p0 .LBB2_1-.Ltmp1, $3  }
0x270: {  	_ =	sdelay $0x1  }
0x271: {  	[sflag:s10] =	ssyncset.done $0x0  }
0x272: {  	[sflag:s10] =	ssyncadd.s32 $0xFFFFD800  }
0x273: {  	_ =	sfence.sel $0x180000  }
0x274: {  	[bflag:$0x0] =	sbarrier.arrive $0xFFFF  }
0x275: {  	_ =	strace $0x9000004D  }
0x276: {  	s0 =	stileid.u32;
	[bflag:$0x2] =	sbarrier.arrive $0xFFFF  }
0x277: {  	p0 =	sne.s32 s0, $0x0;
	s0 =	rddreg [dreg:$0x2]  }
0x278: {  	s0 =	sadd.s32 @!p0 $0x100000, s0  }
0x279: {  	[sflag:s0] =	ssyncadd.tile.s32 @!p0 $0x1;
	_ =	shalt  }
.Lfunc_end2:
_tile_overlayer_lowered:
.L_overlay_start_2:
0x27a: {  	(tag) =	ssettag $0x2  }
0x27b: {  	s0 =	rddreg [dreg:$0x0];
	s2 =	stileid.u32  }
0x27c: {  	s1 =	rddreg [dreg:$0x1];
	p0 =	sne.s32 s2, $0x0  }
0x27d: {  	s3 =	rddreg [dreg:$0x2];
	[bflag:$0x3] =	sbarrier.arrive $0xFFFF;
	s2 =	simm.s32 @!p0 $0x1C0B  }
0x27e: {  	[timem:s3], [sflag:s2] =	dma.local @!p0 [hbm:s0], s1  }
0x27f: {  	s0 =	simm.s32 @!p0 $0xB  }
0x280: {  	_ =	swait.ge @!p0 [sflag:s0], s1  }
0x281: {  	s1 =	ssub.s32 @!p0 $0x0, s1;
	[sflag:s0] =	ssyncset.done @!p0 $0x0  }
0x282: {  	[sflag:s0] =	ssyncadd.s32 @!p0 s1  }
0x283: {  	[bflag:$0x3] =	sbarrier.arrive $0xFFFF  }
0x284: {  	_ =	shalt  }

// kernel: kernel.9.cloned.1.call-start
scs
__scs_entry_jumppad:
0x0: {  	(pc) =	sbr.rel $0x88, $3  }
0x1: {  	(tag) =	ssettag $0x0;
	lr =	simm.s32 $0x1  }
0x2: {  	[smem:$0x3F96] =	sst lr;
	_ =	strace $0xD0000000  }
0x3: {  	_ = 	snop  }
0x4: {  	_ = 	snop  }
0x5: {  	_ = 	snop  }
0x6: {  	_ = 	snop  }
0x7: {  	_ = 	snop  }
__scs_overlays_trampoline_lowered:
0x8: {  	[smem:$0x3FA5] =	sst s0  }
0x9: {  	[smem:$0x3FA6] =	sst s1  }
0xa: {  	[smem:$0x3FA7] =	sst s2  }
0xb: {  	[smem:$0x3FA8] =	sst s3  }
0xc: {  	[smem:$0x3FA9] =	sst s4  }
0xd: {  	[smem:$0x3FAA] =	sst s5  }
0xe: {  	[smem:$0x3FAB] =	sst s6  }
0xf: {  	[smem:$0x3FAC] =	sst s7  }
0x10: {  	[smem:$0x3FAD] =	sst s8  }
0x11: {  	[smem:$0x3FAE] =	sst s9;
	s0 =	simm.s32 @!p0 $0x0  }
0x12: {  	s1 =	sld [smem:$0x3F94];
	s0 =	simm.s32 @p0 $0x1  }
0x13: {  	[smem:$0x3FAF] =	sst s0;
	s0 =	simm.s32 @!p1 $0x0  }
0x14: {  	s2 =	sld [smem:$0x3F93];
	s0 =	simm.s32 @p1 $0x1  }
0x15: {  	[smem:$0x3FB0] =	sst s0;
	s0 =	simm.s32 @!p2 $0x0  }
0x16: {  	s3 =	sld [smem:$0x3FDB];
	s0 =	simm.s32 @p2 $0x1  }
0x17: {  	s4 =	simm.s32 $0x1BF5;
	[smem:$0x3FB2] =	sst s0  }
0x18: {  	s0 =	sld [smem:$0x3F95];
	_ =	swait.ge [sflag:s4], $0x0  }
0x19: {  	s7 =	sld [smem:$0x3F96]  }
0x1a: {  	s8 =	sadd.s32 $0xFFFFE003, lr  }
0x1b: {  	s9 =	sadd.s32 $0xFFFFFEF7, lr;
	s5 =	simm.s32 $0xFFFFFFFF;
	p2 =	slt.u32 s8, $0xFFFFF086  }
0x1c: {  	p1 =	slt.u32 s9, $0xF7A;
	s5 =	simm.s32 @!p2 $0x0  }
0x1d: {  	s5 =	simm.s32 @p1 $0x1;
	p0 =	seq.s32 s7, s2  }
0x1e: {  	s7 =	smul.u32 @!p0 $0xF7A, s2;
	p2 =	seq.s32 @!p0 s5, $0x0  }
0x1f: {  	s9 =	smul.u32 $0xF7A, s1;
	s8 =	simm.s32 @!p0 $0x1BF5;
	p2 =	por !p2, p0  }
0x20: {  	[sflag:s8] =	ssyncset.s32 @!p0 $0xFFFFF086;
	s6 =	sadd.s32 @!p0 s3, s7;
	s7 =	simm.s32 @!p0 $0x108  }
0x21: {  	s3 =	sadd.s32 s3, s9;
	s6 =	sadd.s32 @!p0 $0x88, s6;
	s7 =	simm.s32 @p2 $0x1082  }
0x22: {  	[simem:s7], [sflag:s8] =	dma.local @!p0 [hbm:s6], $0xF7A  }
0x23: {  	s9 =	sor.u32 $0xD0000000, s2;
	s6 =	simm.s32 $0x108;
	_ =	swait.ge @!p0 [sflag:s8], $0x0  }
0x24: {  	s3 =	sadd.s32 $0x88, s3;
	s6 =	simm.s32 @!p1 $0x1082;
	[sflag:s4] =	ssyncset.s32 $0xFFFFF086  }
0x25: {  	[simem:s6], [sflag:s4] =	dma.local [hbm:s3], $0xF7A  }
0x26: {  	[smem:$0x3F96] =	sst s1;
	(tag) =	ssettag s2;
	_ =	strace s9  }
0x27: {  	s1 =	sld [smem:$0x3FA6]  }
0x28: {  	s2 =	sld [smem:$0x3FA7]  }
0x29: {  	s4 =	sld [smem:$0x3FA9]  }
0x2a: {  	p0 =	seq.s32 s5, $0x0;
	s5 =	sld [smem:$0x3FAA]  }
0x2b: {  	s6 =	sld [smem:$0x3FAB]  }
0x2c: {  	s7 =	sld [smem:$0x3FAC]  }
0x2d: {  	s3 =	simm.s32 $0x108;
	s8 =	sld [smem:$0x3FAD]  }
0x2e: {  	s3 =	simm.s32 @!p0 $0x1082;
	s9 =	sld [smem:$0x3FAE]  }
0x2f: {  	lr =	sadd.s32 s0, s3;
	s0 =	sld [smem:$0x3FA5]  }
0x30: {  	s3 =	sld [smem:$0x3FA8]  }
0x31: {  	[smem:$0x3FB1] =	sst s10  }
0x32: {  	s10 =	sld [smem:$0x3FAF];
	_ =	sdelay $0x3  }
0x33: {  	p0 =	seq.s32 s10, $0x1;
	s10 =	sld [smem:$0x3FB1];
	_ =	sdelay $0x3  }
0x34: {  	[smem:$0x3FB1] =	sst s10  }
0x35: {  	s10 =	sld [smem:$0x3FB0];
	_ =	sdelay $0x3  }
0x36: {  	p1 =	seq.s32 s10, $0x1;
	s10 =	sld [smem:$0x3FB1];
	_ =	sdelay $0x3  }
0x37: {  	[smem:$0x3FB1] =	sst s10  }
0x38: {  	s10 =	sld [smem:$0x3FB2]  }
0x39: {  	_ = 	snop;
	(pc) =	sbr.ind lr, $3  }
0x3a: {  	_ = 	snop  }
0x3b: {  	_ = 	snop  }
0x3c: {  	p2 =	seq.s32 s10, $0x1;
	s10 =	sld [smem:$0x3FB1]  }
0x3d: {  	_ =	shalt  }
0x3e: {  	_ =	shalt  }
0x3f: {  	_ =	shalt  }
0x40: {  	_ =	shalt  }
0x41: {  	_ =	shalt  }
0x42: {  	_ =	shalt  }
0x43: {  	_ =	shalt  }
0x44: {  	_ =	shalt  }
0x45: {  	_ =	shalt  }
0x46: {  	_ =	shalt  }
0x47: {  	_ =	shalt  }
0x48: {  	_ =	shalt  }
0x49: {  	_ =	shalt  }
0x4a: {  	_ =	shalt  }
0x4b: {  	_ =	shalt  }
0x4c: {  	_ =	shalt  }
0x4d: {  	_ =	shalt  }
0x4e: {  	_ =	shalt  }
0x4f: {  	_ =	shalt  }
0x50: {  	_ =	shalt  }
0x51: {  	_ =	shalt  }
0x52: {  	_ =	shalt  }
0x53: {  	_ =	shalt  }
0x54: {  	_ =	shalt  }
0x55: {  	_ =	shalt  }
0x56: {  	_ =	shalt  }
0x57: {  	_ =	shalt  }
0x58: {  	_ =	shalt  }
0x59: {  	_ =	shalt  }
0x5a: {  	_ =	shalt  }
0x5b: {  	_ =	shalt  }
0x5c: {  	_ =	shalt  }
0x5d: {  	_ =	shalt  }
0x5e: {  	_ =	shalt  }
0x5f: {  	_ =	shalt  }
0x60: {  	_ =	shalt  }
0x61: {  	_ =	shalt  }
0x62: {  	_ =	shalt  }
0x63: {  	_ =	shalt  }
0x64: {  	_ =	shalt  }
0x65: {  	_ =	shalt  }
0x66: {  	_ =	shalt  }
0x67: {  	_ =	shalt  }
0x68: {  	_ =	shalt  }
0x69: {  	_ =	shalt  }
0x6a: {  	_ =	shalt  }
0x6b: {  	_ =	shalt  }
0x6c: {  	_ =	shalt  }
0x6d: {  	_ =	shalt  }
0x6e: {  	_ =	shalt  }
0x6f: {  	_ =	shalt  }
0x70: {  	_ =	shalt  }
0x71: {  	_ =	shalt  }
0x72: {  	_ =	shalt  }
0x73: {  	_ =	shalt  }
0x74: {  	_ =	shalt  }
0x75: {  	_ =	shalt  }
0x76: {  	_ =	shalt  }
0x77: {  	_ =	shalt  }
0x78: {  	_ =	shalt  }
0x79: {  	_ =	shalt  }
0x7a: {  	_ =	shalt  }
0x7b: {  	_ =	shalt  }
0x7c: {  	_ =	shalt  }
0x7d: {  	_ =	shalt  }
0x7e: {  	_ =	shalt  }
0x7f: {  	_ =	shalt  }
0x80: {  	_ =	shalt  }
0x81: {  	_ =	shalt  }
0x82: {  	_ =	shalt  }
0x83: {  	_ =	shalt  }
0x84: {  	_ =	shalt  }
0x85: {  	_ =	shalt  }
0x86: {  	_ =	shalt  }
0x87: {  	_ =	shalt  }
.Lfunc_end0:
.L_simem_size_0:
called_computation_lowered:
.L_overlay_start_0:
0x88: {  	s2 =	sld [smem:$0x3FD9]  }
0x89: {  	s3 =	sld [smem:$0x3FFE];
	_ =	sdelay $0x1  }
0x8a: {  	s1 =	srdreg.scid  }
0x8b: {  	s0 =	sand.u32 $0x1, s1  }
0x8c: {  	s17 =	sshll.u32 s0, $0xA;
	s2 =	sadd.s32 s3, s2  }
0x8d: {  	s2 =	sadd.s32 s2, s17  }
0x8e: {  	[smem:$0x3FBD] =	sst s2  }
0x8f: {  	_ = 	snop  }
0x90: {  	s2 =	sld [smem:$0x3FC9];
	(tm) =	ssettm $0x1  }
0x91: {  	s18 =	sld [smem:$0x3FFB];
	_ =	sdelay $0x3  }
0x92: {  	_ =	strace s18  }
0x93: {  	s3 =	sld [smem:$0x3FFC];
	_ =	sdelay $0x3  }
0x94: {  	_ =	strace s3  }
0x95: {  	s3 =	sld [smem:$0x3FFD];
	_ =	sdelay $0x3  }
0x96: {  	_ =	strace s3  }
0x97: {  	_ =	strace $0x8FFFFFFF  }
0x98: {  	s19 =	sld [smem:$0x3FDB];
	_ =	sdelay $0x1  }
0x99: {  	s4 =	simm.s32 $_scs_section_size  }
0x9a: {  	s5 =	simm.s32 $_size__tile_overlayer_lowered;
	s6 =	simm.s32 $_tile_overlayer_lowered  }
0x9b: {  	s22 =	simm.s32 $0x1BFF;
	s21 =	sshll.u32 s6, $0x1;
	s3 =	sadd.s32 s4, s19  }
0x9c: {  	s7 =	simm.s32 $0x0;
	s20 =	sshll.u32 s5, $0x1;
	s5 =	sadd.s32 s21, s3  }
0x9d: {  	[timem:s7], [sflag:s22] =	dma.local [hbm:s5], s20  }
0x9e: {  	_ =	swait.ge [sflag:s22], s20  }
0x9f: {  	s4 =	ssub.s32 $0x0, s20;
	[sflag:s22] =	ssyncset.done $0x0  }
0xa0: {  	[sflag:s22] =	ssyncadd.s32 s4;
	_ =	sdelay $0x1  }
0xa1: {  	s23 =	simm.s32 $0x1B8B  }
0xa2: {  	_ =	swait.ge [sflag:s23], $0x1  }
0xa3: {  	[sflag:s23] =	ssyncset.done $0x0  }
0xa4: {  	s25 =	simm.s32 $0x1B8E;
	s24 =	sld [smem:$0x3FFE];
	[sflag:s23] =	ssyncadd.s32 $0xFFFFFFFF  }
0xa5: {  	s26 =	simm.s32 $execute0_lowered;
	[smem:$0x3FD2] =	sst s25  }
0xa6: {  	s5 =	sshll.u32 s26, $0x1;
	_ =	strace $0x80000046;
	[dreg:$0x1] =	wrdreg $0xFFFFFFFF  }
0xa7: {  	s28 =	simm.s32 $_size_execute0_lowered;
	s3 =	sadd.s32 s3, s5;
	[dreg:$0x0] =	wrdreg $0x0  }
0xa8: {  	s5 =	sshll.u32 s28, $0x1;
	[dreg:$0x2] =	wrdreg s3  }
0xa9: {  	[dreg:$0x3] =	wrdreg s5  }
0xaa: {  	[dreg:$0x4] =	wrdreg $0xC0  }
0xab: {  	_ =	task [dreg:s7], $0x5FFFF  }
0xac: {  	[dreg:$0x1] =	wrdreg $0xFFFFFFFF  }
0xad: {  	[dreg:$0x0] =	wrdreg $0x60  }
0xae: {  	[dreg:$0x2] =	wrdreg s2  }
0xaf: {  	[dreg:$0x3] =	wrdreg s24  }
0xb0: {  	[dreg:$0x4] =	wrdreg $0xB8000  }
0xb1: {  	[dreg:$0x5] =	wrdreg $0x9  }
0xb2: {  	_ =	task.clear_ibuf [dreg:s7], $0x6FFFF;
	_ =	strace $0x90000046  }
0xb3: {  	s29 =	simm.s32 $0x9;
	_ =	strace $0x80000048  }
0xb4: {  	_ =	swait.ge [sflag:s29], $0x1  }
0xb5: {  	[sflag:s29] =	ssyncadd.s32 $0xFFFFFFFF  }
0xb6: {  	_ =	strace $0x90000048  }
0xb7: {  	_ =	sfence  }
0xb8: {  	s30 =	sld [smem:$0x0];
	_ =	sdelay $0x2  }
0xb9: {  	s31 =	sshll.u32 s1, $0xD;
	s1 =	sshrl.u32 s1, $0x2  }
0xba: {  	s3 =	sand.u32 $0x4000, s31;
	s1 =	sadd.s32 s1, s30  }
0xbb: {  	s0 =	sor.u32 s3, s0;
	s1 =	sshll.u32 s1, $0x11  }
0xbc: {  	s0 =	sor.u32 s1, s0  }
0xbd: {  	s0 =	sadd.s32 $0x8F2B, s0  }
0xbe: {  	[sflag:s0] =	ssyncadd.remote.s32 $0x1  }
0xbf: {  	_ =	sfence.sel $0xFFFF  }
0xc0: {  	[dreg:$0x0] =	wrdreg $0xFFFFFFFF;
	(pc) =	sbr.abs _section_cstart, $3  }
0xc1: {  	[dreg:$0x1] =	wrdreg $0xFFFFFFFF  }
0xc2: {  	_ =	task.clear_ibuf [dreg:s7], $0x2FFFF;
	_ =	strace $0x9FFFFFFF  }
0xc3: {  	(tm) =	ssettm $0x7FFFFFFF  }
tec
execute0_lowered:
.L_overlay_start_1:
0x0: {  	(tag) =	ssettag $0x1  }
0x1: {  	s0 =	srdreg.scid;
	s8 =	stileid.u32  }
0x2: {  	s0 =	sand.u32 $0x1, s0;
	s4 =	smul.u32 $0x6000, s8  }
0x3: {  	s2 =	rddreg [dreg:$0x0];
	s1 =	smul.u32 $0x60000, s0  }
0x4: {  	s5 =	rddreg [dreg:$0x1]  }
0x5: {  	s3 =	rddreg [dreg:$0x2];
	s1 =	sadd.s32 s4, s1;
	s4 =	simm.s32 $0x0  }
0x6: {  	s9 =	simm.s32 $0x80;
	[smem:$0x7FF] =	sst s4  }
0x7: {  	s11 =	simm.s32 $0x100;
	_ =	strace $0x80000047;
	[dreg:$0x6] =	wrdreg s9  }
0x8: {  	s12 =	simm.s32 $0x180;
	[dreg:$0x7] =	wrdreg s11  }
0x9: {  	s13 =	simm.s32 $0x200;
	[dreg:$0x8] =	wrdreg s12  }
0xa: {  	s14 =	simm.s32 $0xC80;
	[dreg:$0x9] =	wrdreg s13  }
0xb: {  	s15 =	simm.s32 $0xD00;
	s16 =	simm.s32 $0xD80;
	[dreg:$0xa] =	wrdreg s14  }
0xc: {  	s17 =	simm.s32 $0xE00;
	s19 =	simm.s32 $0x280;
	[dreg:$0xb] =	wrdreg s15  }
0xd: {  	s21 =	simm.s32 $0x300;
	s22 =	simm.s32 $0x380;
	[dreg:$0xc] =	wrdreg s16  }
0xe: {  	s24 =	simm.s32 $0x400;
	s25 =	simm.s32 $0x480;
	[dreg:$0xd] =	wrdreg s17  }
0xf: {  	s28 =	simm.s32 $0xA;
	s7 =	smul.u32 $0x14000, s8;
	[dreg:$0xe] =	wrdreg s19  }
0x10: {  	s29 =	simm.s32 $0x980;
	s20 =	smul.u32 $0x50000, s8;
	[dreg:$0xf] =	wrdreg s21  }
0x11: {  	s10 =	smul.u32 $0x140000, s0;
	s0 =	ssub.s32 $0x2, s0;
	[dreg:$0x10] =	wrdreg s22  }
0x12: {  	s26 =	sshll.u32 s8, $0x6;
	s18 =	sshrl.u32 s0, $0x1;
	[dreg:$0x11] =	wrdreg s24  }
0x13: {  	s8 =	simm.s32 $0xE80;
	s0 =	ssub.s32 s0, s18;
	[dreg:$0x12] =	wrdreg s25  }
0x14: {  	s30 =	simm.s32 $0x1380;
	s0 =	smax.u32 s0, $0x1;
	[dreg:$0x13] =	wrdreg s8  }
0x15: {  	s31 =	simm.s32 $0x1400;
	s18 =	simm.s32 $0x1100;
	[smem:$0x7F5] =	sst s0  }
0x16: {  	s23 =	sshrl.u32 s20, $0x2;
	s20 =	simm.s32 $0x1200;
	[dreg:$0x1d] =	wrdreg s18  }
0x17: {  	s1 =	sshrl.u32 s1, $0x3;
	s9 =	sadd.s32 $0x32C00, s5;
	[dreg:$0x1f] =	wrdreg s20  }
0x18: {  	s1 =	sadd.s32 s1, s5;
	s11 =	simm.s32 $0x1000;
	[smem:$0x7F3] =	sst s9  }
0x19: {  	s12 =	simm.s32 $0x1080;
	s13 =	simm.s32 $0x500;
	[dreg:$0x16] =	wrdreg s11  }
0x1a: {  	s14 =	simm.s32 $0x580;
	s15 =	simm.s32 $0x600;
	[dreg:$0x17] =	wrdreg s12  }
0x1b: {  	s16 =	simm.s32 $0x680;
	s17 =	simm.s32 $0x700;
	[dreg:$0x18] =	wrdreg s13  }
0x1c: {  	s19 =	simm.s32 $0x1180;
	s18 =	simm.s32 $0x1;
	[dreg:$0x19] =	wrdreg s14  }
0x1d: {  	s21 =	simm.s32 $0x1280;
	s22 =	simm.s32 $0x1300;
	[dreg:$0x1a] =	wrdreg s15  }
0x1e: {  	s20 =	simm.s32 $0x3;
	s24 =	simm.s32 $0x800;
	[dreg:$0x1b] =	wrdreg s16  }
0x1f: {  	s25 =	simm.s32 $0x880;
	s0 =	simm.s32 $0x1500;
	[dreg:$0x1c] =	wrdreg s17  }
0x20: {  	s6 =	sadd.s32 $0x2C00, s1;
	s1 =	sadd.s32 $0x1AC00, s1;
	[dreg:$0x1e] =	wrdreg s19  }
0x21: {  	s9 =	simm.s32 $0xF00;
	s11 =	simm.s32 $0xC00;
	[smem:$0x7F6] =	sst s21  }
0x22: {  	s12 =	simm.s32 $0x40;
	s13 =	simm.s32 $0x1800;
	[smem:$0x7F7] =	sst s22  }
0x23: {  	s14 =	simm.s32 $0x3800;
	s15 =	simm.s32 $0x5800;
	[smem:$0x7F9] =	sst s24  }
0x24: {  	s16 =	simm.s32 $0x7800;
	s17 =	simm.s32 $0x9800;
	[smem:$0x7FA] =	sst s25  }
0x25: {  	s19 =	simm.s32 $0x2;
	s21 =	simm.s32 $0x4;
	[dreg:$0x4] =	wrdreg s6  }
0x26: {  	s22 =	simm.s32 $0x5;
	s24 =	simm.s32 $0x7;
	[dreg:$0x5] =	wrdreg s1  }
0x27: {  	s6 =	sadd.s32 s7, s10;
	[dreg:$0x14] =	wrdreg s9;
	s10 =	simm.s32 $0xF80  }
0x28: {  	s7 =	sor.u32 $0x1C0B, s26;
	s26 =	simm.s32 $0x900;
	[dreg:$0x15] =	wrdreg s10  }
0x29: {  	s25 =	simm.s32 $0x8;
	s1 =	simm.s32 $0x1480;
	[smem:$0x7FB] =	sst s26  }
0x2a: {  	s9 =	simm.s32 $0x0;
	s6 =	sshrl.u32 s6, $0x3;
	[smem:$0x7FC] =	sst s7  }
0x2b: {  	s5 =	sadd.s32 s6, s5;
	s6 =	sadd.s32 s23, s3;
	s23 =	simm.s32 $0x780  }
0x2c: {  	s10 =	simm.s32 $0xB;
	s5 =	sadd.s32 $0x35400, s5;
	[smem:$0x7F8] =	sst s23  }
0x2d: {  	s26 =	simm.s32 $0x9;
	s8 =	sshrl.u32 s6, $0x3;
	[smem:$0x7F4] =	sst s5  }
0x2e: {  	s23 =	simm.s32 $0x6;
	s5 =	simm.s32 $0x1580;
	[smem:$0x7FD] =	sst s8  }
.LBB2_1:
0x2f: {  	s6 =	sld [smem:$0x7F3];
	_ =	sdelay $0x1  }
0x30: {  	[smem:$0x7F2] =	sst s9  }
0x31: {  	[spmem:s8], [sflag:s7] =	dma.local [hbm:s6], $0x2800  }
0x32: {  	_ =	swait.ge [sflag:s10], $0x2800  }
0x33: {  	[sflag:s10] =	ssyncset.done $0x0  }
0x34: {  	[sflag:s10] =	ssyncadd.s32 $0xFFFFD800  }
0x35: {  	[bflag:$0x0] =	sbarrier.arrive $0xFFFF  }
0x36: {  	s9 =	rddreg [dreg:$0x5]  }
0x37: {  	s6 =	sadd.s32 $0x0, s9  }
0x38: {  	[tilespmem:s4], [sflag:$0xB] =	stream.linear.gather [hbm4b:s6+s4], $0xA00, $0x38;
	[tilespmem:$0x1F800] =	vst v63  }
0x39: {  	_ =	swait.ge [sflag:s10], $0xA00  }
0x3a: {  	s7 =	rddreg [dreg:$0x4];
	[sflag:s10] =	ssyncset.done $0x0  }
0x3b: {  	[sflag:s10] =	ssyncadd.s32 $0xFFFFF600;
	s6 =	sadd.s32 $0x0, s7  }
0x3c: {  	[tilespmem:s11], [sflag:$0xB] =	stream.linear.gather [hbm4b:s6+s4], $0xA00, $0x38;
	[tilespmem:$0x1F800] =	vst v63  }
0x3d: {  	_ =	swait.ge [sflag:s10], $0xA00  }
0x3e: {  	[sflag:s10] =	ssyncset.done $0x0  }
0x3f: {  	[sflag:s10] =	ssyncadd.s32 $0xFFFFF600  }
0x40: {  	[tilespmem:s13], [sflag:$0x1] =	stream.indirect.gather [hbm4b:s2+s12], $0x80, s4, s12, $0xb8;
	[tilespmem:$0x1F800] =	vst v63  }
0x41: {  	s8 =	rddreg [dreg:$0x6]  }
0x42: {  	[tilespmem:s14], [sflag:$0x2] =	stream.indirect.gather [hbm4b:s2+s12], $0x80, s8, s12, $0xb8;
	[tilespmem:$0x1F800] =	vst v63  }
0x43: {  	s9 =	rddreg [dreg:$0x7]  }
0x44: {  	[tilespmem:s15], [sflag:$0x3] =	stream.indirect.gather [hbm4b:s2+s12], $0x80, s9, s12, $0xb8;
	[tilespmem:$0x1F800] =	vst v63  }
0x45: {  	s7 =	rddreg [dreg:$0x8]  }
0x46: {  	[tilespmem:s16], [sflag:$0x4] =	stream.indirect.gather [hbm4b:s2+s12], $0x80, s7, s12, $0xb8;
	[tilespmem:$0x1F800] =	vst v63  }
0x47: {  	s9 =	rddreg [dreg:$0x9]  }
0x48: {  	[tilespmem:s17], [sflag:$0x5] =	stream.indirect.gather [hbm4b:s2+s12], $0x80, s9, s12, $0xb8;
	[tilespmem:$0x1F800] =	vst v63  }
0x49: {  	_ =	swait.ge [sflag:s18], $0x2000  }
0x4a: {  	[sflag:s18] =	ssyncset.done $0x0  }
0x4b: {  	[sflag:s18] =	ssyncadd.s32 $0xFFFFE000  }
0x4c: {  	[spmem:s3] =	stream.indirect.scatter.add.f32 [tilespmem:s13], [sflag:$0x6], $0x80, s11, s12, $0xb8;
	[tilespmem:$0x1F800] =	vst v63  }
0x4d: {  	_ =	swait.ge [sflag:s19], $0x2000  }
0x4e: {  	[sflag:s19] =	ssyncset.done $0x0  }
0x4f: {  	s7 =	rddreg [dreg:$0xa];
	[sflag:s19] =	ssyncadd.s32 $0xFFFFE000  }
0x50: {  	[spmem:s3] =	stream.indirect.scatter.add.f32 [tilespmem:s14], [sflag:$0x7], $0x80, s7, s12, $0xb8;
	[tilespmem:$0x1F800] =	vst v63  }
0x51: {  	_ =	swait.ge [sflag:s20], $0x2000  }
0x52: {  	[sflag:s20] =	ssyncset.done $0x0  }
0x53: {  	s8 =	rddreg [dreg:$0xb];
	[sflag:s20] =	ssyncadd.s32 $0xFFFFE000  }
0x54: {  	[spmem:s3] =	stream.indirect.scatter.add.f32 [tilespmem:s15], [sflag:$0x8], $0x80, s8, s12, $0xb8;
	[tilespmem:$0x1F800] =	vst v63  }
0x55: {  	_ =	swait.ge [sflag:s21], $0x2000  }
0x56: {  	[sflag:s21] =	ssyncset.done $0x0  }
0x57: {  	s9 =	rddreg [dreg:$0xc];
	[sflag:s21] =	ssyncadd.s32 $0xFFFFE000  }
0x58: {  	[spmem:s3] =	stream.indirect.scatter.add.f32 [tilespmem:s16], [sflag:$0x9], $0x80, s9, s12, $0xb8;
	[tilespmem:$0x1F800] =	vst v63  }
0x59: {  	_ =	swait.ge [sflag:s22], $0x2000  }
0x5a: {  	[sflag:s22] =	ssyncset.done $0x0  }
0x5b: {  	s7 =	rddreg [dreg:$0xd];
	[sflag:s22] =	ssyncadd.s32 $0xFFFFE000  }
0x5c: {  	[spmem:s3] =	stream.indirect.scatter.add.f32 [tilespmem:s17], [sflag:$0xA], $0x80, s7, s12, $0xb8;
	[tilespmem:$0x1F800] =	vst v63  }
0x5d: {  	_ =	swait.ge [sflag:s23], $0x2000  }
0x5e: {  	[sflag:s23] =	ssyncset.done $0x0  }
0x5f: {  	[sflag:s23] =	ssyncadd.s32 $0xFFFFE000  }
0x60: {  	_ =	swait.ge [sflag:s24], $0x2000  }
0x61: {  	[sflag:s24] =	ssyncset.done $0x0  }
0x62: {  	[sflag:s24] =	ssyncadd.s32 $0xFFFFE000  }
0x63: {  	_ =	swait.ge [sflag:s25], $0x2000  }
0x64: {  	[sflag:s25] =	ssyncset.done $0x0  }
0x65: {  	[sflag:s25] =	ssyncadd.s32 $0xFFFFE000  }
0x66: {  	_ =	swait.ge [sflag:s26], $0x2000  }
0x67: {  	[sflag:s26] =	ssyncset.done $0x0  }
0x68: {  	[sflag:s26] =	ssyncadd.s32 $0xFFFFE000  }
0x69: {  	_ =	swait.ge [sflag:s28], $0x2000  }
0x6a: {  	[sflag:s28] =	ssyncset.done $0x0  }
0x6b: {  	s8 =	rddreg [dreg:$0xe];
	[sflag:s28] =	ssyncadd.s32 $0xFFFFE000  }
0x6c: {  	[tilespmem:s13], [sflag:$0x1] =	stream.indirect.gather [hbm4b:s2+s12], $0x80, s8, s12, $0xb8;
	[tilespmem:$0x1F800] =	vst v63  }
0x6d: {  	s9 =	rddreg [dreg:$0xf]  }
0x6e: {  	[tilespmem:s14], [sflag:$0x2] =	stream.indirect.gather [hbm4b:s2+s12], $0x80, s9, s12, $0xb8;
	[tilespmem:$0x1F800] =	vst v63  }
0x6f: {  	s7 =	rddreg [dreg:$0x10]  }
0x70: {  	[tilespmem:s15], [sflag:$0x3] =	stream.indirect.gather [hbm4b:s2+s12], $0x80, s7, s12, $0xb8;
	[tilespmem:$0x1F800] =	vst v63  }
0x71: {  	s9 =	rddreg [dreg:$0x11]  }
0x72: {  	[tilespmem:s16], [sflag:$0x4] =	stream.indirect.gather [hbm4b:s2+s12], $0x80, s9, s12, $0xb8;
	[tilespmem:$0x1F800] =	vst v63  }
0x73: {  	s7 =	rddreg [dreg:$0x12]  }
0x74: {  	[tilespmem:s17], [sflag:$0x5] =	stream.indirect.gather [hbm4b:s2+s12], $0x80, s7, s12, $0xb8;
	[tilespmem:$0x1F800] =	vst v63  }
0x75: {  	_ =	swait.ge [sflag:s18], $0x2000  }
0x76: {  	[sflag:s18] =	ssyncset.done $0x0  }
0x77: {  	s9 =	rddreg [dreg:$0x13];
	[sflag:s18] =	ssyncadd.s32 $0xFFFFE000  }
0x78: {  	[spmem:s3] =	stream.indirect.scatter.add.f32 [tilespmem:s13], [sflag:$0x6], $0x80, s9, s12, $0xb8;
	[tilespmem:$0x1F800] =	vst v63  }
0x79: {  	_ =	swait.ge [sflag:s19], $0x2000  }
0x7a: {  	[sflag:s19] =	ssyncset.done $0x0  }
0x7b: {  	s7 =	rddreg [dreg:$0x14];
	[sflag:s19] =	ssyncadd.s32 $0xFFFFE000  }
0x7c: {  	[spmem:s3] =	stream.indirect.scatter.add.f32 [tilespmem:s14], [sflag:$0x7], $0x80, s7, s12, $0xb8;
	[tilespmem:$0x1F800] =	vst v63  }
0x7d: {  	_ =	swait.ge [sflag:s20], $0x2000  }
0x7e: {  	[sflag:s20] =	ssyncset.done $0x0  }
0x7f: {  	s8 =	rddreg [dreg:$0x15];
	[sflag:s20] =	ssyncadd.s32 $0xFFFFE000  }
0x80: {  	[spmem:s3] =	stream.indirect.scatter.add.f32 [tilespmem:s15], [sflag:$0x8], $0x80, s8, s12, $0xb8;
	[tilespmem:$0x1F800] =	vst v63  }
0x81: {  	_ =	swait.ge [sflag:s21], $0x2000  }
0x82: {  	[sflag:s21] =	ssyncset.done $0x0  }
0x83: {  	s9 =	rddreg [dreg:$0x16];
	[sflag:s21] =	ssyncadd.s32 $0xFFFFE000  }
0x84: {  	[spmem:s3] =	stream.indirect.scatter.add.f32 [tilespmem:s16], [sflag:$0x9], $0x80, s9, s12, $0xb8;
	[tilespmem:$0x1F800] =	vst v63  }
0x85: {  	_ =	swait.ge [sflag:s22], $0x2000  }
0x86: {  	[sflag:s22] =	ssyncset.done $0x0  }
0x87: {  	s7 =	rddreg [dreg:$0x17];
	[sflag:s22] =	ssyncadd.s32 $0xFFFFE000  }
0x88: {  	[spmem:s3] =	stream.indirect.scatter.add.f32 [tilespmem:s17], [sflag:$0xA], $0x80, s7, s12, $0xb8;
	[tilespmem:$0x1F800] =	vst v63  }
0x89: {  	_ =	swait.ge [sflag:s23], $0x2000  }
0x8a: {  	[sflag:s23] =	ssyncset.done $0x0  }
0x8b: {  	[sflag:s23] =	ssyncadd.s32 $0xFFFFE000  }
0x8c: {  	_ =	swait.ge [sflag:s24], $0x2000  }
0x8d: {  	[sflag:s24] =	ssyncset.done $0x0  }
0x8e: {  	[sflag:s24] =	ssyncadd.s32 $0xFFFFE000  }
0x8f: {  	_ =	swait.ge [sflag:s25], $0x2000  }
0x90: {  	[sflag:s25] =	ssyncset.done $0x0  }
0x91: {  	[sflag:s25] =	ssyncadd.s32 $0xFFFFE000  }
0x92: {  	_ =	swait.ge [sflag:s26], $0x2000  }
0x93: {  	[sflag:s26] =	ssyncset.done $0x0  }
0x94: {  	[sflag:s26] =	ssyncadd.s32 $0xFFFFE000  }
0x95: {  	_ =	swait.ge [sflag:s28], $0x2000  }
0x96: {  	[sflag:s28] =	ssyncset.done $0x0  }
0x97: {  	s8 =	rddreg [dreg:$0x18];
	[sflag:s28] =	ssyncadd.s32 $0xFFFFE000  }
0x98: {  	[tilespmem:s13], [sflag:$0x1] =	stream.indirect.gather [hbm4b:s2+s12], $0x80, s8, s12, $0xb8;
	[tilespmem:$0x1F800] =	vst v63  }
0x99: {  	s9 =	rddreg [dreg:$0x19]  }
0x9a: {  	[tilespmem:s14], [sflag:$0x2] =	stream.indirect.gather [hbm4b:s2+s12], $0x80, s9, s12, $0xb8;
	[tilespmem:$0x1F800] =	vst v63  }
0x9b: {  	s7 =	rddreg [dreg:$0x1a]  }
0x9c: {  	[tilespmem:s15], [sflag:$0x3] =	stream.indirect.gather [hbm4b:s2+s12], $0x80, s7, s12, $0xb8;
	[tilespmem:$0x1F800] =	vst v63  }
0x9d: {  	s9 =	rddreg [dreg:$0x1b]  }
0x9e: {  	[tilespmem:s16], [sflag:$0x4] =	stream.indirect.gather [hbm4b:s2+s12], $0x80, s9, s12, $0xb8;
	[tilespmem:$0x1F800] =	vst v63  }
0x9f: {  	s7 =	rddreg [dreg:$0x1c]  }
0xa0: {  	[tilespmem:s17], [sflag:$0x5] =	stream.indirect.gather [hbm4b:s2+s12], $0x80, s7, s12, $0xb8;
	[tilespmem:$0x1F800] =	vst v63  }
0xa1: {  	_ =	swait.ge [sflag:s18], $0x2000  }
0xa2: {  	[sflag:s18] =	ssyncset.done $0x0  }
0xa3: {  	s9 =	rddreg [dreg:$0x1d];
	[sflag:s18] =	ssyncadd.s32 $0xFFFFE000  }
0xa4: {  	[spmem:s3] =	stream.indirect.scatter.add.f32 [tilespmem:s13], [sflag:$0x6], $0x80, s9, s12, $0xb8;
	[tilespmem:$0x1F800] =	vst v63  }
0xa5: {  	_ =	swait.ge [sflag:s19], $0x2000  }
0xa6: {  	[sflag:s19] =	ssyncset.done $0x0  }
0xa7: {  	s7 =	rddreg [dreg:$0x1e];
	[sflag:s19] =	ssyncadd.s32 $0xFFFFE000  }
0xa8: {  	[spmem:s3] =	stream.indirect.scatter.add.f32 [tilespmem:s14], [sflag:$0x7], $0x80, s7, s12, $0xb8;
	[tilespmem:$0x1F800] =	vst v63  }
0xa9: {  	_ =	swait.ge [sflag:s20], $0x2000  }
0xaa: {  	[sflag:s20] =	ssyncset.done $0x0  }
0xab: {  	s8 =	rddreg [dreg:$0x1f];
	[sflag:s20] =	ssyncadd.s32 $0xFFFFE000  }
0xac: {  	[spmem:s3] =	stream.indirect.scatter.add.f32 [tilespmem:s15], [sflag:$0x8], $0x80, s8, s12, $0xb8;
	[tilespmem:$0x1F800] =	vst v63  }
0xad: {  	_ =	swait.ge [sflag:s21], $0x2000  }
0xae: {  	s9 =	sld [smem:$0x7F6]  }
0xaf: {  	[sflag:s21] =	ssyncset.done $0x0  }
0xb0: {  	[sflag:s21] =	ssyncadd.s32 $0xFFFFE000  }
0xb1: {  	[spmem:s3] =	stream.indirect.scatter.add.f32 [tilespmem:s16], [sflag:$0x9], $0x80, s9, s12, $0xb8;
	[tilespmem:$0x1F800] =	vst v63  }
0xb2: {  	_ =	swait.ge [sflag:s22], $0x2000  }
0xb3: {  	s7 =	sld [smem:$0x7F7]  }
0xb4: {  	[sflag:s22] =	ssyncset.done $0x0  }
0xb5: {  	[sflag:s22] =	ssyncadd.s32 $0xFFFFE000  }
0xb6: {  	[spmem:s3] =	stream.indirect.scatter.add.f32 [tilespmem:s17], [sflag:$0xA], $0x80, s7, s12, $0xb8;
	[tilespmem:$0x1F800] =	vst v63  }
0xb7: {  	_ =	swait.ge [sflag:s23], $0x2000  }
0xb8: {  	[sflag:s23] =	ssyncset.done $0x0  }
0xb9: {  	[sflag:s23] =	ssyncadd.s32 $0xFFFFE000  }
0xba: {  	_ =	swait.ge [sflag:s24], $0x2000  }
0xbb: {  	[sflag:s24] =	ssyncset.done $0x0  }
0xbc: {  	[sflag:s24] =	ssyncadd.s32 $0xFFFFE000  }
0xbd: {  	_ =	swait.ge [sflag:s25], $0x2000  }
0xbe: {  	[sflag:s25] =	ssyncset.done $0x0  }
0xbf: {  	[sflag:s25] =	ssyncadd.s32 $0xFFFFE000  }
0xc0: {  	_ =	swait.ge [sflag:s26], $0x2000  }
0xc1: {  	[sflag:s26] =	ssyncset.done $0x0  }
0xc2: {  	[sflag:s26] =	ssyncadd.s32 $0xFFFFE000  }
0xc3: {  	_ =	swait.ge [sflag:s28], $0x2000  }
0xc4: {  	s8 =	sld [smem:$0x7F8]  }
0xc5: {  	[sflag:s28] =	ssyncset.done $0x0  }
0xc6: {  	s9 =	sld [smem:$0x7F9];
	[sflag:s28] =	ssyncadd.s32 $0xFFFFE000  }
0xc7: {  	[tilespmem:s13], [sflag:$0x1] =	stream.indirect.gather [hbm4b:s2+s12], $0x80, s8, s12, $0xb8;
	[tilespmem:$0x1F800] =	vst v63  }
0xc8: {  	s7 =	sld [smem:$0x7FA]  }
0xc9: {  	[tilespmem:s14], [sflag:$0x2] =	stream.indirect.gather [hbm4b:s2+s12], $0x80, s9, s12, $0xb8;
	[tilespmem:$0x1F800] =	vst v63  }
0xca: {  	s9 =	sld [smem:$0x7FB]  }
0xcb: {  	[tilespmem:s15], [sflag:$0x3] =	stream.indirect.gather [hbm4b:s2+s12], $0x80, s7, s12, $0xb8;
	[tilespmem:$0x1F800] =	vst v63  }
0xcc: {  	_ = 	snop  }
0xcd: {  	[tilespmem:s16], [sflag:$0x4] =	stream.indirect.gather [hbm4b:s2+s12], $0x80, s9, s12, $0xb8;
	[tilespmem:$0x1F800] =	vst v63  }
0xce: {  	_ = 	snop  }
0xcf: {  	[tilespmem:s17], [sflag:$0x5] =	stream.indirect.gather [hbm4b:s2+s12], $0x80, s29, s12, $0xb8;
	[tilespmem:$0x1F800] =	vst v63  }
0xd0: {  	_ =	swait.ge [sflag:s18], $0x2000  }
0xd1: {  	[sflag:s18] =	ssyncset.done $0x0  }
0xd2: {  	[sflag:s18] =	ssyncadd.s32 $0xFFFFE000  }
0xd3: {  	[spmem:s3] =	stream.indirect.scatter.add.f32 [tilespmem:s13], [sflag:$0x6], $0x80, s30, s12, $0xb8;
	[tilespmem:$0x1F800] =	vst v63  }
0xd4: {  	_ =	swait.ge [sflag:s19], $0x2000  }
0xd5: {  	[sflag:s19] =	ssyncset.done $0x0  }
0xd6: {  	[sflag:s19] =	ssyncadd.s32 $0xFFFFE000  }
0xd7: {  	[spmem:s3] =	stream.indirect.scatter.add.f32 [tilespmem:s14], [sflag:$0x7], $0x80, s31, s12, $0xb8;
	[tilespmem:$0x1F800] =	vst v63  }
0xd8: {  	_ =	swait.ge [sflag:s20], $0x2000  }
0xd9: {  	[sflag:s20] =	ssyncset.done $0x0  }
0xda: {  	[sflag:s20] =	ssyncadd.s32 $0xFFFFE000  }
0xdb: {  	[spmem:s3] =	stream.indirect.scatter.add.f32 [tilespmem:s15], [sflag:$0x8], $0x80, s1, s12, $0xb8;
	[tilespmem:$0x1F800] =	vst v63  }
0xdc: {  	_ =	swait.ge [sflag:s21], $0x2000  }
0xdd: {  	[sflag:s21] =	ssyncset.done $0x0  }
0xde: {  	[sflag:s21] =	ssyncadd.s32 $0xFFFFE000  }
0xdf: {  	[spmem:s3] =	stream.indirect.scatter.add.f32 [tilespmem:s16], [sflag:$0x9], $0x80, s0, s12, $0xb8;
	[tilespmem:$0x1F800] =	vst v63  }
0xe0: {  	_ =	swait.ge [sflag:s22], $0x2000  }
0xe1: {  	[sflag:s22] =	ssyncset.done $0x0  }
0xe2: {  	[sflag:s22] =	ssyncadd.s32 $0xFFFFE000  }
0xe3: {  	[spmem:s3] =	stream.indirect.scatter.add.f32 [tilespmem:s17], [sflag:$0xA], $0x80, s5, s12, $0xb8;
	[tilespmem:$0x1F800] =	vst v63  }
0xe4: {  	_ =	swait.ge [sflag:s23], $0x2000  }
0xe5: {  	[sflag:s23] =	ssyncset.done $0x0  }
0xe6: {  	[sflag:s23] =	ssyncadd.s32 $0xFFFFE000  }
0xe7: {  	_ =	swait.ge [sflag:s24], $0x2000  }
0xe8: {  	[sflag:s24] =	ssyncset.done $0x0  }
0xe9: {  	[sflag:s24] =	ssyncadd.s32 $0xFFFFE000  }
0xea: {  	_ =	swait.ge [sflag:s25], $0x2000  }
0xeb: {  	[sflag:s25] =	ssyncset.done $0x0  }
0xec: {  	[sflag:s25] =	ssyncadd.s32 $0xFFFFE000  }
0xed: {  	_ =	swait.ge [sflag:s26], $0x2000  }
0xee: {  	[sflag:s26] =	ssyncset.done $0x0  }
0xef: {  	[sflag:s26] =	ssyncadd.s32 $0xFFFFE000  }
0xf0: {  	s6 =	simm.s32 $0x300;
	_ =	swait.ge [sflag:s28], $0x2000  }
0xf1: {  	s8 =	simm.s32 $0x180;
	s9 =	rddreg [dreg:$0x5];
	[sflag:s28] =	ssyncset.done $0x0  }
.LBB2_2:
0xf2: {  	[sflag:s28] =	ssyncadd.s32 $0xFFFFE000;
	s9 =	sadd.s32 s8, s9  }
0xf3: {  	[tilespmem:s4], [sflag:$0xB] =	stream.linear.gather [hbm4b:s9+s4], $0xA00, $0x38;
	[tilespmem:$0x1F800] =	vst v63  }
0xf4: {  	_ =	swait.ge [sflag:s10], $0xA00  }
0xf5: {  	s9 =	rddreg [dreg:$0x4];
	[sflag:s10] =	ssyncset.done $0x0  }
0xf6: {  	[sflag:s10] =	ssyncadd.s32 $0xFFFFF600;
	s9 =	sadd.s32 s8, s9  }
0xf7: {  	[tilespmem:s11], [sflag:$0xB] =	stream.linear.gather [hbm4b:s9+s4], $0xA00, $0x38;
	[tilespmem:$0x1F800] =	vst v63  }
0xf8: {  	_ =	swait.ge [sflag:s10], $0xA00  }
0xf9: {  	[sflag:s10] =	ssyncset.done $0x0  }
0xfa: {  	s7 =	smov.u32 s6;
	[sflag:s10] =	ssyncadd.s32 $0xFFFFF600  }
0xfb: {  	[tilespmem:s13], [sflag:$0x1] =	stream.indirect.gather [hbm4b:s2+s12], $0x80, s4, s12, $0xb8;
	[tilespmem:$0x1F800] =	vst v63  }
0xfc: {  	s8 =	smov.u32 s7;
	s7 =	rddreg [dreg:$0x6]  }
0xfd: {  	[tilespmem:s14], [sflag:$0x2] =	stream.indirect.gather [hbm4b:s2+s12], $0x80, s7, s12, $0xb8;
	[tilespmem:$0x1F800] =	vst v63  }
0xfe: {  	s9 =	rddreg [dreg:$0x7]  }
0xff: {  	[tilespmem:s15], [sflag:$0x3] =	stream.indirect.gather [hbm4b:s2+s12], $0x80, s9, s12, $0xb8;
	[tilespmem:$0x1F800] =	vst v63  }
0x100: {  	s7 =	rddreg [dreg:$0x8]  }
0x101: {  	[tilespmem:s16], [sflag:$0x4] =	stream.indirect.gather [hbm4b:s2+s12], $0x80, s7, s12, $0xb8;
	[tilespmem:$0x1F800] =	vst v63  }
0x102: {  	s9 =	rddreg [dreg:$0x9]  }
0x103: {  	[tilespmem:s17], [sflag:$0x5] =	stream.indirect.gather [hbm4b:s2+s12], $0x80, s9, s12, $0xb8;
	[tilespmem:$0x1F800] =	vst v63  }
0x104: {  	_ =	swait.ge [sflag:s18], $0x2000  }
0x105: {  	[sflag:s18] =	ssyncset.done $0x0  }
0x106: {  	[sflag:s18] =	ssyncadd.s32 $0xFFFFE000  }
0x107: {  	[spmem:s3] =	stream.indirect.scatter.add.f32 [tilespmem:s13], [sflag:$0x6], $0x80, s11, s12, $0xb8;
	[tilespmem:$0x1F800] =	vst v63  }
0x108: {  	_ =	swait.ge [sflag:s19], $0x2000  }
0x109: {  	[sflag:s19] =	ssyncset.done $0x0  }
0x10a: {  	s9 =	rddreg [dreg:$0xa];
	[sflag:s19] =	ssyncadd.s32 $0xFFFFE000  }
0x10b: {  	[spmem:s3] =	stream.indirect.scatter.add.f32 [tilespmem:s14], [sflag:$0x7], $0x80, s9, s12, $0xb8;
	[tilespmem:$0x1F800] =	vst v63  }
0x10c: {  	_ =	swait.ge [sflag:s20], $0x2000  }
0x10d: {  	[sflag:s20] =	ssyncset.done $0x0  }
0x10e: {  	s9 =	rddreg [dreg:$0xb];
	[sflag:s20] =	ssyncadd.s32 $0xFFFFE000  }
0x10f: {  	[spmem:s3] =	stream.indirect.scatter.add.f32 [tilespmem:s15], [sflag:$0x8], $0x80, s9, s12, $0xb8;
	[tilespmem:$0x1F800] =	vst v63  }
0x110: {  	_ =	swait.ge [sflag:s21], $0x2000  }
0x111: {  	[sflag:s21] =	ssyncset.done $0x0  }
0x112: {  	s9 =	rddreg [dreg:$0xc];
	[sflag:s21] =	ssyncadd.s32 $0xFFFFE000  }
0x113: {  	[spmem:s3] =	stream.indirect.scatter.add.f32 [tilespmem:s16], [sflag:$0x9], $0x80, s9, s12, $0xb8;
	[tilespmem:$0x1F800] =	vst v63  }
0x114: {  	_ =	swait.ge [sflag:s22], $0x2000  }
0x115: {  	[sflag:s22] =	ssyncset.done $0x0  }
0x116: {  	s9 =	rddreg [dreg:$0xd];
	[sflag:s22] =	ssyncadd.s32 $0xFFFFE000  }
0x117: {  	[spmem:s3] =	stream.indirect.scatter.add.f32 [tilespmem:s17], [sflag:$0xA], $0x80, s9, s12, $0xb8;
	[tilespmem:$0x1F800] =	vst v63  }
0x118: {  	_ =	swait.ge [sflag:s23], $0x2000  }
0x119: {  	[sflag:s23] =	ssyncset.done $0x0  }
0x11a: {  	[sflag:s23] =	ssyncadd.s32 $0xFFFFE000  }
0x11b: {  	_ =	swait.ge [sflag:s24], $0x2000  }
0x11c: {  	[sflag:s24] =	ssyncset.done $0x0  }
0x11d: {  	[sflag:s24] =	ssyncadd.s32 $0xFFFFE000  }
0x11e: {  	_ =	swait.ge [sflag:s25], $0x2000  }
0x11f: {  	[sflag:s25] =	ssyncset.done $0x0  }
0x120: {  	[sflag:s25] =	ssyncadd.s32 $0xFFFFE000  }
0x121: {  	_ =	swait.ge [sflag:s26], $0x2000  }
0x122: {  	[sflag:s26] =	ssyncset.done $0x0  }
0x123: {  	[sflag:s26] =	ssyncadd.s32 $0xFFFFE000  }
0x124: {  	_ =	swait.ge [sflag:s28], $0x2000  }
0x125: {  	[sflag:s28] =	ssyncset.done $0x0  }
0x126: {  	s7 =	rddreg [dreg:$0xe];
	[sflag:s28] =	ssyncadd.s32 $0xFFFFE000  }
0x127: {  	[tilespmem:s13], [sflag:$0x1] =	stream.indirect.gather [hbm4b:s2+s12], $0x80, s7, s12, $0xb8;
	[tilespmem:$0x1F800] =	vst v63  }
0x128: {  	s9 =	rddreg [dreg:$0xf]  }
0x129: {  	[tilespmem:s14], [sflag:$0x2] =	stream.indirect.gather [hbm4b:s2+s12], $0x80, s9, s12, $0xb8;
	[tilespmem:$0x1F800] =	vst v63  }
0x12a: {  	s7 =	rddreg [dreg:$0x10]  }
0x12b: {  	[tilespmem:s15], [sflag:$0x3] =	stream.indirect.gather [hbm4b:s2+s12], $0x80, s7, s12, $0xb8;
	[tilespmem:$0x1F800] =	vst v63  }
0x12c: {  	s9 =	rddreg [dreg:$0x11]  }
0x12d: {  	[tilespmem:s16], [sflag:$0x4] =	stream.indirect.gather [hbm4b:s2+s12], $0x80, s9, s12, $0xb8;
	[tilespmem:$0x1F800] =	vst v63  }
0x12e: {  	s7 =	rddreg [dreg:$0x12]  }
0x12f: {  	[tilespmem:s17], [sflag:$0x5] =	stream.indirect.gather [hbm4b:s2+s12], $0x80, s7, s12, $0xb8;
	[tilespmem:$0x1F800] =	vst v63  }
0x130: {  	_ =	swait.ge [sflag:s18], $0x2000  }
0x131: {  	[sflag:s18] =	ssyncset.done $0x0  }
0x132: {  	s9 =	rddreg [dreg:$0x13];
	[sflag:s18] =	ssyncadd.s32 $0xFFFFE000  }
0x133: {  	[spmem:s3] =	stream.indirect.scatter.add.f32 [tilespmem:s13], [sflag:$0x6], $0x80, s9, s12, $0xb8;
	[tilespmem:$0x1F800] =	vst v63  }
0x134: {  	_ =	swait.ge [sflag:s19], $0x2000  }
0x135: {  	[sflag:s19] =	ssyncset.done $0x0  }
0x136: {  	s9 =	rddreg [dreg:$0x14];
	[sflag:s19] =	ssyncadd.s32 $0xFFFFE000  }
0x137: {  	[spmem:s3] =	stream.indirect.scatter.add.f32 [tilespmem:s14], [sflag:$0x7], $0x80, s9, s12, $0xb8;
	[tilespmem:$0x1F800] =	vst v63  }
0x138: {  	_ =	swait.ge [sflag:s20], $0x2000  }
0x139: {  	[sflag:s20] =	ssyncset.done $0x0  }
0x13a: {  	s9 =	rddreg [dreg:$0x15];
	[sflag:s20] =	ssyncadd.s32 $0xFFFFE000  }
0x13b: {  	[spmem:s3] =	stream.indirect.scatter.add.f32 [tilespmem:s15], [sflag:$0x8], $0x80, s9, s12, $0xb8;
	[tilespmem:$0x1F800] =	vst v63  }
0x13c: {  	_ =	swait.ge [sflag:s21], $0x2000  }
0x13d: {  	[sflag:s21] =	ssyncset.done $0x0  }
0x13e: {  	s9 =	rddreg [dreg:$0x16];
	[sflag:s21] =	ssyncadd.s32 $0xFFFFE000  }
0x13f: {  	[spmem:s3] =	stream.indirect.scatter.add.f32 [tilespmem:s16], [sflag:$0x9], $0x80, s9, s12, $0xb8;
	[tilespmem:$0x1F800] =	vst v63  }
0x140: {  	_ =	swait.ge [sflag:s22], $0x2000  }
0x141: {  	[sflag:s22] =	ssyncset.done $0x0  }
0x142: {  	s9 =	rddreg [dreg:$0x17];
	[sflag:s22] =	ssyncadd.s32 $0xFFFFE000  }
0x143: {  	[spmem:s3] =	stream.indirect.scatter.add.f32 [tilespmem:s17], [sflag:$0xA], $0x80, s9, s12, $0xb8;
	[tilespmem:$0x1F800] =	vst v63  }
0x144: {  	_ =	swait.ge [sflag:s23], $0x2000  }
0x145: {  	[sflag:s23] =	ssyncset.done $0x0  }
0x146: {  	[sflag:s23] =	ssyncadd.s32 $0xFFFFE000  }
0x147: {  	_ =	swait.ge [sflag:s24], $0x2000  }
0x148: {  	[sflag:s24] =	ssyncset.done $0x0  }
0x149: {  	[sflag:s24] =	ssyncadd.s32 $0xFFFFE000  }
0x14a: {  	_ =	swait.ge [sflag:s25], $0x2000  }
0x14b: {  	[sflag:s25] =	ssyncset.done $0x0  }
0x14c: {  	[sflag:s25] =	ssyncadd.s32 $0xFFFFE000  }
0x14d: {  	_ =	swait.ge [sflag:s26], $0x2000  }
0x14e: {  	[sflag:s26] =	ssyncset.done $0x0  }
0x14f: {  	[sflag:s26] =	ssyncadd.s32 $0xFFFFE000  }
0x150: {  	_ =	swait.ge [sflag:s28], $0x2000  }
0x151: {  	[sflag:s28] =	ssyncset.done $0x0  }
0x152: {  	s7 =	rddreg [dreg:$0x18];
	[sflag:s28] =	ssyncadd.s32 $0xFFFFE000  }
0x153: {  	[tilespmem:s13], [sflag:$0x1] =	stream.indirect.gather [hbm4b:s2+s12], $0x80, s7, s12, $0xb8;
	[tilespmem:$0x1F800] =	vst v63  }
0x154: {  	s9 =	rddreg [dreg:$0x19]  }
0x155: {  	[tilespmem:s14], [sflag:$0x2] =	stream.indirect.gather [hbm4b:s2+s12], $0x80, s9, s12, $0xb8;
	[tilespmem:$0x1F800] =	vst v63  }
0x156: {  	s7 =	rddreg [dreg:$0x1a]  }
0x157: {  	[tilespmem:s15], [sflag:$0x3] =	stream.indirect.gather [hbm4b:s2+s12], $0x80, s7, s12, $0xb8;
	[tilespmem:$0x1F800] =	vst v63  }
0x158: {  	s9 =	rddreg [dreg:$0x1b]  }
0x159: {  	[tilespmem:s16], [sflag:$0x4] =	stream.indirect.gather [hbm4b:s2+s12], $0x80, s9, s12, $0xb8;
	[tilespmem:$0x1F800] =	vst v63  }
0x15a: {  	s7 =	rddreg [dreg:$0x1c]  }
0x15b: {  	[tilespmem:s17], [sflag:$0x5] =	stream.indirect.gather [hbm4b:s2+s12], $0x80, s7, s12, $0xb8;
	[tilespmem:$0x1F800] =	vst v63  }
0x15c: {  	_ =	swait.ge [sflag:s18], $0x2000  }
0x15d: {  	[sflag:s18] =	ssyncset.done $0x0  }
0x15e: {  	s9 =	rddreg [dreg:$0x1d];
	[sflag:s18] =	ssyncadd.s32 $0xFFFFE000  }
0x15f: {  	[spmem:s3] =	stream.indirect.scatter.add.f32 [tilespmem:s13], [sflag:$0x6], $0x80, s9, s12, $0xb8;
	[tilespmem:$0x1F800] =	vst v63  }
0x160: {  	_ =	swait.ge [sflag:s19], $0x2000  }
0x161: {  	[sflag:s19] =	ssyncset.done $0x0  }
0x162: {  	s9 =	rddreg [dreg:$0x1e];
	[sflag:s19] =	ssyncadd.s32 $0xFFFFE000  }
0x163: {  	[spmem:s3] =	stream.indirect.scatter.add.f32 [tilespmem:s14], [sflag:$0x7], $0x80, s9, s12, $0xb8;
	[tilespmem:$0x1F800] =	vst v63  }
0x164: {  	_ =	swait.ge [sflag:s20], $0x2000  }
0x165: {  	[sflag:s20] =	ssyncset.done $0x0  }
0x166: {  	s9 =	rddreg [dreg:$0x1f];
	[sflag:s20] =	ssyncadd.s32 $0xFFFFE000  }
0x167: {  	[spmem:s3] =	stream.indirect.scatter.add.f32 [tilespmem:s15], [sflag:$0x8], $0x80, s9, s12, $0xb8;
	[tilespmem:$0x1F800] =	vst v63  }
0x168: {  	_ =	swait.ge [sflag:s21], $0x2000  }
0x169: {  	s9 =	sld [smem:$0x7F6]  }
0x16a: {  	[sflag:s21] =	ssyncset.done $0x0  }
0x16b: {  	[sflag:s21] =	ssyncadd.s32 $0xFFFFE000  }
0x16c: {  	[spmem:s3] =	stream.indirect.scatter.add.f32 [tilespmem:s16], [sflag:$0x9], $0x80, s9, s12, $0xb8;
	[tilespmem:$0x1F800] =	vst v63  }
0x16d: {  	_ =	swait.ge [sflag:s22], $0x2000  }
0x16e: {  	s9 =	sld [smem:$0x7F7]  }
0x16f: {  	[sflag:s22] =	ssyncset.done $0x0  }
0x170: {  	[sflag:s22] =	ssyncadd.s32 $0xFFFFE000  }
0x171: {  	[spmem:s3] =	stream.indirect.scatter.add.f32 [tilespmem:s17], [sflag:$0xA], $0x80, s9, s12, $0xb8;
	[tilespmem:$0x1F800] =	vst v63  }
0x172: {  	_ =	swait.ge [sflag:s23], $0x2000  }
0x173: {  	[sflag:s23] =	ssyncset.done $0x0  }
0x174: {  	[sflag:s23] =	ssyncadd.s32 $0xFFFFE000  }
0x175: {  	_ =	swait.ge [sflag:s24], $0x2000  }
0x176: {  	[sflag:s24] =	ssyncset.done $0x0  }
0x177: {  	[sflag:s24] =	ssyncadd.s32 $0xFFFFE000  }
0x178: {  	_ =	swait.ge [sflag:s25], $0x2000  }
0x179: {  	[sflag:s25] =	ssyncset.done $0x0  }
0x17a: {  	[sflag:s25] =	ssyncadd.s32 $0xFFFFE000  }
0x17b: {  	_ =	swait.ge [sflag:s26], $0x2000  }
0x17c: {  	[sflag:s26] =	ssyncset.done $0x0  }
0x17d: {  	[sflag:s26] =	ssyncadd.s32 $0xFFFFE000  }
0x17e: {  	_ =	swait.ge [sflag:s28], $0x2000  }
0x17f: {  	s7 =	sld [smem:$0x7F8]  }
0x180: {  	[sflag:s28] =	ssyncset.done $0x0  }
0x181: {  	s9 =	sld [smem:$0x7F9];
	[sflag:s28] =	ssyncadd.s32 $0xFFFFE000  }
0x182: {  	[tilespmem:s13], [sflag:$0x1] =	stream.indirect.gather [hbm4b:s2+s12], $0x80, s7, s12, $0xb8;
	[tilespmem:$0x1F800] =	vst v63  }
0x183: {  	s7 =	sld [smem:$0x7FA]  }
0x184: {  	[tilespmem:s14], [sflag:$0x2] =	stream.indirect.gather [hbm4b:s2+s12], $0x80, s9, s12, $0xb8;
	[tilespmem:$0x1F800] =	vst v63  }
0x185: {  	s9 =	sld [smem:$0x7FB]  }
0x186: {  	[tilespmem:s15], [sflag:$0x3] =	stream.indirect.gather [hbm4b:s2+s12], $0x80, s7, s12, $0xb8;
	[tilespmem:$0x1F800] =	vst v63  }
0x187: {  	_ = 	snop  }
0x188: {  	[tilespmem:s16], [sflag:$0x4] =	stream.indirect.gather [hbm4b:s2+s12], $0x80, s9, s12, $0xb8;
	[tilespmem:$0x1F800] =	vst v63  }
0x189: {  	_ = 	snop  }
0x18a: {  	[tilespmem:s17], [sflag:$0x5] =	stream.indirect.gather [hbm4b:s2+s12], $0x80, s29, s12, $0xb8;
	[tilespmem:$0x1F800] =	vst v63  }
0x18b: {  	_ =	swait.ge [sflag:s18], $0x2000  }
0x18c: {  	[sflag:s18] =	ssyncset.done $0x0  }
0x18d: {  	[sflag:s18] =	ssyncadd.s32 $0xFFFFE000  }
0x18e: {  	[spmem:s3] =	stream.indirect.scatter.add.f32 [tilespmem:s13], [sflag:$0x6], $0x80, s30, s12, $0xb8;
	[tilespmem:$0x1F800] =	vst v63  }
0x18f: {  	_ =	swait.ge [sflag:s19], $0x2000  }
0x190: {  	[sflag:s19] =	ssyncset.done $0x0  }
0x191: {  	[sflag:s19] =	ssyncadd.s32 $0xFFFFE000  }
0x192: {  	[spmem:s3] =	stream.indirect.scatter.add.f32 [tilespmem:s14], [sflag:$0x7], $0x80, s31, s12, $0xb8;
	[tilespmem:$0x1F800] =	vst v63  }
0x193: {  	_ =	swait.ge [sflag:s20], $0x2000  }
0x194: {  	[sflag:s20] =	ssyncset.done $0x0  }
0x195: {  	[sflag:s20] =	ssyncadd.s32 $0xFFFFE000  }
0x196: {  	[spmem:s3] =	stream.indirect.scatter.add.f32 [tilespmem:s15], [sflag:$0x8], $0x80, s1, s12, $0xb8;
	[tilespmem:$0x1F800] =	vst v63  }
0x197: {  	_ =	swait.ge [sflag:s21], $0x2000  }
0x198: {  	[sflag:s21] =	ssyncset.done $0x0  }
0x199: {  	[sflag:s21] =	ssyncadd.s32 $0xFFFFE000  }
0x19a: {  	[spmem:s3] =	stream.indirect.scatter.add.f32 [tilespmem:s16], [sflag:$0x9], $0x80, s0, s12, $0xb8;
	[tilespmem:$0x1F800] =	vst v63  }
0x19b: {  	_ =	swait.ge [sflag:s22], $0x2000  }
0x19c: {  	[sflag:s22] =	ssyncset.done $0x0  }
0x19d: {  	[sflag:s22] =	ssyncadd.s32 $0xFFFFE000  }
0x19e: {  	[spmem:s3] =	stream.indirect.scatter.add.f32 [tilespmem:s17], [sflag:$0xA], $0x80, s5, s12, $0xb8;
	[tilespmem:$0x1F800] =	vst v63  }
0x19f: {  	_ =	swait.ge [sflag:s23], $0x2000  }
0x1a0: {  	[sflag:s23] =	ssyncset.done $0x0  }
0x1a1: {  	[sflag:s23] =	ssyncadd.s32 $0xFFFFE000  }
0x1a2: {  	_ =	swait.ge [sflag:s24], $0x2000  }
0x1a3: {  	[sflag:s24] =	ssyncset.done $0x0  }
0x1a4: {  	[sflag:s24] =	ssyncadd.s32 $0xFFFFE000  }
0x1a5: {  	_ =	swait.ge [sflag:s25], $0x2000  }
0x1a6: {  	[sflag:s25] =	ssyncset.done $0x0  }
0x1a7: {  	p0 =	sne.s32 s6, $0xA80;
	[sflag:s25] =	ssyncadd.s32 $0xFFFFE000  }
.Ltmp0:
0x1a8: {  	_ =	swait.ge [sflag:s26], $0x2000;
	(pc) =	sbr.rel @p0 .LBB2_2-.Ltmp0, $4  }
0x1a9: {  	[sflag:s26] =	ssyncset.done $0x0  }
0x1aa: {  	[sflag:s26] =	ssyncadd.s32 $0xFFFFE000  }
0x1ab: {  	_ =	swait.ge [sflag:s28], $0x2000  }
0x1ac: {  	s6 =	sadd.s32 $0x180, s6;
	s9 =	rddreg [dreg:$0x5];
	[sflag:s28] =	ssyncset.done $0x0  }
0x1ad: {  	[sflag:s28] =	ssyncadd.s32 $0xFFFFE000;
	s6 =	sadd.s32 s8, s9  }
0x1ae: {  	[tilespmem:s4], [sflag:$0xB] =	stream.linear.gather [hbm4b:s6+s4], $0xA00, $0x38;
	[tilespmem:$0x1F800] =	vst v63  }
0x1af: {  	_ =	swait.ge [sflag:s10], $0xA00  }
0x1b0: {  	s7 =	rddreg [dreg:$0x4];
	[sflag:s10] =	ssyncset.done $0x0  }
0x1b1: {  	[sflag:s10] =	ssyncadd.s32 $0xFFFFF600;
	s6 =	sadd.s32 s8, s7  }
0x1b2: {  	[tilespmem:s11], [sflag:$0xB] =	stream.linear.gather [hbm4b:s6+s4], $0xA00, $0x38;
	[tilespmem:$0x1F800] =	vst v63  }
0x1b3: {  	_ =	swait.ge [sflag:s10], $0xA00  }
0x1b4: {  	[sflag:s10] =	ssyncset.done $0x0  }
0x1b5: {  	[sflag:s10] =	ssyncadd.s32 $0xFFFFF600  }
0x1b6: {  	[tilespmem:s13], [sflag:$0x1] =	stream.indirect.gather [hbm4b:s2+s12], $0x80, s4, s12, $0xb8;
	[tilespmem:$0x1F800] =	vst v63  }
0x1b7: {  	s8 =	rddreg [dreg:$0x6]  }
0x1b8: {  	[tilespmem:s14], [sflag:$0x2] =	stream.indirect.gather [hbm4b:s2+s12], $0x80, s8, s12, $0xb8;
	[tilespmem:$0x1F800] =	vst v63  }
0x1b9: {  	s7 =	rddreg [dreg:$0x7]  }
0x1ba: {  	[tilespmem:s15], [sflag:$0x3] =	stream.indirect.gather [hbm4b:s2+s12], $0x80, s7, s12, $0xb8;
	[tilespmem:$0x1F800] =	vst v63  }
0x1bb: {  	s9 =	rddreg [dreg:$0x8]  }
0x1bc: {  	[tilespmem:s16], [sflag:$0x4] =	stream.indirect.gather [hbm4b:s2+s12], $0x80, s9, s12, $0xb8;
	[tilespmem:$0x1F800] =	vst v63  }
0x1bd: {  	s8 =	rddreg [dreg:$0x9]  }
0x1be: {  	[tilespmem:s17], [sflag:$0x5] =	stream.indirect.gather [hbm4b:s2+s12], $0x80, s8, s12, $0xb8;
	[tilespmem:$0x1F800] =	vst v63  }
0x1bf: {  	_ =	swait.ge [sflag:s18], $0x2000  }
0x1c0: {  	[sflag:s18] =	ssyncset.done $0x0  }
0x1c1: {  	[sflag:s18] =	ssyncadd.s32 $0xFFFFE000  }
0x1c2: {  	[spmem:s3] =	stream.indirect.scatter.add.f32 [tilespmem:s13], [sflag:$0x6], $0x80, s11, s12, $0xb8;
	[tilespmem:$0x1F800] =	vst v63  }
0x1c3: {  	_ =	swait.ge [sflag:s19], $0x2000  }
0x1c4: {  	[sflag:s19] =	ssyncset.done $0x0  }
0x1c5: {  	s9 =	rddreg [dreg:$0xa];
	[sflag:s19] =	ssyncadd.s32 $0xFFFFE000  }
0x1c6: {  	[spmem:s3] =	stream.indirect.scatter.add.f32 [tilespmem:s14], [sflag:$0x7], $0x80, s9, s12, $0xb8;
	[tilespmem:$0x1F800] =	vst v63  }
0x1c7: {  	_ =	swait.ge [sflag:s20], $0x2000  }
0x1c8: {  	[sflag:s20] =	ssyncset.done $0x0  }
0x1c9: {  	s7 =	rddreg [dreg:$0xb];
	[sflag:s20] =	ssyncadd.s32 $0xFFFFE000  }
0x1ca: {  	[spmem:s3] =	stream.indirect.scatter.add.f32 [tilespmem:s15], [sflag:$0x8], $0x80, s7, s12, $0xb8;
	[tilespmem:$0x1F800] =	vst v63  }
0x1cb: {  	_ =	swait.ge [sflag:s21], $0x2000  }
0x1cc: {  	[sflag:s21] =	ssyncset.done $0x0  }
0x1cd: {  	s8 =	rddreg [dreg:$0xc];
	[sflag:s21] =	ssyncadd.s32 $0xFFFFE000  }
0x1ce: {  	[spmem:s3] =	stream.indirect.scatter.add.f32 [tilespmem:s16], [sflag:$0x9], $0x80, s8, s12, $0xb8;
	[tilespmem:$0x1F800] =	vst v63  }
0x1cf: {  	_ =	swait.ge [sflag:s22], $0x2000  }
0x1d0: {  	[sflag:s22] =	ssyncset.done $0x0  }
0x1d1: {  	s9 =	rddreg [dreg:$0xd];
	[sflag:s22] =	ssyncadd.s32 $0xFFFFE000  }
0x1d2: {  	[spmem:s3] =	stream.indirect.scatter.add.f32 [tilespmem:s17], [sflag:$0xA], $0x80, s9, s12, $0xb8;
	[tilespmem:$0x1F800] =	vst v63  }
0x1d3: {  	_ =	swait.ge [sflag:s23], $0x2000  }
0x1d4: {  	[sflag:s23] =	ssyncset.done $0x0  }
0x1d5: {  	[sflag:s23] =	ssyncadd.s32 $0xFFFFE000  }
0x1d6: {  	_ =	swait.ge [sflag:s24], $0x2000  }
0x1d7: {  	[sflag:s24] =	ssyncset.done $0x0  }
0x1d8: {  	[sflag:s24] =	ssyncadd.s32 $0xFFFFE000  }
0x1d9: {  	_ =	swait.ge [sflag:s25], $0x2000  }
0x1da: {  	[sflag:s25] =	ssyncset.done $0x0  }
0x1db: {  	[sflag:s25] =	ssyncadd.s32 $0xFFFFE000  }
0x1dc: {  	_ =	swait.ge [sflag:s26], $0x2000  }
0x1dd: {  	[sflag:s26] =	ssyncset.done $0x0  }
0x1de: {  	[sflag:s26] =	ssyncadd.s32 $0xFFFFE000  }
0x1df: {  	_ =	swait.ge [sflag:s28], $0x2000  }
0x1e0: {  	[sflag:s28] =	ssyncset.done $0x0  }
0x1e1: {  	s7 =	rddreg [dreg:$0xe];
	[sflag:s28] =	ssyncadd.s32 $0xFFFFE000  }
0x1e2: {  	[tilespmem:s13], [sflag:$0x1] =	stream.indirect.gather [hbm4b:s2+s12], $0x80, s7, s12, $0xb8;
	[tilespmem:$0x1F800] =	vst v63  }
0x1e3: {  	s8 =	rddreg [dreg:$0xf]  }
0x1e4: {  	[tilespmem:s14], [sflag:$0x2] =	stream.indirect.gather [hbm4b:s2+s12], $0x80, s8, s12, $0xb8;
	[tilespmem:$0x1F800] =	vst v63  }
0x1e5: {  	s9 =	rddreg [dreg:$0x10]  }
0x1e6: {  	[tilespmem:s15], [sflag:$0x3] =	stream.indirect.gather [hbm4b:s2+s12], $0x80, s9, s12, $0xb8;
	[tilespmem:$0x1F800] =	vst v63  }
0x1e7: {  	s8 =	rddreg [dreg:$0x11]  }
0x1e8: {  	[tilespmem:s16], [sflag:$0x4] =	stream.indirect.gather [hbm4b:s2+s12], $0x80, s8, s12, $0xb8;
	[tilespmem:$0x1F800] =	vst v63  }
0x1e9: {  	s9 =	rddreg [dreg:$0x12]  }
0x1ea: {  	[tilespmem:s17], [sflag:$0x5] =	stream.indirect.gather [hbm4b:s2+s12], $0x80, s9, s12, $0xb8;
	[tilespmem:$0x1F800] =	vst v63  }
0x1eb: {  	_ =	swait.ge [sflag:s18], $0x2000  }
0x1ec: {  	[sflag:s18] =	ssyncset.done $0x0  }
0x1ed: {  	s8 =	rddreg [dreg:$0x13];
	[sflag:s18] =	ssyncadd.s32 $0xFFFFE000  }
0x1ee: {  	[spmem:s3] =	stream.indirect.scatter.add.f32 [tilespmem:s13], [sflag:$0x6], $0x80, s8, s12, $0xb8;
	[tilespmem:$0x1F800] =	vst v63  }
0x1ef: {  	_ =	swait.ge [sflag:s19], $0x2000  }
0x1f0: {  	[sflag:s19] =	ssyncset.done $0x0  }
0x1f1: {  	s9 =	rddreg [dreg:$0x14];
	[sflag:s19] =	ssyncadd.s32 $0xFFFFE000  }
0x1f2: {  	[spmem:s3] =	stream.indirect.scatter.add.f32 [tilespmem:s14], [sflag:$0x7], $0x80, s9, s12, $0xb8;
	[tilespmem:$0x1F800] =	vst v63  }
0x1f3: {  	_ =	swait.ge [sflag:s20], $0x2000  }
0x1f4: {  	[sflag:s20] =	ssyncset.done $0x0  }
0x1f5: {  	s7 =	rddreg [dreg:$0x15];
	[sflag:s20] =	ssyncadd.s32 $0xFFFFE000  }
0x1f6: {  	[spmem:s3] =	stream.indirect.scatter.add.f32 [tilespmem:s15], [sflag:$0x8], $0x80, s7, s12, $0xb8;
	[tilespmem:$0x1F800] =	vst v63  }
0x1f7: {  	_ =	swait.ge [sflag:s21], $0x2000  }
0x1f8: {  	[sflag:s21] =	ssyncset.done $0x0  }
0x1f9: {  	s8 =	rddreg [dreg:$0x16];
	[sflag:s21] =	ssyncadd.s32 $0xFFFFE000  }
0x1fa: {  	[spmem:s3] =	stream.indirect.scatter.add.f32 [tilespmem:s16], [sflag:$0x9], $0x80, s8, s12, $0xb8;
	[tilespmem:$0x1F800] =	vst v63  }
0x1fb: {  	_ =	swait.ge [sflag:s22], $0x2000  }
0x1fc: {  	[sflag:s22] =	ssyncset.done $0x0  }
0x1fd: {  	s9 =	rddreg [dreg:$0x17];
	[sflag:s22] =	ssyncadd.s32 $0xFFFFE000  }
0x1fe: {  	[spmem:s3] =	stream.indirect.scatter.add.f32 [tilespmem:s17], [sflag:$0xA], $0x80, s9, s12, $0xb8;
	[tilespmem:$0x1F800] =	vst v63  }
0x1ff: {  	_ =	swait.ge [sflag:s23], $0x2000  }
0x200: {  	[sflag:s23] =	ssyncset.done $0x0  }
0x201: {  	[sflag:s23] =	ssyncadd.s32 $0xFFFFE000  }
0x202: {  	_ =	swait.ge [sflag:s24], $0x2000  }
0x203: {  	[sflag:s24] =	ssyncset.done $0x0  }
0x204: {  	[sflag:s24] =	ssyncadd.s32 $0xFFFFE000  }
0x205: {  	_ =	swait.ge [sflag:s25], $0x2000  }
0x206: {  	[sflag:s25] =	ssyncset.done $0x0  }
0x207: {  	[sflag:s25] =	ssyncadd.s32 $0xFFFFE000  }
0x208: {  	_ =	swait.ge [sflag:s26], $0x2000  }
0x209: {  	[sflag:s26] =	ssyncset.done $0x0  }
0x20a: {  	[sflag:s26] =	ssyncadd.s32 $0xFFFFE000  }
0x20b: {  	_ =	swait.ge [sflag:s28], $0x2000  }
0x20c: {  	[sflag:s28] =	ssyncset.done $0x0  }
0x20d: {  	s7 =	rddreg [dreg:$0x18];
	[sflag:s28] =	ssyncadd.s32 $0xFFFFE000  }
0x20e: {  	[tilespmem:s13], [sflag:$0x1] =	stream.indirect.gather [hbm4b:s2+s12], $0x80, s7, s12, $0xb8;
	[tilespmem:$0x1F800] =	vst v63  }
0x20f: {  	s8 =	rddreg [dreg:$0x19]  }
0x210: {  	[tilespmem:s14], [sflag:$0x2] =	stream.indirect.gather [hbm4b:s2+s12], $0x80, s8, s12, $0xb8;
	[tilespmem:$0x1F800] =	vst v63  }
0x211: {  	s9 =	rddreg [dreg:$0x1a]  }
0x212: {  	[tilespmem:s15], [sflag:$0x3] =	stream.indirect.gather [hbm4b:s2+s12], $0x80, s9, s12, $0xb8;
	[tilespmem:$0x1F800] =	vst v63  }
0x213: {  	s8 =	rddreg [dreg:$0x1b]  }
0x214: {  	[tilespmem:s16], [sflag:$0x4] =	stream.indirect.gather [hbm4b:s2+s12], $0x80, s8, s12, $0xb8;
	[tilespmem:$0x1F800] =	vst v63  }
0x215: {  	s9 =	rddreg [dreg:$0x1c]  }
0x216: {  	[tilespmem:s17], [sflag:$0x5] =	stream.indirect.gather [hbm4b:s2+s12], $0x80, s9, s12, $0xb8;
	[tilespmem:$0x1F800] =	vst v63  }
0x217: {  	_ =	swait.ge [sflag:s18], $0x2000  }
0x218: {  	[sflag:s18] =	ssyncset.done $0x0  }
0x219: {  	s8 =	rddreg [dreg:$0x1d];
	[sflag:s18] =	ssyncadd.s32 $0xFFFFE000  }
0x21a: {  	[spmem:s3] =	stream.indirect.scatter.add.f32 [tilespmem:s13], [sflag:$0x6], $0x80, s8, s12, $0xb8;
	[tilespmem:$0x1F800] =	vst v63  }
0x21b: {  	_ =	swait.ge [sflag:s19], $0x2000  }
0x21c: {  	[sflag:s19] =	ssyncset.done $0x0  }
0x21d: {  	s9 =	rddreg [dreg:$0x1e];
	[sflag:s19] =	ssyncadd.s32 $0xFFFFE000  }
0x21e: {  	[spmem:s3] =	stream.indirect.scatter.add.f32 [tilespmem:s14], [sflag:$0x7], $0x80, s9, s12, $0xb8;
	[tilespmem:$0x1F800] =	vst v63  }
0x21f: {  	_ =	swait.ge [sflag:s20], $0x2000  }
0x220: {  	[sflag:s20] =	ssyncset.done $0x0  }
0x221: {  	s7 =	rddreg [dreg:$0x1f];
	[sflag:s20] =	ssyncadd.s32 $0xFFFFE000  }
0x222: {  	[spmem:s3] =	stream.indirect.scatter.add.f32 [tilespmem:s15], [sflag:$0x8], $0x80, s7, s12, $0xb8;
	[tilespmem:$0x1F800] =	vst v63  }
0x223: {  	_ =	swait.ge [sflag:s21], $0x2000  }
0x224: {  	s8 =	sld [smem:$0x7F6]  }
0x225: {  	[sflag:s21] =	ssyncset.done $0x0  }
0x226: {  	[sflag:s21] =	ssyncadd.s32 $0xFFFFE000  }
0x227: {  	[spmem:s3] =	stream.indirect.scatter.add.f32 [tilespmem:s16], [sflag:$0x9], $0x80, s8, s12, $0xb8;
	[tilespmem:$0x1F800] =	vst v63  }
0x228: {  	_ =	swait.ge [sflag:s22], $0x2000  }
0x229: {  	s9 =	sld [smem:$0x7F7]  }
0x22a: {  	[sflag:s22] =	ssyncset.done $0x0  }
0x22b: {  	[sflag:s22] =	ssyncadd.s32 $0xFFFFE000  }
0x22c: {  	[spmem:s3] =	stream.indirect.scatter.add.f32 [tilespmem:s17], [sflag:$0xA], $0x80, s9, s12, $0xb8;
	[tilespmem:$0x1F800] =	vst v63  }
0x22d: {  	_ =	swait.ge [sflag:s23], $0x2000  }
0x22e: {  	[sflag:s23] =	ssyncset.done $0x0  }
0x22f: {  	[sflag:s23] =	ssyncadd.s32 $0xFFFFE000  }
0x230: {  	_ =	swait.ge [sflag:s24], $0x2000  }
0x231: {  	[sflag:s24] =	ssyncset.done $0x0  }
0x232: {  	[sflag:s24] =	ssyncadd.s32 $0xFFFFE000  }
0x233: {  	_ =	swait.ge [sflag:s25], $0x2000  }
0x234: {  	[sflag:s25] =	ssyncset.done $0x0  }
0x235: {  	[sflag:s25] =	ssyncadd.s32 $0xFFFFE000  }
0x236: {  	_ =	swait.ge [sflag:s26], $0x2000  }
0x237: {  	[sflag:s26] =	ssyncset.done $0x0  }
0x238: {  	[sflag:s26] =	ssyncadd.s32 $0xFFFFE000  }
0x239: {  	_ =	swait.ge [sflag:s28], $0x2000  }
0x23a: {  	s7 =	sld [smem:$0x7F8]  }
0x23b: {  	[sflag:s28] =	ssyncset.done $0x0  }
0x23c: {  	s8 =	sld [smem:$0x7F9];
	[sflag:s28] =	ssyncadd.s32 $0xFFFFE000  }
0x23d: {  	[tilespmem:s13], [sflag:$0x1] =	stream.indirect.gather [hbm4b:s2+s12], $0x80, s7, s12, $0xb8;
	[tilespmem:$0x1F800] =	vst v63  }
0x23e: {  	s9 =	sld [smem:$0x7FA]  }
0x23f: {  	[tilespmem:s14], [sflag:$0x2] =	stream.indirect.gather [hbm4b:s2+s12], $0x80, s8, s12, $0xb8;
	[tilespmem:$0x1F800] =	vst v63  }
0x240: {  	s8 =	sld [smem:$0x7FB]  }
0x241: {  	[tilespmem:s15], [sflag:$0x3] =	stream.indirect.gather [hbm4b:s2+s12], $0x80, s9, s12, $0xb8;
	[tilespmem:$0x1F800] =	vst v63  }
0x242: {  	_ = 	snop  }
0x243: {  	[tilespmem:s16], [sflag:$0x4] =	stream.indirect.gather [hbm4b:s2+s12], $0x80, s8, s12, $0xb8;
	[tilespmem:$0x1F800] =	vst v63  }
0x244: {  	_ = 	snop  }
0x245: {  	[tilespmem:s17], [sflag:$0x5] =	stream.indirect.gather [hbm4b:s2+s12], $0x80, s29, s12, $0xb8;
	[tilespmem:$0x1F800] =	vst v63  }
0x246: {  	_ =	swait.ge [sflag:s18], $0x2000  }
0x247: {  	[sflag:s18] =	ssyncset.done $0x0  }
0x248: {  	[sflag:s18] =	ssyncadd.s32 $0xFFFFE000  }
0x249: {  	[spmem:s3] =	stream.indirect.scatter.add.f32 [tilespmem:s13], [sflag:$0x6], $0x80, s30, s12, $0xb8;
	[tilespmem:$0x1F800] =	vst v63  }
0x24a: {  	_ =	swait.ge [sflag:s19], $0x2000  }
0x24b: {  	[sflag:s19] =	ssyncset.done $0x0  }
0x24c: {  	[sflag:s19] =	ssyncadd.s32 $0xFFFFE000  }
0x24d: {  	[spmem:s3] =	stream.indirect.scatter.add.f32 [tilespmem:s14], [sflag:$0x7], $0x80, s31, s12, $0xb8;
	[tilespmem:$0x1F800] =	vst v63  }
0x24e: {  	_ =	swait.ge [sflag:s20], $0x2000  }
0x24f: {  	[sflag:s20] =	ssyncset.done $0x0  }
0x250: {  	[sflag:s20] =	ssyncadd.s32 $0xFFFFE000  }
0x251: {  	[spmem:s3] =	stream.indirect.scatter.add.f32 [tilespmem:s15], [sflag:$0x8], $0x80, s1, s12, $0xb8;
	[tilespmem:$0x1F800] =	vst v63  }
0x252: {  	_ =	swait.ge [sflag:s21], $0x2000  }
0x253: {  	[sflag:s21] =	ssyncset.done $0x0  }
0x254: {  	[sflag:s21] =	ssyncadd.s32 $0xFFFFE000  }
0x255: {  	[spmem:s3] =	stream.indirect.scatter.add.f32 [tilespmem:s16], [sflag:$0x9], $0x80, s0, s12, $0xb8;
	[tilespmem:$0x1F800] =	vst v63  }
0x256: {  	_ =	swait.ge [sflag:s22], $0x2000  }
0x257: {  	[sflag:s22] =	ssyncset.done $0x0  }
0x258: {  	[sflag:s22] =	ssyncadd.s32 $0xFFFFE000  }
0x259: {  	[spmem:s3] =	stream.indirect.scatter.add.f32 [tilespmem:s17], [sflag:$0xA], $0x80, s5, s12, $0xb8;
	[tilespmem:$0x1F800] =	vst v63  }
0x25a: {  	_ =	swait.ge [sflag:s23], $0x2000  }
0x25b: {  	[sflag:s23] =	ssyncset.done $0x0  }
0x25c: {  	[sflag:s23] =	ssyncadd.s32 $0xFFFFE000  }
0x25d: {  	_ =	swait.ge [sflag:s24], $0x2000  }
0x25e: {  	[sflag:s24] =	ssyncset.done $0x0  }
0x25f: {  	[sflag:s24] =	ssyncadd.s32 $0xFFFFE000  }
0x260: {  	_ =	swait.ge [sflag:s25], $0x2000  }
0x261: {  	[sflag:s25] =	ssyncset.done $0x0  }
0x262: {  	[sflag:s25] =	ssyncadd.s32 $0xFFFFE000  }
0x263: {  	_ =	swait.ge [sflag:s26], $0x2000  }
0x264: {  	[sflag:s26] =	ssyncset.done $0x0  }
0x265: {  	[sflag:s26] =	ssyncadd.s32 $0xFFFFE000  }
0x266: {  	_ =	swait.ge [sflag:s28], $0x2000  }
0x267: {  	[sflag:s28] =	ssyncset.done $0x0  }
0x268: {  	[sflag:s28] =	ssyncadd.s32 $0xFFFFE000  }
0x269: {  	[bflag:$0x0] =	sbarrier.arrive $0xFFFF  }
0x26a: {  	s7 =	sld [smem:$0x7FC]  }
0x26b: {  	s9 =	sld [smem:$0x7F4]  }
0x26c: {  	s8 =	sld [smem:$0x7FD];
	_ =	sdelay $0x2  }
0x26d: {  	[hbm:s9], [sflag:s7] =	dma.local [spmem:s8], $0x2800  }
0x26e: {  	_ =	swait.ge [sflag:s10], $0x2800  }
0x26f: {  	s6 =	sld [smem:$0x7F2];
	_ =	sdelay $0x2  }
0x270: {  	s9 =	sadd.s32 $0x1, s6;
	s6 =	sld [smem:$0x7F5];
	_ =	sdelay $0x2  }
0x271: {  	p0 =	sne.s32 s9, s6  }
.Ltmp1:
0x272: {  	_ = 	snop;
	(pc) =	sbr.rel @p0 .LBB2_1-.Ltmp1, $3  }
0x273: {  	_ =	sdelay $0x1  }
0x274: {  	[sflag:s10] =	ssyncset.done $0x0  }
0x275: {  	[sflag:s10] =	ssyncadd.s32 $0xFFFFD800  }
0x276: {  	_ =	sfence.sel $0x180000  }
0x277: {  	[bflag:$0x0] =	sbarrier.arrive $0xFFFF  }
0x278: {  	_ =	strace $0x90000047  }
0x279: {  	s0 =	stileid.u32;
	[bflag:$0x2] =	sbarrier.arrive $0xFFFF  }
0x27a: {  	p0 =	sne.s32 s0, $0x0;
	s0 =	rddreg [dreg:$0x3]  }
0x27b: {  	s0 =	sadd.s32 @!p0 $0x100000, s0  }
0x27c: {  	[sflag:s0] =	ssyncadd.tile.s32 @!p0 $0x1;
	_ =	shalt  }
.Lfunc_end2:
_tile_overlayer_lowered:
.L_overlay_start_2:
0x27d: {  	(tag) =	ssettag $0x2  }
0x27e: {  	s0 =	rddreg [dreg:$0x0];
	s2 =	stileid.u32  }
0x27f: {  	s1 =	rddreg [dreg:$0x1];
	p0 =	sne.s32 s2, $0x0  }
0x280: {  	s3 =	rddreg [dreg:$0x2];
	[bflag:$0x3] =	sbarrier.arrive $0xFFFF;
	s2 =	simm.s32 @!p0 $0x1C0B  }
0x281: {  	[timem:s3], [sflag:s2] =	dma.local @!p0 [hbm:s0], s1  }
0x282: {  	s0 =	simm.s32 @!p0 $0xB  }
0x283: {  	_ =	swait.ge @!p0 [sflag:s0], s1  }
0x284: {  	s1 =	ssub.s32 @!p0 $0x0, s1;
	[sflag:s0] =	ssyncset.done @!p0 $0x0  }
0x285: {  	[sflag:s0] =	ssyncadd.s32 @!p0 s1  }
0x286: {  	[bflag:$0x3] =	sbarrier.arrive $0xFFFF  }
0x287: {  	_ =	shalt  }

</sc_bundles>
